<compile_context>
chip_gen: v7x
topology: tpu7x:2x2x1
jax: 0.10.2.dev20260603
libtpu: 0.0.44.dev20260713+nightly
codegen_flags: <defaults>
</compile_context>

<pallas_src>
import functools

import jax
import jax.numpy as jnp
from jax import lax
from jax.experimental import pallas as pl
from jax.experimental.pallas import tpu as pltpu
from jax.experimental.pallas import tpu_sc as plsc

N = 10000
D = 128
G = 128
OUT = 10
NC, NS = 2, 16
NW = NC * NS
K = 128
CPT0 = 80
CPT1 = 80
NCHUNK = NS * (CPT0 + CPT1)
NPAD = N + 128
RCH = 200
NRCH = N // RCH
IG = 16
BN = 1000


def _sc_aggregate(h, src2d, dst2d):
    mesh = plsc.VectorSubcoreMesh(
        core_axis_name="c", subcore_axis_name="s", num_cores=NC, num_subcores=NS
    )

    @functools.partial(
        pl.kernel,
        out_type=jax.ShapeDtypeStruct((NC, N, D), jnp.float32),
        mesh=mesh,
        scratch_types=[
            pltpu.MemorySpace.VMEM_SHARED((NPAD, D), jnp.float32),
            pltpu.VMEM((2, IG, K), jnp.int32),
            pltpu.VMEM((2, IG, K), jnp.int32),
            pltpu.VMEM((K, D), jnp.float32),
            pltpu.VMEM((K, D), jnp.float32),
            pltpu.SemaphoreType.DMA,
            pltpu.SemaphoreType.DMA,
            pltpu.SemaphoreType.DMA,
            pltpu.SemaphoreType.DMA,
            pltpu.SemaphoreType.DMA,
        ],
    )
    def agg_kernel(h_hbm, src_hbm, dst_hbm, out_hbm, acc, isrc, idst, gb0,
                   gb1, gsem0, gsem1, ssem0, ssem1, isem):
        c = lax.axis_index("c")
        s = lax.axis_index("s")

        def init_body(i, _):
            ch = s + i * NS

            @pl.when(ch < NRCH)
            def _():
                r = ch * RCH
                pltpu.sync_copy(h_hbm.at[pl.ds(r, RCH)], acc.at[pl.ds(r, RCH)])

            return 0

        lax.fori_loop(0, pl.cdiv(NRCH, NS), init_body, 0, unroll=False)
        plsc.subcore_barrier()

        def fire_g(slot, row, gb, gsem):
            pltpu.async_copy(h_hbm.at[isrc.at[slot, row]], gb, gsem)

        def wait_g(gb, gsem):
            pltpu.make_async_copy(h_hbm.at[isrc.at[0, 0]], gb, gsem).wait()

        def fire_s(slot, row, gb, ssem):
            pltpu.async_copy(gb, acc.at[idst.at[slot, row]], ssem, add=True)

        def wait_s(gb, ssem):
            pltpu.make_async_copy(gb, acc.at[idst.at[0, 0]], ssem).wait()

        def edge_pipeline(base, cpt):
            nig = cpt // IG
            half = IG // 2

            def load_idx(g, slot):
                pltpu.async_copy(
                    src_hbm.at[pl.ds(base + g * IG, IG)], isrc.at[slot], isem)
                pltpu.async_copy(
                    dst_hbm.at[pl.ds(base + g * IG, IG)], idst.at[slot], isem)

            def wait_idx():
                pltpu.make_async_copy(
                    src_hbm.at[pl.ds(0, IG)], isrc.at[0], isem).wait()
                pltpu.make_async_copy(
                    dst_hbm.at[pl.ds(0, IG)], idst.at[0], isem).wait()

            load_idx(0, 0)
            wait_idx()
            if nig > 1:
                load_idx(1, 1)
            fire_g(0, 0, gb0, gsem0)

            def edge_body(i, _):
                g = i // half
                slot = g % 2
                row0 = 2 * (i % half)

                wait_g(gb0, gsem0)
                fire_s(slot, row0, gb0, ssem0)

                @pl.when(i > 0)
                def _():
                    wait_s(gb1, ssem1)

                @pl.when((i % half == 0) & (i > 0) & (g < nig - 1))
                def _():
                    load_idx(g + 1, (g + 1) % 2)

                fire_g(slot, row0 + 1, gb1, gsem1)
                wait_g(gb1, gsem1)
                fire_s(slot, row0 + 1, gb1, ssem1)
                wait_s(gb0, ssem0)

                @pl.when(i % half == half - 1)
                def _():
                    @pl.when(i < cpt // 2 - 1)
                    def _():
                        wait_idx()
                        fire_g((g + 1) % 2, 0, gb0, gsem0)

                    @pl.when(i >= cpt // 2 - 1)
                    def _():
                        wait_s(gb1, ssem1)

                @pl.when((i % half != half - 1))
                def _():
                    fire_g(slot, row0 + 2, gb0, gsem0)

                return 0

            lax.fori_loop(0, cpt // 2, edge_body, 0, unroll=False)

        @pl.when(c == 0)
        def _():
            edge_pipeline(NS * CPT1 + s * CPT0, CPT0)

        @pl.when(c == 1)
        def _():
            edge_pipeline(s * CPT1, CPT1)

        plsc.subcore_barrier()

        def out_body(i, _):
            ch = s + i * NS

            @pl.when(ch < NRCH)
            def _():
                r = ch * RCH
                pltpu.sync_copy(acc.at[pl.ds(r, RCH)],
                                out_hbm.at[c, pl.ds(r, RCH)])

            return 0

        lax.fori_loop(0, pl.cdiv(NRCH, NS), out_body, 0, unroll=False)

    return agg_kernel(h, src2d, dst2d)


def _mlp(parts, h, Wa, ba, Wb, bb):

    def body(p_ref, h_ref, wa_ref, ba_ref, wb_ref, bb_ref, o_ref):
        z = p_ref[0] + p_ref[1] - h_ref[...]
        t = jnp.dot(z, wa_ref[...], preferred_element_type=jnp.float32)
        t = jnp.maximum(t + ba_ref[...], 0.0)
        t = jnp.dot(t, wb_ref[...], preferred_element_type=jnp.float32)
        o_ref[...] = jnp.maximum(t + bb_ref[...], 0.0)

    return pl.pallas_call(
        body,
        grid=(N // BN,),
        in_specs=[
            pl.BlockSpec((NC, BN, D), lambda i: (0, i, 0)),
            pl.BlockSpec((BN, D), lambda i: (i, 0)),
            pl.BlockSpec((D, D), lambda i: (0, 0)),
            pl.BlockSpec((1, D), lambda i: (0, 0)),
            pl.BlockSpec((D, D), lambda i: (0, 0)),
            pl.BlockSpec((1, D), lambda i: (0, 0)),
        ],
        out_specs=pl.BlockSpec((BN, D), lambda i: (i, 0)),
        out_shape=jax.ShapeDtypeStruct((N, D), jnp.float32),
    )(parts, h, Wa, ba.reshape(1, D), Wb, bb.reshape(1, D))


def _mlp_pool_head(parts, h, batch2d, Wa, ba, Wb, bb, W5, b5, W6, b6):
    nblk = N // BN

    def body(p_ref, h_ref, b_ref, wa_ref, ba_ref, wb_ref, bb_ref, w5_ref,
             b5_ref, w6_ref, b6_ref, o_ref, acc_ref):
        i = pl.program_id(0)
        z = p_ref[0] + p_ref[1] - h_ref[...]
        t = jnp.dot(z, wa_ref[...], preferred_element_type=jnp.float32)
        t = jnp.maximum(t + ba_ref[...], 0.0)
        t = jnp.dot(t, wb_ref[...], preferred_element_type=jnp.float32)
        h2 = jnp.maximum(t + bb_ref[...], 0.0)
        onehot = (b_ref[...] == lax.broadcasted_iota(jnp.int32, (1, G), 1))
        part = lax.dot_general(
            onehot.astype(jnp.float32), h2, (((0,), (0,)), ((), ())),
            preferred_element_type=jnp.float32)

        @pl.when(i == 0)
        def _():
            acc_ref[...] = part

        @pl.when(i > 0)
        def _():
            acc_ref[...] += part

        @pl.when(i == nblk - 1)
        def _():
            p = acc_ref[...]
            r = jnp.dot(p, w5_ref[...], preferred_element_type=jnp.float32)
            r = jnp.maximum(r + b5_ref[...], 0.0)
            o_ref[...] = (
                jnp.dot(r, w6_ref[...], preferred_element_type=jnp.float32)
                + b6_ref[...])

    return pl.pallas_call(
        body,
        grid=(nblk,),
        in_specs=[
            pl.BlockSpec((NC, BN, D), lambda i: (0, i, 0)),
            pl.BlockSpec((BN, D), lambda i: (i, 0)),
            pl.BlockSpec((BN, 1), lambda i: (i, 0)),
            pl.BlockSpec((D, D), lambda i: (0, 0)),
            pl.BlockSpec((1, D), lambda i: (0, 0)),
            pl.BlockSpec((D, D), lambda i: (0, 0)),
            pl.BlockSpec((1, D), lambda i: (0, 0)),
            pl.BlockSpec((D, D), lambda i: (0, 0)),
            pl.BlockSpec((1, D), lambda i: (0, 0)),
            pl.BlockSpec((D, OUT), lambda i: (0, 0)),
            pl.BlockSpec((1, OUT), lambda i: (0, 0)),
        ],
        out_specs=pl.BlockSpec((G, OUT), lambda i: (0, 0)),
        out_shape=jax.ShapeDtypeStruct((G, OUT), jnp.float32),
        scratch_shapes=[pltpu.VMEM((G, D), jnp.float32)],
    )(parts, h, batch2d, Wa, ba.reshape(1, D), Wb, bb.reshape(1, D),
      W5, b5.reshape(1, D), W6, b6.reshape(1, OUT))


def kernel(x, edge_index, batch, W1, b1, g1, be1, W2, b2, W3, b3, g2, be2,
           W4, b4, W5, b5, W6, b6):
    s1 = g1 / jnp.sqrt(1.0 + 1e-5)
    W1s = W1 * s1[None, :]
    b1s = b1 * s1 + be1
    s2 = g2 / jnp.sqrt(1.0 + 1e-5)
    W3s = W3 * s2[None, :]
    b3s = b3 * s2 + be2

    e = edge_index.shape[1]
    pad = NCHUNK * K - e
    src2d = jnp.concatenate(
        [edge_index[0], jnp.arange(pad, dtype=jnp.int32) % N]
    ).reshape(NCHUNK, K)
    dst2d = jnp.concatenate(
        [edge_index[1],
         N + (jnp.arange(pad, dtype=jnp.int32) % (NPAD - N))]
    ).reshape(NCHUNK, K)

    p1 = _sc_aggregate(x, src2d, dst2d)
    h1 = _mlp(p1, x, W1s, b1s, W2, b2)
    p2 = _sc_aggregate(h1, src2d, dst2d)
    return _mlp_pool_head(p2, h1, batch.reshape(N, 1), W3s, b3s, W4, b4,
                          W5, b5, W6, b6)

# --- scband reference (transcript-rebuilt; emitter-appended) ---
"""Pipeline reference for scband-gin-net-81243601371608 (READ-ONLY COPY).

The authoritative reference and input builder live on the scoring server;
editing this copy changes nothing except your own understanding.
"""

import jax, jax.numpy as jnp
import numpy as np

N = 10000
E = 320000
D = 128
DIM = 128
OUT = 10
G = 128

def _lin_init(k, fi, fo):
    bound = 1.0 / np.sqrt(fi)
    kw, kb = jax.random.split(k)
    W = jax.random.uniform(kw, (fi, fo), minval=-bound, maxval=bound, dtype=jnp.float32)
    b = jax.random.uniform(kb, (fo,), minval=-bound, maxval=bound, dtype=jnp.float32)
    return W, b

def setup_inputs(seed: int = 0):
    key = jax.random.key(seed)
    ks = jax.random.split(key, 12)
    inp = {}
    inp["x"] = jax.random.normal(ks[0], (N, D), dtype=jnp.float32)
    inp["edge_index"] = jax.random.randint(ks[1], (2, E), 0, N, dtype=jnp.int32)
    inp["batch"] = jnp.sort(jax.random.randint(ks[2], (N,), 0, G, dtype=jnp.int32))
    inp["W1"], inp["b1"] = _lin_init(ks[3], D, DIM)
    inp["g1"] = jnp.ones((DIM,), jnp.float32)
    inp["be1"] = jnp.zeros((DIM,), jnp.float32)
    inp["W2"], inp["b2"] = _lin_init(ks[4], DIM, DIM)
    inp["W3"], inp["b3"] = _lin_init(ks[5], DIM, DIM)
    inp["g2"] = jnp.ones((DIM,), jnp.float32)
    inp["be2"] = jnp.zeros((DIM,), jnp.float32)
    inp["W4"], inp["b4"] = _lin_init(ks[6], DIM, DIM)
    inp["W5"], inp["b5"] = _lin_init(ks[7], DIM, DIM)
    inp["W6"], inp["b6"] = _lin_init(ks[8], DIM, OUT)
    return inp

def _gin_conv(x, src, dst, W1, b1, g, be, W2, b2):
    # GINConv with eps=0: nn((1+eps)*x + sum_{j->i} x_j)
    agg = jnp.zeros_like(x).at[dst].add(x[src])
    h = x + agg
    h = h @ W1 + b1
    # BatchNorm1d in eval mode: running_mean=0, running_var=1
    h = h / jnp.sqrt(1.0 + 1e-5) * g + be
    h = jax.nn.relu(h)
    h = h @ W2 + b2
    h = jax.nn.relu(h)
    return h

def reference(x, edge_index, batch, W1, b1, g1, be1, W2, b2, W3, b3, g2, be2, W4, b4, W5, b5, W6, b6):
    src = edge_index[0]
    dst = edge_index[1]
    h = _gin_conv(x, src, dst, W1, b1, g1, be1, W2, b2)
    h = _gin_conv(h, src, dst, W3, b3, g2, be2, W4, b4)
    # global_add_pool over batch assignment
    h = jax.ops.segment_sum(h, batch, num_segments=G)
    h = jax.nn.relu(h @ W5 + b5)
    # dropout is identity in eval mode
    h = h @ W6 + b6
    return h

if __name__ == "__main__":
    import jax
    _d = setup_inputs()
    print(jax.jit(kernel)(*tuple(_d.values())))

</pallas_src>

<mosaic_0001>
#map = affine_map<(d0, d1) -> (0, 0)>
#map1 = affine_map<(d0, d1) -> (0, 0, 0)>
module attributes {stable_mosaic.version = 14 : i64} {
  func.func @agg_kernel(%arg0: i32, %arg1: i32, %arg2: memref<10000x128xf32, #tpu.memory_space<hbm>>, %arg3: memref<2560x128xi32, #tpu.memory_space<hbm>>, %arg4: memref<2560x128xi32, #tpu.memory_space<hbm>>, %arg5: memref<2x10000x128xf32, #tpu.memory_space<hbm>>, %arg6: memref<10128x128xf32, #tpu.memory_space<vmem_shared>>, %arg7: memref<2x16x128xi32, #tpu.memory_space<vmem>>, %arg8: memref<2x16x128xi32, #tpu.memory_space<vmem>>, %arg9: memref<128x128xf32, #tpu.memory_space<vmem>>, %arg10: memref<128x128xf32, #tpu.memory_space<vmem>>, %arg11: memref<!tpu.dma_semaphore, #tpu.memory_space<semaphore_mem>>, %arg12: memref<!tpu.dma_semaphore, #tpu.memory_space<semaphore_mem>>, %arg13: memref<!tpu.dma_semaphore, #tpu.memory_space<semaphore_mem>>, %arg14: memref<!tpu.dma_semaphore, #tpu.memory_space<semaphore_mem>>, %arg15: memref<!tpu.dma_semaphore, #tpu.memory_space<semaphore_mem>>) attributes {dimension_semantics = [#tpu.dimension_semantics<core_parallel>, #tpu.dimension_semantics<subcore_parallel>], iteration_bounds = array<i64: 2, 16>, scalar_prefetch = 0 : i64, scratch_operands = 10 : i64, tpu.core_type = #tpu.core_type<sc_vector_subcore>, window_params = [{transform_indices = #map}, {transform_indices = #map}, {transform_indices = #map}, {transform_indices = #map1}]} {
    %scan3A = arith.constant 0 : i32
    %scan3A_0 = arith.constant 0 : i32
    %scan3A_1 = arith.constant 4 : i32
    %scan3A_2 = arith.addi %scan3A_0, %scan3A_1 : i32
    %scan3A_3 = arith.constant 1 : i32
    %scan3A_4 = scf.for %scan3A_21 = %scan3A_0 to %scan3A_2 step %scan3A_3 iter_args(%scan3A_22 = %scan3A) -> (i32)  : i32 {
      %mul3A = arith.constant 16 : i32
      %mul3A_23 = arith.muli %scan3A_21, %mul3A : i32
      %add3A = arith.addi %arg1, %mul3A_23 : i32
      %lt3A = arith.constant 50 : i32
      %lt3A_24 = arith.cmpi slt, %add3A, %lt3A : i32
      %convert_element_type3A_25 = arith.extui %lt3A_24 : i1 to i32
      %cond3A_26 = arith.constant 0 : i32
      %cond3A_27 = arith.cmpi ne, %convert_element_type3A_25, %cond3A_26 : i32
      scf.if %cond3A_27 {
        %mul3A_29 = arith.constant 200 : i32
        %mul3A_30 = arith.muli %add3A, %mul3A_29 : i32
        "tpu.region"() ({
          %run_scoped3A = tpu.sem_alloc : memref<!tpu.dma_semaphore, #tpu.memory_space<semaphore_mem>>
          %dma_start3A = arith.constant 0 : i32
          %dma_start3A_31 = tpu.memref_slice %arg6[%mul3A_30, %dma_start3A] : memref<10128x128xf32, #tpu.memory_space<vmem_shared>> -> memref<200x128xf32, #tpu.memory_space<vmem_shared>>
          %dma_start3A_32 = arith.constant 0 : i32
          %dma_start3A_33 = tpu.memref_slice %arg2[%mul3A_30, %dma_start3A_32] : memref<10000x128xf32, #tpu.memory_space<hbm>> -> memref<200x128xf32, #tpu.memory_space<hbm>>
          tpu.enqueue_dma source(%dma_start3A_33 : memref<200x128xf32, #tpu.memory_space<hbm>>) target(%dma_start3A_31 : memref<200x128xf32, #tpu.memory_space<vmem_shared>>) target_semaphore(%run_scoped3A : memref<!tpu.dma_semaphore, #tpu.memory_space<semaphore_mem>>)
          %dma_wait3A = arith.constant 0 : i32
          %dma_wait3A_34 = tpu.memref_slice %arg6[%mul3A_30, %dma_wait3A] : memref<10128x128xf32, #tpu.memory_space<vmem_shared>> -> memref<200x128xf32, #tpu.memory_space<vmem_shared>>
          %dma_wait3A_35 = arith.constant 0 : i32
          %dma_wait3A_36 = tpu.memref_slice %arg2[%mul3A_30, %dma_wait3A_35] : memref<10000x128xf32, #tpu.memory_space<hbm>> -> memref<200x128xf32, #tpu.memory_space<hbm>>
          tpu.wait_dma2 semaphore(%run_scoped3A : memref<!tpu.dma_semaphore, #tpu.memory_space<semaphore_mem>>) src(%dma_wait3A_36 : memref<200x128xf32, #tpu.memory_space<hbm>>) dst(%dma_wait3A_34 : memref<200x128xf32, #tpu.memory_space<vmem_shared>>)
          tpu.yield
        }) : () -> ()
      } else {
      }
      %scan3A_28 = arith.constant 0 : i32
      scf.yield %scan3A_28 : i32
    }
    %scan3A_5 = arith.constant 4 : i32
    %barrier3A = arith.constant 0 : index
    tpu.barrier barrier_id(%barrier3A)
    %eq3A = arith.constant 0 : i32
    %eq3A_6 = arith.cmpi eq, %arg0, %eq3A : i32
    %convert_element_type3A = arith.extui %eq3A_6 : i1 to i32
    %cond3A = arith.constant 0 : i32
    %cond3A_7 = arith.cmpi ne, %convert_element_type3A, %cond3A : i32
    scf.if %cond3A_7 {
      %mul3A = arith.constant 80 : i32
      %mul3A_21 = arith.muli %arg1, %mul3A : i32
      %add3A = arith.constant 1280 : i32
      %add3A_22 = arith.addi %add3A, %mul3A_21 : i32
      %add3A_23 = arith.constant 0 : i32
      %add3A_24 = arith.addi %add3A_22, %add3A_23 : i32
      %dma_start3A = arith.constant 0 : i32
      %dma_start3A_25 = arith.constant 0 : i32
      %dma_start3A_26 = arith.constant 0 : i32
      %dma_start3A_27 = tpu.memref_slice %arg7[%dma_start3A, %dma_start3A_25, %dma_start3A_26] : memref<2x16x128xi32, #tpu.memory_space<vmem>> -> memref<1x16x128xi32, #tpu.memory_space<vmem>>
      %dma_start3A_28 = tpu.memref_squeeze %dma_start3A_27 : memref<1x16x128xi32, #tpu.memory_space<vmem>> -> memref<16x128xi32, #tpu.memory_space<vmem>>
      %dma_start3A_29 = arith.constant 0 : i32
      %dma_start3A_30 = tpu.memref_slice %arg3[%add3A_24, %dma_start3A_29] : memref<2560x128xi32, #tpu.memory_space<hbm>> -> memref<16x128xi32, #tpu.memory_space<hbm>>
      %dma_start3A_31 = arith.constant 0 : i32
      %dma_start3A_32 = arith.constant 0 : i32
      %dma_start3A_33 = tpu.memref_slice %arg7[%dma_start3A, %dma_start3A_31, %dma_start3A_32] : memref<2x16x128xi32, #tpu.memory_space<vmem>> -> memref<1x16x128xi32, #tpu.memory_space<vmem>>
      %dma_start3A_34 = tpu.memref_squeeze %dma_start3A_33 : memref<1x16x128xi32, #tpu.memory_space<vmem>> -> memref<16x128xi32, #tpu.memory_space<vmem>>
      %dma_start3A_35 = arith.constant 0 : i32
      %dma_start3A_36 = tpu.memref_slice %arg3[%add3A_24, %dma_start3A_35] : memref<2560x128xi32, #tpu.memory_space<hbm>> -> memref<16x128xi32, #tpu.memory_space<hbm>>
      tpu.enqueue_dma source(%dma_start3A_36 : memref<16x128xi32, #tpu.memory_space<hbm>>) target(%dma_start3A_34 : memref<16x128xi32, #tpu.memory_space<vmem>>) target_semaphore(%arg15 : memref<!tpu.dma_semaphore, #tpu.memory_space<semaphore_mem>>)
      %add3A_37 = arith.constant 0 : i32
      %add3A_38 = arith.addi %add3A_22, %add3A_37 : i32
      %dma_start3A_39 = arith.constant 0 : i32
      %dma_start3A_40 = arith.constant 0 : i32
      %dma_start3A_41 = arith.constant 0 : i32
      %dma_start3A_42 = tpu.memref_slice %arg8[%dma_start3A_39, %dma_start3A_40, %dma_start3A_41] : memref<2x16x128xi32, #tpu.memory_space<vmem>> -> memref<1x16x128xi32, #tpu.memory_space<vmem>>
      %dma_start3A_43 = tpu.memref_squeeze %dma_start3A_42 : memref<1x16x128xi32, #tpu.memory_space<vmem>> -> memref<16x128xi32, #tpu.memory_space<vmem>>
      %dma_start3A_44 = arith.constant 0 : i32
      %dma_start3A_45 = tpu.memref_slice %arg4[%add3A_38, %dma_start3A_44] : memref<2560x128xi32, #tpu.memory_space<hbm>> -> memref<16x128xi32, #tpu.memory_space<hbm>>
      %dma_start3A_46 = arith.constant 0 : i32
      %dma_start3A_47 = arith.constant 0 : i32
      %dma_start3A_48 = tpu.memref_slice %arg8[%dma_start3A_39, %dma_start3A_46, %dma_start3A_47] : memref<2x16x128xi32, #tpu.memory_space<vmem>> -> memref<1x16x128xi32, #tpu.memory_space<vmem>>
      %dma_start3A_49 = tpu.memref_squeeze %dma_start3A_48 : memref<1x16x128xi32, #tpu.memory_space<vmem>> -> memref<16x128xi32, #tpu.memory_space<vmem>>
      %dma_start3A_50 = arith.constant 0 : i32
      %dma_start3A_51 = tpu.memref_slice %arg4[%add3A_38, %dma_start3A_50] : memref<2560x128xi32, #tpu.memory_space<hbm>> -> memref<16x128xi32, #tpu.memory_space<hbm>>
      tpu.enqueue_dma source(%dma_start3A_51 : memref<16x128xi32, #tpu.memory_space<hbm>>) target(%dma_start3A_49 : memref<16x128xi32, #tpu.memory_space<vmem>>) target_semaphore(%arg15 : memref<!tpu.dma_semaphore, #tpu.memory_space<semaphore_mem>>)
      %dma_wait3A = arith.constant 0 : i32
      %dma_wait3A_52 = arith.constant 0 : i32
      %dma_wait3A_53 = arith.constant 0 : i32
      %dma_wait3A_54 = tpu.memref_slice %arg7[%dma_wait3A, %dma_wait3A_52, %dma_wait3A_53] : memref<2x16x128xi32, #tpu.memory_space<vmem>> -> memref<1x16x128xi32, #tpu.memory_space<vmem>>
      %dma_wait3A_55 = tpu.memref_squeeze %dma_wait3A_54 : memref<1x16x128xi32, #tpu.memory_space<vmem>> -> memref<16x128xi32, #tpu.memory_space<vmem>>
      %dma_wait3A_56 = arith.constant 0 : i32
      %dma_wait3A_57 = arith.constant 0 : i32
      %dma_wait3A_58 = tpu.memref_slice %arg3[%dma_wait3A_56, %dma_wait3A_57] : memref<2560x128xi32, #tpu.memory_space<hbm>> -> memref<16x128xi32, #tpu.memory_space<hbm>>
      %dma_wait3A_59 = arith.constant 0 : i32
      %dma_wait3A_60 = arith.constant 0 : i32
      %dma_wait3A_61 = tpu.memref_slice %arg7[%dma_wait3A, %dma_wait3A_59, %dma_wait3A_60] : memref<2x16x128xi32, #tpu.memory_space<vmem>> -> memref<1x16x128xi32, #tpu.memory_space<vmem>>
      %dma_wait3A_62 = tpu.memref_squeeze %dma_wait3A_61 : memref<1x16x128xi32, #tpu.memory_space<vmem>> -> memref<16x128xi32, #tpu.memory_space<vmem>>
      %dma_wait3A_63 = arith.constant 0 : i32
      %dma_wait3A_64 = arith.constant 0 : i32
      %dma_wait3A_65 = tpu.memref_slice %arg3[%dma_wait3A_63, %dma_wait3A_64] : memref<2560x128xi32, #tpu.memory_space<hbm>> -> memref<16x128xi32, #tpu.memory_space<hbm>>
      tpu.wait_dma2 semaphore(%arg15 : memref<!tpu.dma_semaphore, #tpu.memory_space<semaphore_mem>>) src(%dma_wait3A_65 : memref<16x128xi32, #tpu.memory_space<hbm>>) dst(%dma_wait3A_62 : memref<16x128xi32, #tpu.memory_space<vmem>>)
      %dma_wait3A_66 = arith.constant 0 : i32
      %dma_wait3A_67 = arith.constant 0 : i32
      %dma_wait3A_68 = arith.constant 0 : i32
      %dma_wait3A_69 = tpu.memref_slice %arg8[%dma_wait3A_66, %dma_wait3A_67, %dma_wait3A_68] : memref<2x16x128xi32, #tpu.memory_space<vmem>> -> memref<1x16x128xi32, #tpu.memory_space<vmem>>
      %dma_wait3A_70 = tpu.memref_squeeze %dma_wait3A_69 : memref<1x16x128xi32, #tpu.memory_space<vmem>> -> memref<16x128xi32, #tpu.memory_space<vmem>>
      %dma_wait3A_71 = arith.constant 0 : i32
      %dma_wait3A_72 = arith.constant 0 : i32
      %dma_wait3A_73 = tpu.memref_slice %arg4[%dma_wait3A_71, %dma_wait3A_72] : memref<2560x128xi32, #tpu.memory_space<hbm>> -> memref<16x128xi32, #tpu.memory_space<hbm>>
      %dma_wait3A_74 = arith.constant 0 : i32
      %dma_wait3A_75 = arith.constant 0 : i32
      %dma_wait3A_76 = tpu.memref_slice %arg8[%dma_wait3A_66, %dma_wait3A_74, %dma_wait3A_75] : memref<2x16x128xi32, #tpu.memory_space<vmem>> -> memref<1x16x128xi32, #tpu.memory_space<vmem>>
      %dma_wait3A_77 = tpu.memref_squeeze %dma_wait3A_76 : memref<1x16x128xi32, #tpu.memory_space<vmem>> -> memref<16x128xi32, #tpu.memory_space<vmem>>
      %dma_wait3A_78 = arith.constant 0 : i32
      %dma_wait3A_79 = arith.constant 0 : i32
      %dma_wait3A_80 = tpu.memref_slice %arg4[%dma_wait3A_78, %dma_wait3A_79] : memref<2560x128xi32, #tpu.memory_space<hbm>> -> memref<16x128xi32, #tpu.memory_space<hbm>>
      tpu.wait_dma2 semaphore(%arg15 : memref<!tpu.dma_semaphore, #tpu.memory_space<semaphore_mem>>) src(%dma_wait3A_80 : memref<16x128xi32, #tpu.memory_space<hbm>>) dst(%dma_wait3A_77 : memref<16x128xi32, #tpu.memory_space<vmem>>)
      %add3A_81 = arith.constant 16 : i32
      %add3A_82 = arith.addi %add3A_22, %add3A_81 : i32
      %dma_start3A_83 = arith.constant 1 : i32
      %dma_start3A_84 = arith.constant 0 : i32
      %dma_start3A_85 = arith.constant 0 : i32
      %dma_start3A_86 = tpu.memref_slice %arg7[%dma_start3A_83, %dma_start3A_84, %dma_start3A_85] : memref<2x16x128xi32, #tpu.memory_space<vmem>> -> memref<1x16x128xi32, #tpu.memory_space<vmem>>
      %dma_start3A_87 = tpu.memref_squeeze %dma_start3A_86 : memref<1x16x128xi32, #tpu.memory_space<vmem>> -> memref<16x128xi32, #tpu.memory_space<vmem>>
      %dma_start3A_88 = arith.constant 0 : i32
      %dma_start3A_89 = tpu.memref_slice %arg3[%add3A_82, %dma_start3A_88] : memref<2560x128xi32, #tpu.memory_space<hbm>> -> memref<16x128xi32, #tpu.memory_space<hbm>>
      %dma_start3A_90 = arith.constant 0 : i32
      %dma_start3A_91 = arith.constant 0 : i32
      %dma_start3A_92 = tpu.memref_slice %arg7[%dma_start3A_83, %dma_start3A_90, %dma_start3A_91] : memref<2x16x128xi32, #tpu.memory_space<vmem>> -> memref<1x16x128xi32, #tpu.memory_space<vmem>>
      %dma_start3A_93 = tpu.memref_squeeze %dma_start3A_92 : memref<1x16x128xi32, #tpu.memory_space<vmem>> -> memref<16x128xi32, #tpu.memory_space<vmem>>
      %dma_start3A_94 = arith.constant 0 : i32
      %dma_start3A_95 = tpu.memref_slice %arg3[%add3A_82, %dma_start3A_94] : memref<2560x128xi32, #tpu.memory_space<hbm>> -> memref<16x128xi32, #tpu.memory_space<hbm>>
      tpu.enqueue_dma source(%dma_start3A_95 : memref<16x128xi32, #tpu.memory_space<hbm>>) target(%dma_start3A_93 : memref<16x128xi32, #tpu.memory_space<vmem>>) target_semaphore(%arg15 : memref<!tpu.dma_semaphore, #tpu.memory_space<semaphore_mem>>)
      %add3A_96 = arith.constant 16 : i32
      %add3A_97 = arith.addi %add3A_22, %add3A_96 : i32
      %dma_start3A_98 = arith.constant 1 : i32
      %dma_start3A_99 = arith.constant 0 : i32
      %dma_start3A_100 = arith.constant 0 : i32
      %dma_start3A_101 = tpu.memref_slice %arg8[%dma_start3A_98, %dma_start3A_99, %dma_start3A_100] : memref<2x16x128xi32, #tpu.memory_space<vmem>> -> memref<1x16x128xi32, #tpu.memory_space<vmem>>
      %dma_start3A_102 = tpu.memref_squeeze %dma_start3A_101 : memref<1x16x128xi32, #tpu.memory_space<vmem>> -> memref<16x128xi32, #tpu.memory_space<vmem>>
      %dma_start3A_103 = arith.constant 0 : i32
      %dma_start3A_104 = tpu.memref_slice %arg4[%add3A_97, %dma_start3A_103] : memref<2560x128xi32, #tpu.memory_space<hbm>> -> memref<16x128xi32, #tpu.memory_space<hbm>>
      %dma_start3A_105 = arith.constant 0 : i32
      %dma_start3A_106 = arith.constant 0 : i32
      %dma_start3A_107 = tpu.memref_slice %arg8[%dma_start3A_98, %dma_start3A_105, %dma_start3A_106] : memref<2x16x128xi32, #tpu.memory_space<vmem>> -> memref<1x16x128xi32, #tpu.memory_space<vmem>>
      %dma_start3A_108 = tpu.memref_squeeze %dma_start3A_107 : memref<1x16x128xi32, #tpu.memory_space<vmem>> -> memref<16x128xi32, #tpu.memory_space<vmem>>
      %dma_start3A_109 = arith.constant 0 : i32
      %dma_start3A_110 = tpu.memref_slice %arg4[%add3A_97, %dma_start3A_109] : memref<2560x128xi32, #tpu.memory_space<hbm>> -> memref<16x128xi32, #tpu.memory_space<hbm>>
      tpu.enqueue_dma source(%dma_start3A_110 : memref<16x128xi32, #tpu.memory_space<hbm>>) target(%dma_start3A_108 : memref<16x128xi32, #tpu.memory_space<vmem>>) target_semaphore(%arg15 : memref<!tpu.dma_semaphore, #tpu.memory_space<semaphore_mem>>)
      %dma_start3A_111 = arith.constant 0 : i32
      %dma_start3A_112 = arith.constant 0 : i32
      %dma_start3A_113 = arith.constant 0 : i32
      %dma_start3A_114 = tpu.memref_slice %arg7[%dma_start3A_111, %dma_start3A_112, %dma_start3A_113] : memref<2x16x128xi32, #tpu.memory_space<vmem>> -> memref<1x1x128xi32, #tpu.memory_space<vmem>>
      %dma_start3A_115 = tpu.memref_squeeze %dma_start3A_114 : memref<1x1x128xi32, #tpu.memory_space<vmem>> -> memref<128xi32, #tpu.memory_space<vmem>>
      %dma_start3A_116 = arith.constant 0 : i32
      %dma_start3A_117 = arith.constant 0 : i32
      %dma_start3A_118 = tpu.memref_slice %arg2[%dma_start3A_116, %dma_start3A_117] : memref<10000x128xf32, #tpu.memory_space<hbm>> -> memref<10000x128xf32, #tpu.memory_space<hbm>>
      tpu.enqueue_indirect_dma source(%dma_start3A_118 : memref<10000x128xf32, #tpu.memory_space<hbm>>) target(%arg9 : memref<128x128xf32, #tpu.memory_space<vmem>>) offsets(%dma_start3A_115 : memref<128xi32, #tpu.memory_space<vmem>>) semaphore(%arg11 : memref<!tpu.dma_semaphore, #tpu.memory_space<semaphore_mem>>)
      %scan3A_119 = arith.constant 0 : i32
      %scan3A_120 = arith.constant 0 : i32
      %scan3A_121 = arith.constant 40 : i32
      %scan3A_122 = arith.addi %scan3A_120, %scan3A_121 : i32
      %scan3A_123 = arith.constant 1 : i32
      %scan3A_124 = scf.for %scan3A_126 = %scan3A_120 to %scan3A_122 step %scan3A_123 iter_args(%scan3A_127 = %scan3A_119) -> (i32)  : i32 {
        %jit3A = arith.constant 8 : i32
        %div3A = arith.divsi %scan3A_126, %jit3A : i32
        %sign3A = arith.constant 0 : i32
        %sign3A_128 = arith.cmpi sgt, %scan3A_126, %sign3A : i32
        %sign3A_129 = arith.extui %sign3A_128 : i1 to i32
        %sign3A_130 = arith.constant 0 : i32
        %sign3A_131 = arith.cmpi slt, %scan3A_126, %sign3A_130 : i32
        %sign3A_132 = arith.extui %sign3A_131 : i1 to i32
        %sign3A_133 = arith.subi %sign3A_129, %sign3A_132 : i32
        %sign3A_134 = arith.constant 0 : i32
        %sign3A_135 = arith.cmpi sgt, %jit3A, %sign3A_134 : i32
        %sign3A_136 = arith.extui %sign3A_135 : i1 to i32
        %sign3A_137 = arith.constant 0 : i32
        %sign3A_138 = arith.cmpi slt, %jit3A, %sign3A_137 : i32
        %sign3A_139 = arith.extui %sign3A_138 : i1 to i32
        %sign3A_140 = arith.subi %sign3A_136, %sign3A_139 : i32
        %ne3A = arith.cmpi ne, %sign3A_133, %sign3A_140 : i32
        %rem3A = arith.remsi %scan3A_126, %jit3A : i32
        %ne3A_141 = arith.constant 0 : i32
        %ne3A_142 = arith.cmpi ne, %rem3A, %ne3A_141 : i32
        %and3A = arith.andi %ne3A, %ne3A_142 : i1
        %sub3A = arith.constant 1 : i32
        %sub3A_143 = arith.subi %div3A, %sub3A : i32
        %select_n3A = arith.select %and3A, %sub3A_143, %div3A : i32
        %jit3A_144 = arith.constant 2 : i32
        %eq3A_145 = arith.constant 0 : i32
        %eq3A_146 = arith.cmpi eq, %jit3A_144, %eq3A_145 : i32
        %jit3A_147 = arith.constant 1 : i32
        %select_n3A_148 = arith.select %eq3A_146, %jit3A_147, %jit3A_144 : i32
        %rem3A_149 = arith.remsi %select_n3A, %select_n3A_148 : i32
        %ne3A_150 = arith.constant 0 : i32
        %ne3A_151 = arith.cmpi ne, %rem3A_149, %ne3A_150 : i32
        %lt3A = arith.constant 0 : i32
        %lt3A_152 = arith.cmpi slt, %rem3A_149, %lt3A : i32
        %lt3A_153 = arith.constant 0 : i32
        %lt3A_154 = arith.cmpi slt, %select_n3A_148, %lt3A_153 : i32
        %ne3A_155 = arith.xori %lt3A_152, %lt3A_154 : i1
        %and3A_156 = arith.andi %ne3A_155, %ne3A_151 : i1
        %add3A_157 = arith.addi %rem3A_149, %select_n3A_148 : i32
        %select_n3A_158 = arith.select %and3A_156, %add3A_157, %rem3A_149 : i32
        %jit3A_159 = arith.constant 8 : i32
        %eq3A_160 = arith.constant 0 : i32
        %eq3A_161 = arith.cmpi eq, %jit3A_159, %eq3A_160 : i32
        %jit3A_162 = arith.constant 1 : i32
        %select_n3A_163 = arith.select %eq3A_161, %jit3A_162, %jit3A_159 : i32
        %rem3A_164 = arith.remsi %scan3A_126, %select_n3A_163 : i32
        %ne3A_165 = arith.constant 0 : i32
        %ne3A_166 = arith.cmpi ne, %rem3A_164, %ne3A_165 : i32
        %lt3A_167 = arith.constant 0 : i32
        %lt3A_168 = arith.cmpi slt, %rem3A_164, %lt3A_167 : i32
        %lt3A_169 = arith.constant 0 : i32
        %lt3A_170 = arith.cmpi slt, %select_n3A_163, %lt3A_169 : i32
        %ne3A_171 = arith.xori %lt3A_168, %lt3A_170 : i1
        %and3A_172 = arith.andi %ne3A_171, %ne3A_166 : i1
        %add3A_173 = arith.addi %rem3A_164, %select_n3A_163 : i32
        %select_n3A_174 = arith.select %and3A_172, %add3A_173, %rem3A_164 : i32
        %mul3A_175 = arith.constant 2 : i32
        %mul3A_176 = arith.muli %mul3A_175, %select_n3A_174 : i32
        %dma_wait3A_177 = arith.constant 0 : i32
        %dma_wait3A_178 = arith.constant 0 : i32
        %dma_wait3A_179 = arith.constant 0 : i32
        %dma_wait3A_180 = tpu.memref_slice %arg7[%dma_wait3A_177, %dma_wait3A_178, %dma_wait3A_179] : memref<2x16x128xi32, #tpu.memory_space<vmem>> -> memref<1x1x128xi32, #tpu.memory_space<vmem>>
        %dma_wait3A_181 = tpu.memref_squeeze %dma_wait3A_180 : memref<1x1x128xi32, #tpu.memory_space<vmem>> -> memref<128xi32, #tpu.memory_space<vmem>>
        %dma_wait3A_182 = arith.constant 0 : i32
        %dma_wait3A_183 = arith.constant 0 : i32
        %dma_wait3A_184 = tpu.memref_slice %arg2[%dma_wait3A_182, %dma_wait3A_183] : memref<10000x128xf32, #tpu.memory_space<hbm>> -> memref<10000x128xf32, #tpu.memory_space<hbm>>
        tpu.wait_indirect_dma semaphore(%arg11 : memref<!tpu.dma_semaphore, #tpu.memory_space<semaphore_mem>>) src(%dma_wait3A_184 : memref<10000x128xf32, #tpu.memory_space<hbm>>) dst(%arg9 : memref<128x128xf32, #tpu.memory_space<vmem>>)
        %dma_start3A_185 = arith.constant 0 : i32
        %dma_start3A_186 = tpu.memref_slice %arg8[%select_n3A_158, %mul3A_176, %dma_start3A_185] : memref<2x16x128xi32, #tpu.memory_space<vmem>> -> memref<1x1x128xi32, #tpu.memory_space<vmem>>
        %dma_start3A_187 = tpu.memref_squeeze %dma_start3A_186 : memref<1x1x128xi32, #tpu.memory_space<vmem>> -> memref<128xi32, #tpu.memory_space<vmem>>
        %dma_start3A_188 = arith.constant 0 : i32
        %dma_start3A_189 = arith.constant 0 : i32
        %dma_start3A_190 = tpu.memref_slice %arg6[%dma_start3A_188, %dma_start3A_189] : memref<10128x128xf32, #tpu.memory_space<vmem_shared>> -> memref<10128x128xf32, #tpu.memory_space<vmem_shared>>
        tpu.enqueue_indirect_dma source(%arg9 : memref<128x128xf32, #tpu.memory_space<vmem>>) target(%dma_start3A_190 : memref<10128x128xf32, #tpu.memory_space<vmem_shared>>) offsets(%dma_start3A_187 : memref<128xi32, #tpu.memory_space<vmem>>) semaphore(%arg13 : memref<!tpu.dma_semaphore, #tpu.memory_space<semaphore_mem>>) {add = true}
        %gt3A = arith.constant 0 : i32
        %gt3A_191 = arith.cmpi sgt, %scan3A_126, %gt3A : i32
        %convert_element_type3A_192 = arith.extui %gt3A_191 : i1 to i32
        %cond3A_193 = arith.constant 0 : i32
        %cond3A_194 = arith.cmpi ne, %convert_element_type3A_192, %cond3A_193 : i32
        scf.if %cond3A_194 {
          %dma_wait3A_297 = arith.constant 0 : i32
          %dma_wait3A_298 = arith.constant 0 : i32
          %dma_wait3A_299 = arith.constant 0 : i32
          %dma_wait3A_300 = tpu.memref_slice %arg8[%dma_wait3A_297, %dma_wait3A_298, %dma_wait3A_299] : memref<2x16x128xi32, #tpu.memory_space<vmem>> -> memref<1x1x128xi32, #tpu.memory_space<vmem>>
          %dma_wait3A_301 = tpu.memref_squeeze %dma_wait3A_300 : memref<1x1x128xi32, #tpu.memory_space<vmem>> -> memref<128xi32, #tpu.memory_space<vmem>>
          %dma_wait3A_302 = arith.constant 0 : i32
          %dma_wait3A_303 = arith.constant 0 : i32
          %dma_wait3A_304 = tpu.memref_slice %arg6[%dma_wait3A_302, %dma_wait3A_303] : memref<10128x128xf32, #tpu.memory_space<vmem_shared>> -> memref<10128x128xf32, #tpu.memory_space<vmem_shared>>
          tpu.wait_indirect_dma semaphore(%arg14 : memref<!tpu.dma_semaphore, #tpu.memory_space<semaphore_mem>>) src(%arg10 : memref<128x128xf32, #tpu.memory_space<vmem>>) dst(%dma_wait3A_304 : memref<10128x128xf32, #tpu.memory_space<vmem_shared>>)
        } else {
        }
        %jit3A_195 = arith.constant 8 : i32
        %eq3A_196 = arith.constant 0 : i32
        %eq3A_197 = arith.cmpi eq, %jit3A_195, %eq3A_196 : i32
        %jit3A_198 = arith.constant 1 : i32
        %select_n3A_199 = arith.select %eq3A_197, %jit3A_198, %jit3A_195 : i32
        %rem3A_200 = arith.remsi %scan3A_126, %select_n3A_199 : i32
        %ne3A_201 = arith.constant 0 : i32
        %ne3A_202 = arith.cmpi ne, %rem3A_200, %ne3A_201 : i32
        %lt3A_203 = arith.constant 0 : i32
        %lt3A_204 = arith.cmpi slt, %rem3A_200, %lt3A_203 : i32
        %lt3A_205 = arith.constant 0 : i32
        %lt3A_206 = arith.cmpi slt, %select_n3A_199, %lt3A_205 : i32
        %ne3A_207 = arith.xori %lt3A_204, %lt3A_206 : i1
        %and3A_208 = arith.andi %ne3A_207, %ne3A_202 : i1
        %add3A_209 = arith.addi %rem3A_200, %select_n3A_199 : i32
        %select_n3A_210 = arith.select %and3A_208, %add3A_209, %rem3A_200 : i32
        %eq3A_211 = arith.constant 0 : i32
        %eq3A_212 = arith.cmpi eq, %select_n3A_210, %eq3A_211 : i32
        %gt3A_213 = arith.constant 0 : i32
        %gt3A_214 = arith.cmpi sgt, %scan3A_126, %gt3A_213 : i32
        %and3A_215 = arith.andi %eq3A_212, %gt3A_214 : i1
        %lt3A_216 = arith.constant 4 : i32
        %lt3A_217 = arith.cmpi slt, %select_n3A, %lt3A_216 : i32
        %and3A_218 = arith.andi %and3A_215, %lt3A_217 : i1
        %convert_element_type3A_219 = arith.extui %and3A_218 : i1 to i32
        %cond3A_220 = arith.constant 0 : i32
        %cond3A_221 = arith.cmpi ne, %convert_element_type3A_219, %cond3A_220 : i32
        scf.if %cond3A_221 {
          %add3A_297 = arith.constant 1 : i32
          %add3A_298 = arith.addi %select_n3A, %add3A_297 : i32
          %add3A_299 = arith.constant 1 : i32
          %add3A_300 = arith.addi %select_n3A, %add3A_299 : i32
          %jit3A_301 = arith.constant 2 : i32
          %eq3A_302 = arith.constant 0 : i32
          %eq3A_303 = arith.cmpi eq, %jit3A_301, %eq3A_302 : i32
          %jit3A_304 = arith.constant 1 : i32
          %select_n3A_305 = arith.select %eq3A_303, %jit3A_304, %jit3A_301 : i32
          %rem3A_306 = arith.remsi %add3A_300, %select_n3A_305 : i32
          %ne3A_307 = arith.constant 0 : i32
          %ne3A_308 = arith.cmpi ne, %rem3A_306, %ne3A_307 : i32
          %lt3A_309 = arith.constant 0 : i32
          %lt3A_310 = arith.cmpi slt, %rem3A_306, %lt3A_309 : i32
          %lt3A_311 = arith.constant 0 : i32
          %lt3A_312 = arith.cmpi slt, %select_n3A_305, %lt3A_311 : i32
          %ne3A_313 = arith.xori %lt3A_310, %lt3A_312 : i1
          %and3A_314 = arith.andi %ne3A_313, %ne3A_308 : i1
          %add3A_315 = arith.addi %rem3A_306, %select_n3A_305 : i32
          %select_n3A_316 = arith.select %and3A_314, %add3A_315, %rem3A_306 : i32
          %mul3A_317 = arith.constant 16 : i32
          %mul3A_318 = arith.muli %add3A_298, %mul3A_317 : i32
          %add3A_319 = arith.addi %add3A_22, %mul3A_318 : i32
          %dma_start3A_320 = arith.constant 0 : i32
          %dma_start3A_321 = arith.constant 0 : i32
          %dma_start3A_322 = tpu.memref_slice %arg7[%select_n3A_316, %dma_start3A_320, %dma_start3A_321] : memref<2x16x128xi32, #tpu.memory_space<vmem>> -> memref<1x16x128xi32, #tpu.memory_space<vmem>>
          %dma_start3A_323 = tpu.memref_squeeze %dma_start3A_322 : memref<1x16x128xi32, #tpu.memory_space<vmem>> -> memref<16x128xi32, #tpu.memory_space<vmem>>
          %dma_start3A_324 = arith.constant 0 : i32
          %dma_start3A_325 = tpu.memref_slice %arg3[%add3A_319, %dma_start3A_324] : memref<2560x128xi32, #tpu.memory_space<hbm>> -> memref<16x128xi32, #tpu.memory_space<hbm>>
          %dma_start3A_326 = arith.constant 0 : i32
          %dma_start3A_327 = arith.constant 0 : i32
          %dma_start3A_328 = tpu.memref_slice %arg7[%select_n3A_316, %dma_start3A_326, %dma_start3A_327] : memref<2x16x128xi32, #tpu.memory_space<vmem>> -> memref<1x16x128xi32, #tpu.memory_space<vmem>>
          %dma_start3A_329 = tpu.memref_squeeze %dma_start3A_328 : memref<1x16x128xi32, #tpu.memory_space<vmem>> -> memref<16x128xi32, #tpu.memory_space<vmem>>
          %dma_start3A_330 = arith.constant 0 : i32
          %dma_start3A_331 = tpu.memref_slice %arg3[%add3A_319, %dma_start3A_330] : memref<2560x128xi32, #tpu.memory_space<hbm>> -> memref<16x128xi32, #tpu.memory_space<hbm>>
          tpu.enqueue_dma source(%dma_start3A_331 : memref<16x128xi32, #tpu.memory_space<hbm>>) target(%dma_start3A_329 : memref<16x128xi32, #tpu.memory_space<vmem>>) target_semaphore(%arg15 : memref<!tpu.dma_semaphore, #tpu.memory_space<semaphore_mem>>)
          %mul3A_332 = arith.constant 16 : i32
          %mul3A_333 = arith.muli %add3A_298, %mul3A_332 : i32
          %add3A_334 = arith.addi %add3A_22, %mul3A_333 : i32
          %dma_start3A_335 = arith.constant 0 : i32
          %dma_start3A_336 = arith.constant 0 : i32
          %dma_start3A_337 = tpu.memref_slice %arg8[%select_n3A_316, %dma_start3A_335, %dma_start3A_336] : memref<2x16x128xi32, #tpu.memory_space<vmem>> -> memref<1x16x128xi32, #tpu.memory_space<vmem>>
          %dma_start3A_338 = tpu.memref_squeeze %dma_start3A_337 : memref<1x16x128xi32, #tpu.memory_space<vmem>> -> memref<16x128xi32, #tpu.memory_space<vmem>>
          %dma_start3A_339 = arith.constant 0 : i32
          %dma_start3A_340 = tpu.memref_slice %arg4[%add3A_334, %dma_start3A_339] : memref<2560x128xi32, #tpu.memory_space<hbm>> -> memref<16x128xi32, #tpu.memory_space<hbm>>
          %dma_start3A_341 = arith.constant 0 : i32
          %dma_start3A_342 = arith.constant 0 : i32
          %dma_start3A_343 = tpu.memref_slice %arg8[%select_n3A_316, %dma_start3A_341, %dma_start3A_342] : memref<2x16x128xi32, #tpu.memory_space<vmem>> -> memref<1x16x128xi32, #tpu.memory_space<vmem>>
          %dma_start3A_344 = tpu.memref_squeeze %dma_start3A_343 : memref<1x16x128xi32, #tpu.memory_space<vmem>> -> memref<16x128xi32, #tpu.memory_space<vmem>>
          %dma_start3A_345 = arith.constant 0 : i32
          %dma_start3A_346 = tpu.memref_slice %arg4[%add3A_334, %dma_start3A_345] : memref<2560x128xi32, #tpu.memory_space<hbm>> -> memref<16x128xi32, #tpu.memory_space<hbm>>
          tpu.enqueue_dma source(%dma_start3A_346 : memref<16x128xi32, #tpu.memory_space<hbm>>) target(%dma_start3A_344 : memref<16x128xi32, #tpu.memory_space<vmem>>) target_semaphore(%arg15 : memref<!tpu.dma_semaphore, #tpu.memory_space<semaphore_mem>>)
        } else {
        }
        %add3A_222 = arith.constant 1 : i32
        %add3A_223 = arith.addi %mul3A_176, %add3A_222 : i32
        %dma_start3A_224 = arith.constant 0 : i32
        %dma_start3A_225 = tpu.memref_slice %arg7[%select_n3A_158, %add3A_223, %dma_start3A_224] : memref<2x16x128xi32, #tpu.memory_space<vmem>> -> memref<1x1x128xi32, #tpu.memory_space<vmem>>
        %dma_start3A_226 = tpu.memref_squeeze %dma_start3A_225 : memref<1x1x128xi32, #tpu.memory_space<vmem>> -> memref<128xi32, #tpu.memory_space<vmem>>
        %dma_start3A_227 = arith.constant 0 : i32
        %dma_start3A_228 = arith.constant 0 : i32
        %dma_start3A_229 = tpu.memref_slice %arg2[%dma_start3A_227, %dma_start3A_228] : memref<10000x128xf32, #tpu.memory_space<hbm>> -> memref<10000x128xf32, #tpu.memory_space<hbm>>
        tpu.enqueue_indirect_dma source(%dma_start3A_229 : memref<10000x128xf32, #tpu.memory_space<hbm>>) target(%arg10 : memref<128x128xf32, #tpu.memory_space<vmem>>) offsets(%dma_start3A_226 : memref<128xi32, #tpu.memory_space<vmem>>) semaphore(%arg12 : memref<!tpu.dma_semaphore, #tpu.memory_space<semaphore_mem>>)
        %dma_wait3A_230 = arith.constant 0 : i32
        %dma_wait3A_231 = arith.constant 0 : i32
        %dma_wait3A_232 = arith.constant 0 : i32
        %dma_wait3A_233 = tpu.memref_slice %arg7[%dma_wait3A_230, %dma_wait3A_231, %dma_wait3A_232] : memref<2x16x128xi32, #tpu.memory_space<vmem>> -> memref<1x1x128xi32, #tpu.memory_space<vmem>>
        %dma_wait3A_234 = tpu.memref_squeeze %dma_wait3A_233 : memref<1x1x128xi32, #tpu.memory_space<vmem>> -> memref<128xi32, #tpu.memory_space<vmem>>
        %dma_wait3A_235 = arith.constant 0 : i32
        %dma_wait3A_236 = arith.constant 0 : i32
        %dma_wait3A_237 = tpu.memref_slice %arg2[%dma_wait3A_235, %dma_wait3A_236] : memref<10000x128xf32, #tpu.memory_space<hbm>> -> memref<10000x128xf32, #tpu.memory_space<hbm>>
        tpu.wait_indirect_dma semaphore(%arg12 : memref<!tpu.dma_semaphore, #tpu.memory_space<semaphore_mem>>) src(%dma_wait3A_237 : memref<10000x128xf32, #tpu.memory_space<hbm>>) dst(%arg10 : memref<128x128xf32, #tpu.memory_space<vmem>>)
        %add3A_238 = arith.constant 1 : i32
        %add3A_239 = arith.addi %mul3A_176, %add3A_238 : i32
        %dma_start3A_240 = arith.constant 0 : i32
        %dma_start3A_241 = tpu.memref_slice %arg8[%select_n3A_158, %add3A_239, %dma_start3A_240] : memref<2x16x128xi32, #tpu.memory_space<vmem>> -> memref<1x1x128xi32, #tpu.memory_space<vmem>>
        %dma_start3A_242 = tpu.memref_squeeze %dma_start3A_241 : memref<1x1x128xi32, #tpu.memory_space<vmem>> -> memref<128xi32, #tpu.memory_space<vmem>>
        %dma_start3A_243 = arith.constant 0 : i32
        %dma_start3A_244 = arith.constant 0 : i32
        %dma_start3A_245 = tpu.memref_slice %arg6[%dma_start3A_243, %dma_start3A_244] : memref<10128x128xf32, #tpu.memory_space<vmem_shared>> -> memref<10128x128xf32, #tpu.memory_space<vmem_shared>>
        tpu.enqueue_indirect_dma source(%arg10 : memref<128x128xf32, #tpu.memory_space<vmem>>) target(%dma_start3A_245 : memref<10128x128xf32, #tpu.memory_space<vmem_shared>>) offsets(%dma_start3A_242 : memref<128xi32, #tpu.memory_space<vmem>>) semaphore(%arg14 : memref<!tpu.dma_semaphore, #tpu.memory_space<semaphore_mem>>) {add = true}
        %dma_wait3A_246 = arith.constant 0 : i32
        %dma_wait3A_247 = arith.constant 0 : i32
        %dma_wait3A_248 = arith.constant 0 : i32
        %dma_wait3A_249 = tpu.memref_slice %arg8[%dma_wait3A_246, %dma_wait3A_247, %dma_wait3A_248] : memref<2x16x128xi32, #tpu.memory_space<vmem>> -> memref<1x1x128xi32, #tpu.memory_space<vmem>>
        %dma_wait3A_250 = tpu.memref_squeeze %dma_wait3A_249 : memref<1x1x128xi32, #tpu.memory_space<vmem>> -> memref<128xi32, #tpu.memory_space<vmem>>
        %dma_wait3A_251 = arith.constant 0 : i32
        %dma_wait3A_252 = arith.constant 0 : i32
        %dma_wait3A_253 = tpu.memref_slice %arg6[%dma_wait3A_251, %dma_wait3A_252] : memref<10128x128xf32, #tpu.memory_space<vmem_shared>> -> memref<10128x128xf32, #tpu.memory_space<vmem_shared>>
        tpu.wait_indirect_dma semaphore(%arg13 : memref<!tpu.dma_semaphore, #tpu.memory_space<semaphore_mem>>) src(%arg9 : memref<128x128xf32, #tpu.memory_space<vmem>>) dst(%dma_wait3A_253 : memref<10128x128xf32, #tpu.memory_space<vmem_shared>>)
        %jit3A_254 = arith.constant 8 : i32
        %eq3A_255 = arith.constant 0 : i32
        %eq3A_256 = arith.cmpi eq, %jit3A_254, %eq3A_255 : i32
        %jit3A_257 = arith.constant 1 : i32
        %select_n3A_258 = arith.select %eq3A_256, %jit3A_257, %jit3A_254 : i32
        %rem3A_259 = arith.remsi %scan3A_126, %select_n3A_258 : i32
        %ne3A_260 = arith.constant 0 : i32
        %ne3A_261 = arith.cmpi ne, %rem3A_259, %ne3A_260 : i32
        %lt3A_262 = arith.constant 0 : i32
        %lt3A_263 = arith.cmpi slt, %rem3A_259, %lt3A_262 : i32
        %lt3A_264 = arith.constant 0 : i32
        %lt3A_265 = arith.cmpi slt, %select_n3A_258, %lt3A_264 : i32
        %ne3A_266 = arith.xori %lt3A_263, %lt3A_265 : i1
        %and3A_267 = arith.andi %ne3A_266, %ne3A_261 : i1
        %add3A_268 = arith.addi %rem3A_259, %select_n3A_258 : i32
        %select_n3A_269 = arith.select %and3A_267, %add3A_268, %rem3A_259 : i32
        %eq3A_270 = arith.constant 7 : i32
        %eq3A_271 = arith.cmpi eq, %select_n3A_269, %eq3A_270 : i32
        %convert_element_type3A_272 = arith.extui %eq3A_271 : i1 to i32
        %cond3A_273 = arith.constant 0 : i32
        %cond3A_274 = arith.cmpi ne, %convert_element_type3A_272, %cond3A_273 : i32
        scf.if %cond3A_274 {
          %lt3A_297 = arith.constant 39 : i32
          %lt3A_298 = arith.cmpi slt, %scan3A_126, %lt3A_297 : i32
          %convert_element_type3A_299 = arith.extui %lt3A_298 : i1 to i32
          %cond3A_300 = arith.constant 0 : i32
          %cond3A_301 = arith.cmpi ne, %convert_element_type3A_299, %cond3A_300 : i32
          scf.if %cond3A_301 {
            %dma_wait3A_306 = arith.constant 0 : i32
            %dma_wait3A_307 = arith.constant 0 : i32
            %dma_wait3A_308 = arith.constant 0 : i32
            %dma_wait3A_309 = tpu.memref_slice %arg7[%dma_wait3A_306, %dma_wait3A_307, %dma_wait3A_308] : memref<2x16x128xi32, #tpu.memory_space<vmem>> -> memref<1x16x128xi32, #tpu.memory_space<vmem>>
            %dma_wait3A_310 = tpu.memref_squeeze %dma_wait3A_309 : memref<1x16x128xi32, #tpu.memory_space<vmem>> -> memref<16x128xi32, #tpu.memory_space<vmem>>
            %dma_wait3A_311 = arith.constant 0 : i32
            %dma_wait3A_312 = arith.constant 0 : i32
            %dma_wait3A_313 = tpu.memref_slice %arg3[%dma_wait3A_311, %dma_wait3A_312] : memref<2560x128xi32, #tpu.memory_space<hbm>> -> memref<16x128xi32, #tpu.memory_space<hbm>>
            %dma_wait3A_314 = arith.constant 0 : i32
            %dma_wait3A_315 = arith.constant 0 : i32
            %dma_wait3A_316 = tpu.memref_slice %arg7[%dma_wait3A_306, %dma_wait3A_314, %dma_wait3A_315] : memref<2x16x128xi32, #tpu.memory_space<vmem>> -> memref<1x16x128xi32, #tpu.memory_space<vmem>>
            %dma_wait3A_317 = tpu.memref_squeeze %dma_wait3A_316 : memref<1x16x128xi32, #tpu.memory_space<vmem>> -> memref<16x128xi32, #tpu.memory_space<vmem>>
            %dma_wait3A_318 = arith.constant 0 : i32
            %dma_wait3A_319 = arith.constant 0 : i32
            %dma_wait3A_320 = tpu.memref_slice %arg3[%dma_wait3A_318, %dma_wait3A_319] : memref<2560x128xi32, #tpu.memory_space<hbm>> -> memref<16x128xi32, #tpu.memory_space<hbm>>
            tpu.wait_dma2 semaphore(%arg15 : memref<!tpu.dma_semaphore, #tpu.memory_space<semaphore_mem>>) src(%dma_wait3A_320 : memref<16x128xi32, #tpu.memory_space<hbm>>) dst(%dma_wait3A_317 : memref<16x128xi32, #tpu.memory_space<vmem>>)
            %dma_wait3A_321 = arith.constant 0 : i32
            %dma_wait3A_322 = arith.constant 0 : i32
            %dma_wait3A_323 = arith.constant 0 : i32
            %dma_wait3A_324 = tpu.memref_slice %arg8[%dma_wait3A_321, %dma_wait3A_322, %dma_wait3A_323] : memref<2x16x128xi32, #tpu.memory_space<vmem>> -> memref<1x16x128xi32, #tpu.memory_space<vmem>>
            %dma_wait3A_325 = tpu.memref_squeeze %dma_wait3A_324 : memref<1x16x128xi32, #tpu.memory_space<vmem>> -> memref<16x128xi32, #tpu.memory_space<vmem>>
            %dma_wait3A_326 = arith.constant 0 : i32
            %dma_wait3A_327 = arith.constant 0 : i32
            %dma_wait3A_328 = tpu.memref_slice %arg4[%dma_wait3A_326, %dma_wait3A_327] : memref<2560x128xi32, #tpu.memory_space<hbm>> -> memref<16x128xi32, #tpu.memory_space<hbm>>
            %dma_wait3A_329 = arith.constant 0 : i32
            %dma_wait3A_330 = arith.constant 0 : i32
            %dma_wait3A_331 = tpu.memref_slice %arg8[%dma_wait3A_321, %dma_wait3A_329, %dma_wait3A_330] : memref<2x16x128xi32, #tpu.memory_space<vmem>> -> memref<1x16x128xi32, #tpu.memory_space<vmem>>
            %dma_wait3A_332 = tpu.memref_squeeze %dma_wait3A_331 : memref<1x16x128xi32, #tpu.memory_space<vmem>> -> memref<16x128xi32, #tpu.memory_space<vmem>>
            %dma_wait3A_333 = arith.constant 0 : i32
            %dma_wait3A_334 = arith.constant 0 : i32
            %dma_wait3A_335 = tpu.memref_slice %arg4[%dma_wait3A_333, %dma_wait3A_334] : memref<2560x128xi32, #tpu.memory_space<hbm>> -> memref<16x128xi32, #tpu.memory_space<hbm>>
            tpu.wait_dma2 semaphore(%arg15 : memref<!tpu.dma_semaphore, #tpu.memory_space<semaphore_mem>>) src(%dma_wait3A_335 : memref<16x128xi32, #tpu.memory_space<hbm>>) dst(%dma_wait3A_332 : memref<16x128xi32, #tpu.memory_space<vmem>>)
            %add3A_336 = arith.constant 1 : i32
            %add3A_337 = arith.addi %select_n3A, %add3A_336 : i32
            %jit3A_338 = arith.constant 2 : i32
            %eq3A_339 = arith.constant 0 : i32
            %eq3A_340 = arith.cmpi eq, %jit3A_338, %eq3A_339 : i32
            %jit3A_341 = arith.constant 1 : i32
            %select_n3A_342 = arith.select %eq3A_340, %jit3A_341, %jit3A_338 : i32
            %rem3A_343 = arith.remsi %add3A_337, %select_n3A_342 : i32
            %ne3A_344 = arith.constant 0 : i32
            %ne3A_345 = arith.cmpi ne, %rem3A_343, %ne3A_344 : i32
            %lt3A_346 = arith.constant 0 : i32
            %lt3A_347 = arith.cmpi slt, %rem3A_343, %lt3A_346 : i32
            %lt3A_348 = arith.constant 0 : i32
            %lt3A_349 = arith.cmpi slt, %select_n3A_342, %lt3A_348 : i32
            %ne3A_350 = arith.xori %lt3A_347, %lt3A_349 : i1
            %and3A_351 = arith.andi %ne3A_350, %ne3A_345 : i1
            %add3A_352 = arith.addi %rem3A_343, %select_n3A_342 : i32
            %select_n3A_353 = arith.select %and3A_351, %add3A_352, %rem3A_343 : i32
            %dma_start3A_354 = arith.constant 0 : i32
            %dma_start3A_355 = arith.constant 0 : i32
            %dma_start3A_356 = tpu.memref_slice %arg7[%select_n3A_353, %dma_start3A_354, %dma_start3A_355] : memref<2x16x128xi32, #tpu.memory_space<vmem>> -> memref<1x1x128xi32, #tpu.memory_space<vmem>>
            %dma_start3A_357 = tpu.memref_squeeze %dma_start3A_356 : memref<1x1x128xi32, #tpu.memory_space<vmem>> -> memref<128xi32, #tpu.memory_space<vmem>>
            %dma_start3A_358 = arith.constant 0 : i32
            %dma_start3A_359 = arith.constant 0 : i32
            %dma_start3A_360 = tpu.memref_slice %arg2[%dma_start3A_358, %dma_start3A_359] : memref<10000x128xf32, #tpu.memory_space<hbm>> -> memref<10000x128xf32, #tpu.memory_space<hbm>>
            tpu.enqueue_indirect_dma source(%dma_start3A_360 : memref<10000x128xf32, #tpu.memory_space<hbm>>) target(%arg9 : memref<128x128xf32, #tpu.memory_space<vmem>>) offsets(%dma_start3A_357 : memref<128xi32, #tpu.memory_space<vmem>>) semaphore(%arg11 : memref<!tpu.dma_semaphore, #tpu.memory_space<semaphore_mem>>)
          } else {
          }
          %ge3A = arith.constant 39 : i32
          %ge3A_302 = arith.cmpi sge, %scan3A_126, %ge3A : i32
          %convert_element_type3A_303 = arith.extui %ge3A_302 : i1 to i32
          %cond3A_304 = arith.constant 0 : i32
          %cond3A_305 = arith.cmpi ne, %convert_element_type3A_303, %cond3A_304 : i32
          scf.if %cond3A_305 {
            %dma_wait3A_306 = arith.constant 0 : i32
            %dma_wait3A_307 = arith.constant 0 : i32
            %dma_wait3A_308 = arith.constant 0 : i32
            %dma_wait3A_309 = tpu.memref_slice %arg8[%dma_wait3A_306, %dma_wait3A_307, %dma_wait3A_308] : memref<2x16x128xi32, #tpu.memory_space<vmem>> -> memref<1x1x128xi32, #tpu.memory_space<vmem>>
            %dma_wait3A_310 = tpu.memref_squeeze %dma_wait3A_309 : memref<1x1x128xi32, #tpu.memory_space<vmem>> -> memref<128xi32, #tpu.memory_space<vmem>>
            %dma_wait3A_311 = arith.constant 0 : i32
            %dma_wait3A_312 = arith.constant 0 : i32
            %dma_wait3A_313 = tpu.memref_slice %arg6[%dma_wait3A_311, %dma_wait3A_312] : memref<10128x128xf32, #tpu.memory_space<vmem_shared>> -> memref<10128x128xf32, #tpu.memory_space<vmem_shared>>
            tpu.wait_indirect_dma semaphore(%arg14 : memref<!tpu.dma_semaphore, #tpu.memory_space<semaphore_mem>>) src(%arg10 : memref<128x128xf32, #tpu.memory_space<vmem>>) dst(%dma_wait3A_313 : memref<10128x128xf32, #tpu.memory_space<vmem_shared>>)
          } else {
          }
        } else {
        }
        %jit3A_275 = arith.constant 8 : i32
        %eq3A_276 = arith.constant 0 : i32
        %eq3A_277 = arith.cmpi eq, %jit3A_275, %eq3A_276 : i32
        %jit3A_278 = arith.constant 1 : i32
        %select_n3A_279 = arith.select %eq3A_277, %jit3A_278, %jit3A_275 : i32
        %rem3A_280 = arith.remsi %scan3A_126, %select_n3A_279 : i32
        %ne3A_281 = arith.constant 0 : i32
        %ne3A_282 = arith.cmpi ne, %rem3A_280, %ne3A_281 : i32
        %lt3A_283 = arith.constant 0 : i32
        %lt3A_284 = arith.cmpi slt, %rem3A_280, %lt3A_283 : i32
        %lt3A_285 = arith.constant 0 : i32
        %lt3A_286 = arith.cmpi slt, %select_n3A_279, %lt3A_285 : i32
        %ne3A_287 = arith.xori %lt3A_284, %lt3A_286 : i1
        %and3A_288 = arith.andi %ne3A_287, %ne3A_282 : i1
        %add3A_289 = arith.addi %rem3A_280, %select_n3A_279 : i32
        %select_n3A_290 = arith.select %and3A_288, %add3A_289, %rem3A_280 : i32
        %ne3A_291 = arith.constant 7 : i32
        %ne3A_292 = arith.cmpi ne, %select_n3A_290, %ne3A_291 : i32
        %convert_element_type3A_293 = arith.extui %ne3A_292 : i1 to i32
        %cond3A_294 = arith.constant 0 : i32
        %cond3A_295 = arith.cmpi ne, %convert_element_type3A_293, %cond3A_294 : i32
        scf.if %cond3A_295 {
          %add3A_297 = arith.constant 2 : i32
          %add3A_298 = arith.addi %mul3A_176, %add3A_297 : i32
          %dma_start3A_299 = arith.constant 0 : i32
          %dma_start3A_300 = tpu.memref_slice %arg7[%select_n3A_158, %add3A_298, %dma_start3A_299] : memref<2x16x128xi32, #tpu.memory_space<vmem>> -> memref<1x1x128xi32, #tpu.memory_space<vmem>>
          %dma_start3A_301 = tpu.memref_squeeze %dma_start3A_300 : memref<1x1x128xi32, #tpu.memory_space<vmem>> -> memref<128xi32, #tpu.memory_space<vmem>>
          %dma_start3A_302 = arith.constant 0 : i32
          %dma_start3A_303 = arith.constant 0 : i32
          %dma_start3A_304 = tpu.memref_slice %arg2[%dma_start3A_302, %dma_start3A_303] : memref<10000x128xf32, #tpu.memory_space<hbm>> -> memref<10000x128xf32, #tpu.memory_space<hbm>>
          tpu.enqueue_indirect_dma source(%dma_start3A_304 : memref<10000x128xf32, #tpu.memory_space<hbm>>) target(%arg9 : memref<128x128xf32, #tpu.memory_space<vmem>>) offsets(%dma_start3A_301 : memref<128xi32, #tpu.memory_space<vmem>>) semaphore(%arg11 : memref<!tpu.dma_semaphore, #tpu.memory_space<semaphore_mem>>)
        } else {
        }
        %scan3A_296 = arith.constant 0 : i32
        scf.yield %scan3A_296 : i32
      }
      %scan3A_125 = arith.constant 40 : i32
    } else {
    }
    %eq3A_8 = arith.constant 1 : i32
    %eq3A_9 = arith.cmpi eq, %arg0, %eq3A_8 : i32
    %convert_element_type3A_10 = arith.extui %eq3A_9 : i1 to i32
    %cond3A_11 = arith.constant 0 : i32
    %cond3A_12 = arith.cmpi ne, %convert_element_type3A_10, %cond3A_11 : i32
    scf.if %cond3A_12 {
      %mul3A = arith.constant 80 : i32
      %mul3A_21 = arith.muli %arg1, %mul3A : i32
      %add3A = arith.constant 0 : i32
      %add3A_22 = arith.addi %mul3A_21, %add3A : i32
      %dma_start3A = arith.constant 0 : i32
      %dma_start3A_23 = arith.constant 0 : i32
      %dma_start3A_24 = arith.constant 0 : i32
      %dma_start3A_25 = tpu.memref_slice %arg7[%dma_start3A, %dma_start3A_23, %dma_start3A_24] : memref<2x16x128xi32, #tpu.memory_space<vmem>> -> memref<1x16x128xi32, #tpu.memory_space<vmem>>
      %dma_start3A_26 = tpu.memref_squeeze %dma_start3A_25 : memref<1x16x128xi32, #tpu.memory_space<vmem>> -> memref<16x128xi32, #tpu.memory_space<vmem>>
      %dma_start3A_27 = arith.constant 0 : i32
      %dma_start3A_28 = tpu.memref_slice %arg3[%add3A_22, %dma_start3A_27] : memref<2560x128xi32, #tpu.memory_space<hbm>> -> memref<16x128xi32, #tpu.memory_space<hbm>>
      %dma_start3A_29 = arith.constant 0 : i32
      %dma_start3A_30 = arith.constant 0 : i32
      %dma_start3A_31 = tpu.memref_slice %arg7[%dma_start3A, %dma_start3A_29, %dma_start3A_30] : memref<2x16x128xi32, #tpu.memory_space<vmem>> -> memref<1x16x128xi32, #tpu.memory_space<vmem>>
      %dma_start3A_32 = tpu.memref_squeeze %dma_start3A_31 : memref<1x16x128xi32, #tpu.memory_space<vmem>> -> memref<16x128xi32, #tpu.memory_space<vmem>>
      %dma_start3A_33 = arith.constant 0 : i32
      %dma_start3A_34 = tpu.memref_slice %arg3[%add3A_22, %dma_start3A_33] : memref<2560x128xi32, #tpu.memory_space<hbm>> -> memref<16x128xi32, #tpu.memory_space<hbm>>
      tpu.enqueue_dma source(%dma_start3A_34 : memref<16x128xi32, #tpu.memory_space<hbm>>) target(%dma_start3A_32 : memref<16x128xi32, #tpu.memory_space<vmem>>) target_semaphore(%arg15 : memref<!tpu.dma_semaphore, #tpu.memory_space<semaphore_mem>>)
      %add3A_35 = arith.constant 0 : i32
      %add3A_36 = arith.addi %mul3A_21, %add3A_35 : i32
      %dma_start3A_37 = arith.constant 0 : i32
      %dma_start3A_38 = arith.constant 0 : i32
      %dma_start3A_39 = arith.constant 0 : i32
      %dma_start3A_40 = tpu.memref_slice %arg8[%dma_start3A_37, %dma_start3A_38, %dma_start3A_39] : memref<2x16x128xi32, #tpu.memory_space<vmem>> -> memref<1x16x128xi32, #tpu.memory_space<vmem>>
      %dma_start3A_41 = tpu.memref_squeeze %dma_start3A_40 : memref<1x16x128xi32, #tpu.memory_space<vmem>> -> memref<16x128xi32, #tpu.memory_space<vmem>>
      %dma_start3A_42 = arith.constant 0 : i32
      %dma_start3A_43 = tpu.memref_slice %arg4[%add3A_36, %dma_start3A_42] : memref<2560x128xi32, #tpu.memory_space<hbm>> -> memref<16x128xi32, #tpu.memory_space<hbm>>
      %dma_start3A_44 = arith.constant 0 : i32
      %dma_start3A_45 = arith.constant 0 : i32
      %dma_start3A_46 = tpu.memref_slice %arg8[%dma_start3A_37, %dma_start3A_44, %dma_start3A_45] : memref<2x16x128xi32, #tpu.memory_space<vmem>> -> memref<1x16x128xi32, #tpu.memory_space<vmem>>
      %dma_start3A_47 = tpu.memref_squeeze %dma_start3A_46 : memref<1x16x128xi32, #tpu.memory_space<vmem>> -> memref<16x128xi32, #tpu.memory_space<vmem>>
      %dma_start3A_48 = arith.constant 0 : i32
      %dma_start3A_49 = tpu.memref_slice %arg4[%add3A_36, %dma_start3A_48] : memref<2560x128xi32, #tpu.memory_space<hbm>> -> memref<16x128xi32, #tpu.memory_space<hbm>>
      tpu.enqueue_dma source(%dma_start3A_49 : memref<16x128xi32, #tpu.memory_space<hbm>>) target(%dma_start3A_47 : memref<16x128xi32, #tpu.memory_space<vmem>>) target_semaphore(%arg15 : memref<!tpu.dma_semaphore, #tpu.memory_space<semaphore_mem>>)
      %dma_wait3A = arith.constant 0 : i32
      %dma_wait3A_50 = arith.constant 0 : i32
      %dma_wait3A_51 = arith.constant 0 : i32
      %dma_wait3A_52 = tpu.memref_slice %arg7[%dma_wait3A, %dma_wait3A_50, %dma_wait3A_51] : memref<2x16x128xi32, #tpu.memory_space<vmem>> -> memref<1x16x128xi32, #tpu.memory_space<vmem>>
      %dma_wait3A_53 = tpu.memref_squeeze %dma_wait3A_52 : memref<1x16x128xi32, #tpu.memory_space<vmem>> -> memref<16x128xi32, #tpu.memory_space<vmem>>
      %dma_wait3A_54 = arith.constant 0 : i32
      %dma_wait3A_55 = arith.constant 0 : i32
      %dma_wait3A_56 = tpu.memref_slice %arg3[%dma_wait3A_54, %dma_wait3A_55] : memref<2560x128xi32, #tpu.memory_space<hbm>> -> memref<16x128xi32, #tpu.memory_space<hbm>>
      %dma_wait3A_57 = arith.constant 0 : i32
      %dma_wait3A_58 = arith.constant 0 : i32
      %dma_wait3A_59 = tpu.memref_slice %arg7[%dma_wait3A, %dma_wait3A_57, %dma_wait3A_58] : memref<2x16x128xi32, #tpu.memory_space<vmem>> -> memref<1x16x128xi32, #tpu.memory_space<vmem>>
      %dma_wait3A_60 = tpu.memref_squeeze %dma_wait3A_59 : memref<1x16x128xi32, #tpu.memory_space<vmem>> -> memref<16x128xi32, #tpu.memory_space<vmem>>
      %dma_wait3A_61 = arith.constant 0 : i32
      %dma_wait3A_62 = arith.constant 0 : i32
      %dma_wait3A_63 = tpu.memref_slice %arg3[%dma_wait3A_61, %dma_wait3A_62] : memref<2560x128xi32, #tpu.memory_space<hbm>> -> memref<16x128xi32, #tpu.memory_space<hbm>>
      tpu.wait_dma2 semaphore(%arg15 : memref<!tpu.dma_semaphore, #tpu.memory_space<semaphore_mem>>) src(%dma_wait3A_63 : memref<16x128xi32, #tpu.memory_space<hbm>>) dst(%dma_wait3A_60 : memref<16x128xi32, #tpu.memory_space<vmem>>)
      %dma_wait3A_64 = arith.constant 0 : i32
      %dma_wait3A_65 = arith.constant 0 : i32
      %dma_wait3A_66 = arith.constant 0 : i32
      %dma_wait3A_67 = tpu.memref_slice %arg8[%dma_wait3A_64, %dma_wait3A_65, %dma_wait3A_66] : memref<2x16x128xi32, #tpu.memory_space<vmem>> -> memref<1x16x128xi32, #tpu.memory_space<vmem>>
      %dma_wait3A_68 = tpu.memref_squeeze %dma_wait3A_67 : memref<1x16x128xi32, #tpu.memory_space<vmem>> -> memref<16x128xi32, #tpu.memory_space<vmem>>
      %dma_wait3A_69 = arith.constant 0 : i32
      %dma_wait3A_70 = arith.constant 0 : i32
      %dma_wait3A_71 = tpu.memref_slice %arg4[%dma_wait3A_69, %dma_wait3A_70] : memref<2560x128xi32, #tpu.memory_space<hbm>> -> memref<16x128xi32, #tpu.memory_space<hbm>>
      %dma_wait3A_72 = arith.constant 0 : i32
      %dma_wait3A_73 = arith.constant 0 : i32
      %dma_wait3A_74 = tpu.memref_slice %arg8[%dma_wait3A_64, %dma_wait3A_72, %dma_wait3A_73] : memref<2x16x128xi32, #tpu.memory_space<vmem>> -> memref<1x16x128xi32, #tpu.memory_space<vmem>>
      %dma_wait3A_75 = tpu.memref_squeeze %dma_wait3A_74 : memref<1x16x128xi32, #tpu.memory_space<vmem>> -> memref<16x128xi32, #tpu.memory_space<vmem>>
      %dma_wait3A_76 = arith.constant 0 : i32
      %dma_wait3A_77 = arith.constant 0 : i32
      %dma_wait3A_78 = tpu.memref_slice %arg4[%dma_wait3A_76, %dma_wait3A_77] : memref<2560x128xi32, #tpu.memory_space<hbm>> -> memref<16x128xi32, #tpu.memory_space<hbm>>
      tpu.wait_dma2 semaphore(%arg15 : memref<!tpu.dma_semaphore, #tpu.memory_space<semaphore_mem>>) src(%dma_wait3A_78 : memref<16x128xi32, #tpu.memory_space<hbm>>) dst(%dma_wait3A_75 : memref<16x128xi32, #tpu.memory_space<vmem>>)
      %add3A_79 = arith.constant 16 : i32
      %add3A_80 = arith.addi %mul3A_21, %add3A_79 : i32
      %dma_start3A_81 = arith.constant 1 : i32
      %dma_start3A_82 = arith.constant 0 : i32
      %dma_start3A_83 = arith.constant 0 : i32
      %dma_start3A_84 = tpu.memref_slice %arg7[%dma_start3A_81, %dma_start3A_82, %dma_start3A_83] : memref<2x16x128xi32, #tpu.memory_space<vmem>> -> memref<1x16x128xi32, #tpu.memory_space<vmem>>
      %dma_start3A_85 = tpu.memref_squeeze %dma_start3A_84 : memref<1x16x128xi32, #tpu.memory_space<vmem>> -> memref<16x128xi32, #tpu.memory_space<vmem>>
      %dma_start3A_86 = arith.constant 0 : i32
      %dma_start3A_87 = tpu.memref_slice %arg3[%add3A_80, %dma_start3A_86] : memref<2560x128xi32, #tpu.memory_space<hbm>> -> memref<16x128xi32, #tpu.memory_space<hbm>>
      %dma_start3A_88 = arith.constant 0 : i32
      %dma_start3A_89 = arith.constant 0 : i32
      %dma_start3A_90 = tpu.memref_slice %arg7[%dma_start3A_81, %dma_start3A_88, %dma_start3A_89] : memref<2x16x128xi32, #tpu.memory_space<vmem>> -> memref<1x16x128xi32, #tpu.memory_space<vmem>>
      %dma_start3A_91 = tpu.memref_squeeze %dma_start3A_90 : memref<1x16x128xi32, #tpu.memory_space<vmem>> -> memref<16x128xi32, #tpu.memory_space<vmem>>
      %dma_start3A_92 = arith.constant 0 : i32
      %dma_start3A_93 = tpu.memref_slice %arg3[%add3A_80, %dma_start3A_92] : memref<2560x128xi32, #tpu.memory_space<hbm>> -> memref<16x128xi32, #tpu.memory_space<hbm>>
      tpu.enqueue_dma source(%dma_start3A_93 : memref<16x128xi32, #tpu.memory_space<hbm>>) target(%dma_start3A_91 : memref<16x128xi32, #tpu.memory_space<vmem>>) target_semaphore(%arg15 : memref<!tpu.dma_semaphore, #tpu.memory_space<semaphore_mem>>)
      %add3A_94 = arith.constant 16 : i32
      %add3A_95 = arith.addi %mul3A_21, %add3A_94 : i32
      %dma_start3A_96 = arith.constant 1 : i32
      %dma_start3A_97 = arith.constant 0 : i32
      %dma_start3A_98 = arith.constant 0 : i32
      %dma_start3A_99 = tpu.memref_slice %arg8[%dma_start3A_96, %dma_start3A_97, %dma_start3A_98] : memref<2x16x128xi32, #tpu.memory_space<vmem>> -> memref<1x16x128xi32, #tpu.memory_space<vmem>>
      %dma_start3A_100 = tpu.memref_squeeze %dma_start3A_99 : memref<1x16x128xi32, #tpu.memory_space<vmem>> -> memref<16x128xi32, #tpu.memory_space<vmem>>
      %dma_start3A_101 = arith.constant 0 : i32
      %dma_start3A_102 = tpu.memref_slice %arg4[%add3A_95, %dma_start3A_101] : memref<2560x128xi32, #tpu.memory_space<hbm>> -> memref<16x128xi32, #tpu.memory_space<hbm>>
      %dma_start3A_103 = arith.constant 0 : i32
      %dma_start3A_104 = arith.constant 0 : i32
      %dma_start3A_105 = tpu.memref_slice %arg8[%dma_start3A_96, %dma_start3A_103, %dma_start3A_104] : memref<2x16x128xi32, #tpu.memory_space<vmem>> -> memref<1x16x128xi32, #tpu.memory_space<vmem>>
      %dma_start3A_106 = tpu.memref_squeeze %dma_start3A_105 : memref<1x16x128xi32, #tpu.memory_space<vmem>> -> memref<16x128xi32, #tpu.memory_space<vmem>>
      %dma_start3A_107 = arith.constant 0 : i32
      %dma_start3A_108 = tpu.memref_slice %arg4[%add3A_95, %dma_start3A_107] : memref<2560x128xi32, #tpu.memory_space<hbm>> -> memref<16x128xi32, #tpu.memory_space<hbm>>
      tpu.enqueue_dma source(%dma_start3A_108 : memref<16x128xi32, #tpu.memory_space<hbm>>) target(%dma_start3A_106 : memref<16x128xi32, #tpu.memory_space<vmem>>) target_semaphore(%arg15 : memref<!tpu.dma_semaphore, #tpu.memory_space<semaphore_mem>>)
      %dma_start3A_109 = arith.constant 0 : i32
      %dma_start3A_110 = arith.constant 0 : i32
      %dma_start3A_111 = arith.constant 0 : i32
      %dma_start3A_112 = tpu.memref_slice %arg7[%dma_start3A_109, %dma_start3A_110, %dma_start3A_111] : memref<2x16x128xi32, #tpu.memory_space<vmem>> -> memref<1x1x128xi32, #tpu.memory_space<vmem>>
      %dma_start3A_113 = tpu.memref_squeeze %dma_start3A_112 : memref<1x1x128xi32, #tpu.memory_space<vmem>> -> memref<128xi32, #tpu.memory_space<vmem>>
      %dma_start3A_114 = arith.constant 0 : i32
      %dma_start3A_115 = arith.constant 0 : i32
      %dma_start3A_116 = tpu.memref_slice %arg2[%dma_start3A_114, %dma_start3A_115] : memref<10000x128xf32, #tpu.memory_space<hbm>> -> memref<10000x128xf32, #tpu.memory_space<hbm>>
      tpu.enqueue_indirect_dma source(%dma_start3A_116 : memref<10000x128xf32, #tpu.memory_space<hbm>>) target(%arg9 : memref<128x128xf32, #tpu.memory_space<vmem>>) offsets(%dma_start3A_113 : memref<128xi32, #tpu.memory_space<vmem>>) semaphore(%arg11 : memref<!tpu.dma_semaphore, #tpu.memory_space<semaphore_mem>>)
      %scan3A_117 = arith.constant 0 : i32
      %scan3A_118 = arith.constant 0 : i32
      %scan3A_119 = arith.constant 40 : i32
      %scan3A_120 = arith.addi %scan3A_118, %scan3A_119 : i32
      %scan3A_121 = arith.constant 1 : i32
      %scan3A_122 = scf.for %scan3A_124 = %scan3A_118 to %scan3A_120 step %scan3A_121 iter_args(%scan3A_125 = %scan3A_117) -> (i32)  : i32 {
        %jit3A = arith.constant 8 : i32
        %div3A = arith.divsi %scan3A_124, %jit3A : i32
        %sign3A = arith.constant 0 : i32
        %sign3A_126 = arith.cmpi sgt, %scan3A_124, %sign3A : i32
        %sign3A_127 = arith.extui %sign3A_126 : i1 to i32
        %sign3A_128 = arith.constant 0 : i32
        %sign3A_129 = arith.cmpi slt, %scan3A_124, %sign3A_128 : i32
        %sign3A_130 = arith.extui %sign3A_129 : i1 to i32
        %sign3A_131 = arith.subi %sign3A_127, %sign3A_130 : i32
        %sign3A_132 = arith.constant 0 : i32
        %sign3A_133 = arith.cmpi sgt, %jit3A, %sign3A_132 : i32
        %sign3A_134 = arith.extui %sign3A_133 : i1 to i32
        %sign3A_135 = arith.constant 0 : i32
        %sign3A_136 = arith.cmpi slt, %jit3A, %sign3A_135 : i32
        %sign3A_137 = arith.extui %sign3A_136 : i1 to i32
        %sign3A_138 = arith.subi %sign3A_134, %sign3A_137 : i32
        %ne3A = arith.cmpi ne, %sign3A_131, %sign3A_138 : i32
        %rem3A = arith.remsi %scan3A_124, %jit3A : i32
        %ne3A_139 = arith.constant 0 : i32
        %ne3A_140 = arith.cmpi ne, %rem3A, %ne3A_139 : i32
        %and3A = arith.andi %ne3A, %ne3A_140 : i1
        %sub3A = arith.constant 1 : i32
        %sub3A_141 = arith.subi %div3A, %sub3A : i32
        %select_n3A = arith.select %and3A, %sub3A_141, %div3A : i32
        %jit3A_142 = arith.constant 2 : i32
        %eq3A_143 = arith.constant 0 : i32
        %eq3A_144 = arith.cmpi eq, %jit3A_142, %eq3A_143 : i32
        %jit3A_145 = arith.constant 1 : i32
        %select_n3A_146 = arith.select %eq3A_144, %jit3A_145, %jit3A_142 : i32
        %rem3A_147 = arith.remsi %select_n3A, %select_n3A_146 : i32
        %ne3A_148 = arith.constant 0 : i32
        %ne3A_149 = arith.cmpi ne, %rem3A_147, %ne3A_148 : i32
        %lt3A = arith.constant 0 : i32
        %lt3A_150 = arith.cmpi slt, %rem3A_147, %lt3A : i32
        %lt3A_151 = arith.constant 0 : i32
        %lt3A_152 = arith.cmpi slt, %select_n3A_146, %lt3A_151 : i32
        %ne3A_153 = arith.xori %lt3A_150, %lt3A_152 : i1
        %and3A_154 = arith.andi %ne3A_153, %ne3A_149 : i1
        %add3A_155 = arith.addi %rem3A_147, %select_n3A_146 : i32
        %select_n3A_156 = arith.select %and3A_154, %add3A_155, %rem3A_147 : i32
        %jit3A_157 = arith.constant 8 : i32
        %eq3A_158 = arith.constant 0 : i32
        %eq3A_159 = arith.cmpi eq, %jit3A_157, %eq3A_158 : i32
        %jit3A_160 = arith.constant 1 : i32
        %select_n3A_161 = arith.select %eq3A_159, %jit3A_160, %jit3A_157 : i32
        %rem3A_162 = arith.remsi %scan3A_124, %select_n3A_161 : i32
        %ne3A_163 = arith.constant 0 : i32
        %ne3A_164 = arith.cmpi ne, %rem3A_162, %ne3A_163 : i32
        %lt3A_165 = arith.constant 0 : i32
        %lt3A_166 = arith.cmpi slt, %rem3A_162, %lt3A_165 : i32
        %lt3A_167 = arith.constant 0 : i32
        %lt3A_168 = arith.cmpi slt, %select_n3A_161, %lt3A_167 : i32
        %ne3A_169 = arith.xori %lt3A_166, %lt3A_168 : i1
        %and3A_170 = arith.andi %ne3A_169, %ne3A_164 : i1
        %add3A_171 = arith.addi %rem3A_162, %select_n3A_161 : i32
        %select_n3A_172 = arith.select %and3A_170, %add3A_171, %rem3A_162 : i32
        %mul3A_173 = arith.constant 2 : i32
        %mul3A_174 = arith.muli %mul3A_173, %select_n3A_172 : i32
        %dma_wait3A_175 = arith.constant 0 : i32
        %dma_wait3A_176 = arith.constant 0 : i32
        %dma_wait3A_177 = arith.constant 0 : i32
        %dma_wait3A_178 = tpu.memref_slice %arg7[%dma_wait3A_175, %dma_wait3A_176, %dma_wait3A_177] : memref<2x16x128xi32, #tpu.memory_space<vmem>> -> memref<1x1x128xi32, #tpu.memory_space<vmem>>
        %dma_wait3A_179 = tpu.memref_squeeze %dma_wait3A_178 : memref<1x1x128xi32, #tpu.memory_space<vmem>> -> memref<128xi32, #tpu.memory_space<vmem>>
        %dma_wait3A_180 = arith.constant 0 : i32
        %dma_wait3A_181 = arith.constant 0 : i32
        %dma_wait3A_182 = tpu.memref_slice %arg2[%dma_wait3A_180, %dma_wait3A_181] : memref<10000x128xf32, #tpu.memory_space<hbm>> -> memref<10000x128xf32, #tpu.memory_space<hbm>>
        tpu.wait_indirect_dma semaphore(%arg11 : memref<!tpu.dma_semaphore, #tpu.memory_space<semaphore_mem>>) src(%dma_wait3A_182 : memref<10000x128xf32, #tpu.memory_space<hbm>>) dst(%arg9 : memref<128x128xf32, #tpu.memory_space<vmem>>)
        %dma_start3A_183 = arith.constant 0 : i32
        %dma_start3A_184 = tpu.memref_slice %arg8[%select_n3A_156, %mul3A_174, %dma_start3A_183] : memref<2x16x128xi32, #tpu.memory_space<vmem>> -> memref<1x1x128xi32, #tpu.memory_space<vmem>>
        %dma_start3A_185 = tpu.memref_squeeze %dma_start3A_184 : memref<1x1x128xi32, #tpu.memory_space<vmem>> -> memref<128xi32, #tpu.memory_space<vmem>>
        %dma_start3A_186 = arith.constant 0 : i32
        %dma_start3A_187 = arith.constant 0 : i32
        %dma_start3A_188 = tpu.memref_slice %arg6[%dma_start3A_186, %dma_start3A_187] : memref<10128x128xf32, #tpu.memory_space<vmem_shared>> -> memref<10128x128xf32, #tpu.memory_space<vmem_shared>>
        tpu.enqueue_indirect_dma source(%arg9 : memref<128x128xf32, #tpu.memory_space<vmem>>) target(%dma_start3A_188 : memref<10128x128xf32, #tpu.memory_space<vmem_shared>>) offsets(%dma_start3A_185 : memref<128xi32, #tpu.memory_space<vmem>>) semaphore(%arg13 : memref<!tpu.dma_semaphore, #tpu.memory_space<semaphore_mem>>) {add = true}
        %gt3A = arith.constant 0 : i32
        %gt3A_189 = arith.cmpi sgt, %scan3A_124, %gt3A : i32
        %convert_element_type3A_190 = arith.extui %gt3A_189 : i1 to i32
        %cond3A_191 = arith.constant 0 : i32
        %cond3A_192 = arith.cmpi ne, %convert_element_type3A_190, %cond3A_191 : i32
        scf.if %cond3A_192 {
          %dma_wait3A_295 = arith.constant 0 : i32
          %dma_wait3A_296 = arith.constant 0 : i32
          %dma_wait3A_297 = arith.constant 0 : i32
          %dma_wait3A_298 = tpu.memref_slice %arg8[%dma_wait3A_295, %dma_wait3A_296, %dma_wait3A_297] : memref<2x16x128xi32, #tpu.memory_space<vmem>> -> memref<1x1x128xi32, #tpu.memory_space<vmem>>
          %dma_wait3A_299 = tpu.memref_squeeze %dma_wait3A_298 : memref<1x1x128xi32, #tpu.memory_space<vmem>> -> memref<128xi32, #tpu.memory_space<vmem>>
          %dma_wait3A_300 = arith.constant 0 : i32
          %dma_wait3A_301 = arith.constant 0 : i32
          %dma_wait3A_302 = tpu.memref_slice %arg6[%dma_wait3A_300, %dma_wait3A_301] : memref<10128x128xf32, #tpu.memory_space<vmem_shared>> -> memref<10128x128xf32, #tpu.memory_space<vmem_shared>>
          tpu.wait_indirect_dma semaphore(%arg14 : memref<!tpu.dma_semaphore, #tpu.memory_space<semaphore_mem>>) src(%arg10 : memref<128x128xf32, #tpu.memory_space<vmem>>) dst(%dma_wait3A_302 : memref<10128x128xf32, #tpu.memory_space<vmem_shared>>)
        } else {
        }
        %jit3A_193 = arith.constant 8 : i32
        %eq3A_194 = arith.constant 0 : i32
        %eq3A_195 = arith.cmpi eq, %jit3A_193, %eq3A_194 : i32
        %jit3A_196 = arith.constant 1 : i32
        %select_n3A_197 = arith.select %eq3A_195, %jit3A_196, %jit3A_193 : i32
        %rem3A_198 = arith.remsi %scan3A_124, %select_n3A_197 : i32
        %ne3A_199 = arith.constant 0 : i32
        %ne3A_200 = arith.cmpi ne, %rem3A_198, %ne3A_199 : i32
        %lt3A_201 = arith.constant 0 : i32
        %lt3A_202 = arith.cmpi slt, %rem3A_198, %lt3A_201 : i32
        %lt3A_203 = arith.constant 0 : i32
        %lt3A_204 = arith.cmpi slt, %select_n3A_197, %lt3A_203 : i32
        %ne3A_205 = arith.xori %lt3A_202, %lt3A_204 : i1
        %and3A_206 = arith.andi %ne3A_205, %ne3A_200 : i1
        %add3A_207 = arith.addi %rem3A_198, %select_n3A_197 : i32
        %select_n3A_208 = arith.select %and3A_206, %add3A_207, %rem3A_198 : i32
        %eq3A_209 = arith.constant 0 : i32
        %eq3A_210 = arith.cmpi eq, %select_n3A_208, %eq3A_209 : i32
        %gt3A_211 = arith.constant 0 : i32
        %gt3A_212 = arith.cmpi sgt, %scan3A_124, %gt3A_211 : i32
        %and3A_213 = arith.andi %eq3A_210, %gt3A_212 : i1
        %lt3A_214 = arith.constant 4 : i32
        %lt3A_215 = arith.cmpi slt, %select_n3A, %lt3A_214 : i32
        %and3A_216 = arith.andi %and3A_213, %lt3A_215 : i1
        %convert_element_type3A_217 = arith.extui %and3A_216 : i1 to i32
        %cond3A_218 = arith.constant 0 : i32
        %cond3A_219 = arith.cmpi ne, %convert_element_type3A_217, %cond3A_218 : i32
        scf.if %cond3A_219 {
          %add3A_295 = arith.constant 1 : i32
          %add3A_296 = arith.addi %select_n3A, %add3A_295 : i32
          %add3A_297 = arith.constant 1 : i32
          %add3A_298 = arith.addi %select_n3A, %add3A_297 : i32
          %jit3A_299 = arith.constant 2 : i32
          %eq3A_300 = arith.constant 0 : i32
          %eq3A_301 = arith.cmpi eq, %jit3A_299, %eq3A_300 : i32
          %jit3A_302 = arith.constant 1 : i32
          %select_n3A_303 = arith.select %eq3A_301, %jit3A_302, %jit3A_299 : i32
          %rem3A_304 = arith.remsi %add3A_298, %select_n3A_303 : i32
          %ne3A_305 = arith.constant 0 : i32
          %ne3A_306 = arith.cmpi ne, %rem3A_304, %ne3A_305 : i32
          %lt3A_307 = arith.constant 0 : i32
          %lt3A_308 = arith.cmpi slt, %rem3A_304, %lt3A_307 : i32
          %lt3A_309 = arith.constant 0 : i32
          %lt3A_310 = arith.cmpi slt, %select_n3A_303, %lt3A_309 : i32
          %ne3A_311 = arith.xori %lt3A_308, %lt3A_310 : i1
          %and3A_312 = arith.andi %ne3A_311, %ne3A_306 : i1
          %add3A_313 = arith.addi %rem3A_304, %select_n3A_303 : i32
          %select_n3A_314 = arith.select %and3A_312, %add3A_313, %rem3A_304 : i32
          %mul3A_315 = arith.constant 16 : i32
          %mul3A_316 = arith.muli %add3A_296, %mul3A_315 : i32
          %add3A_317 = arith.addi %mul3A_21, %mul3A_316 : i32
          %dma_start3A_318 = arith.constant 0 : i32
          %dma_start3A_319 = arith.constant 0 : i32
          %dma_start3A_320 = tpu.memref_slice %arg7[%select_n3A_314, %dma_start3A_318, %dma_start3A_319] : memref<2x16x128xi32, #tpu.memory_space<vmem>> -> memref<1x16x128xi32, #tpu.memory_space<vmem>>
          %dma_start3A_321 = tpu.memref_squeeze %dma_start3A_320 : memref<1x16x128xi32, #tpu.memory_space<vmem>> -> memref<16x128xi32, #tpu.memory_space<vmem>>
          %dma_start3A_322 = arith.constant 0 : i32
          %dma_start3A_323 = tpu.memref_slice %arg3[%add3A_317, %dma_start3A_322] : memref<2560x128xi32, #tpu.memory_space<hbm>> -> memref<16x128xi32, #tpu.memory_space<hbm>>
          %dma_start3A_324 = arith.constant 0 : i32
          %dma_start3A_325 = arith.constant 0 : i32
          %dma_start3A_326 = tpu.memref_slice %arg7[%select_n3A_314, %dma_start3A_324, %dma_start3A_325] : memref<2x16x128xi32, #tpu.memory_space<vmem>> -> memref<1x16x128xi32, #tpu.memory_space<vmem>>
          %dma_start3A_327 = tpu.memref_squeeze %dma_start3A_326 : memref<1x16x128xi32, #tpu.memory_space<vmem>> -> memref<16x128xi32, #tpu.memory_space<vmem>>
          %dma_start3A_328 = arith.constant 0 : i32
          %dma_start3A_329 = tpu.memref_slice %arg3[%add3A_317, %dma_start3A_328] : memref<2560x128xi32, #tpu.memory_space<hbm>> -> memref<16x128xi32, #tpu.memory_space<hbm>>
          tpu.enqueue_dma source(%dma_start3A_329 : memref<16x128xi32, #tpu.memory_space<hbm>>) target(%dma_start3A_327 : memref<16x128xi32, #tpu.memory_space<vmem>>) target_semaphore(%arg15 : memref<!tpu.dma_semaphore, #tpu.memory_space<semaphore_mem>>)
          %mul3A_330 = arith.constant 16 : i32
          %mul3A_331 = arith.muli %add3A_296, %mul3A_330 : i32
          %add3A_332 = arith.addi %mul3A_21, %mul3A_331 : i32
          %dma_start3A_333 = arith.constant 0 : i32
          %dma_start3A_334 = arith.constant 0 : i32
          %dma_start3A_335 = tpu.memref_slice %arg8[%select_n3A_314, %dma_start3A_333, %dma_start3A_334] : memref<2x16x128xi32, #tpu.memory_space<vmem>> -> memref<1x16x128xi32, #tpu.memory_space<vmem>>
          %dma_start3A_336 = tpu.memref_squeeze %dma_start3A_335 : memref<1x16x128xi32, #tpu.memory_space<vmem>> -> memref<16x128xi32, #tpu.memory_space<vmem>>
          %dma_start3A_337 = arith.constant 0 : i32
          %dma_start3A_338 = tpu.memref_slice %arg4[%add3A_332, %dma_start3A_337] : memref<2560x128xi32, #tpu.memory_space<hbm>> -> memref<16x128xi32, #tpu.memory_space<hbm>>
          %dma_start3A_339 = arith.constant 0 : i32
          %dma_start3A_340 = arith.constant 0 : i32
          %dma_start3A_341 = tpu.memref_slice %arg8[%select_n3A_314, %dma_start3A_339, %dma_start3A_340] : memref<2x16x128xi32, #tpu.memory_space<vmem>> -> memref<1x16x128xi32, #tpu.memory_space<vmem>>
          %dma_start3A_342 = tpu.memref_squeeze %dma_start3A_341 : memref<1x16x128xi32, #tpu.memory_space<vmem>> -> memref<16x128xi32, #tpu.memory_space<vmem>>
          %dma_start3A_343 = arith.constant 0 : i32
          %dma_start3A_344 = tpu.memref_slice %arg4[%add3A_332, %dma_start3A_343] : memref<2560x128xi32, #tpu.memory_space<hbm>> -> memref<16x128xi32, #tpu.memory_space<hbm>>
          tpu.enqueue_dma source(%dma_start3A_344 : memref<16x128xi32, #tpu.memory_space<hbm>>) target(%dma_start3A_342 : memref<16x128xi32, #tpu.memory_space<vmem>>) target_semaphore(%arg15 : memref<!tpu.dma_semaphore, #tpu.memory_space<semaphore_mem>>)
        } else {
        }
        %add3A_220 = arith.constant 1 : i32
        %add3A_221 = arith.addi %mul3A_174, %add3A_220 : i32
        %dma_start3A_222 = arith.constant 0 : i32
        %dma_start3A_223 = tpu.memref_slice %arg7[%select_n3A_156, %add3A_221, %dma_start3A_222] : memref<2x16x128xi32, #tpu.memory_space<vmem>> -> memref<1x1x128xi32, #tpu.memory_space<vmem>>
        %dma_start3A_224 = tpu.memref_squeeze %dma_start3A_223 : memref<1x1x128xi32, #tpu.memory_space<vmem>> -> memref<128xi32, #tpu.memory_space<vmem>>
        %dma_start3A_225 = arith.constant 0 : i32
        %dma_start3A_226 = arith.constant 0 : i32
        %dma_start3A_227 = tpu.memref_slice %arg2[%dma_start3A_225, %dma_start3A_226] : memref<10000x128xf32, #tpu.memory_space<hbm>> -> memref<10000x128xf32, #tpu.memory_space<hbm>>
        tpu.enqueue_indirect_dma source(%dma_start3A_227 : memref<10000x128xf32, #tpu.memory_space<hbm>>) target(%arg10 : memref<128x128xf32, #tpu.memory_space<vmem>>) offsets(%dma_start3A_224 : memref<128xi32, #tpu.memory_space<vmem>>) semaphore(%arg12 : memref<!tpu.dma_semaphore, #tpu.memory_space<semaphore_mem>>)
        %dma_wait3A_228 = arith.constant 0 : i32
        %dma_wait3A_229 = arith.constant 0 : i32
        %dma_wait3A_230 = arith.constant 0 : i32
        %dma_wait3A_231 = tpu.memref_slice %arg7[%dma_wait3A_228, %dma_wait3A_229, %dma_wait3A_230] : memref<2x16x128xi32, #tpu.memory_space<vmem>> -> memref<1x1x128xi32, #tpu.memory_space<vmem>>
        %dma_wait3A_232 = tpu.memref_squeeze %dma_wait3A_231 : memref<1x1x128xi32, #tpu.memory_space<vmem>> -> memref<128xi32, #tpu.memory_space<vmem>>
        %dma_wait3A_233 = arith.constant 0 : i32
        %dma_wait3A_234 = arith.constant 0 : i32
        %dma_wait3A_235 = tpu.memref_slice %arg2[%dma_wait3A_233, %dma_wait3A_234] : memref<10000x128xf32, #tpu.memory_space<hbm>> -> memref<10000x128xf32, #tpu.memory_space<hbm>>
        tpu.wait_indirect_dma semaphore(%arg12 : memref<!tpu.dma_semaphore, #tpu.memory_space<semaphore_mem>>) src(%dma_wait3A_235 : memref<10000x128xf32, #tpu.memory_space<hbm>>) dst(%arg10 : memref<128x128xf32, #tpu.memory_space<vmem>>)
        %add3A_236 = arith.constant 1 : i32
        %add3A_237 = arith.addi %mul3A_174, %add3A_236 : i32
        %dma_start3A_238 = arith.constant 0 : i32
        %dma_start3A_239 = tpu.memref_slice %arg8[%select_n3A_156, %add3A_237, %dma_start3A_238] : memref<2x16x128xi32, #tpu.memory_space<vmem>> -> memref<1x1x128xi32, #tpu.memory_space<vmem>>
        %dma_start3A_240 = tpu.memref_squeeze %dma_start3A_239 : memref<1x1x128xi32, #tpu.memory_space<vmem>> -> memref<128xi32, #tpu.memory_space<vmem>>
        %dma_start3A_241 = arith.constant 0 : i32
        %dma_start3A_242 = arith.constant 0 : i32
        %dma_start3A_243 = tpu.memref_slice %arg6[%dma_start3A_241, %dma_start3A_242] : memref<10128x128xf32, #tpu.memory_space<vmem_shared>> -> memref<10128x128xf32, #tpu.memory_space<vmem_shared>>
        tpu.enqueue_indirect_dma source(%arg10 : memref<128x128xf32, #tpu.memory_space<vmem>>) target(%dma_start3A_243 : memref<10128x128xf32, #tpu.memory_space<vmem_shared>>) offsets(%dma_start3A_240 : memref<128xi32, #tpu.memory_space<vmem>>) semaphore(%arg14 : memref<!tpu.dma_semaphore, #tpu.memory_space<semaphore_mem>>) {add = true}
        %dma_wait3A_244 = arith.constant 0 : i32
        %dma_wait3A_245 = arith.constant 0 : i32
        %dma_wait3A_246 = arith.constant 0 : i32
        %dma_wait3A_247 = tpu.memref_slice %arg8[%dma_wait3A_244, %dma_wait3A_245, %dma_wait3A_246] : memref<2x16x128xi32, #tpu.memory_space<vmem>> -> memref<1x1x128xi32, #tpu.memory_space<vmem>>
        %dma_wait3A_248 = tpu.memref_squeeze %dma_wait3A_247 : memref<1x1x128xi32, #tpu.memory_space<vmem>> -> memref<128xi32, #tpu.memory_space<vmem>>
        %dma_wait3A_249 = arith.constant 0 : i32
        %dma_wait3A_250 = arith.constant 0 : i32
        %dma_wait3A_251 = tpu.memref_slice %arg6[%dma_wait3A_249, %dma_wait3A_250] : memref<10128x128xf32, #tpu.memory_space<vmem_shared>> -> memref<10128x128xf32, #tpu.memory_space<vmem_shared>>
        tpu.wait_indirect_dma semaphore(%arg13 : memref<!tpu.dma_semaphore, #tpu.memory_space<semaphore_mem>>) src(%arg9 : memref<128x128xf32, #tpu.memory_space<vmem>>) dst(%dma_wait3A_251 : memref<10128x128xf32, #tpu.memory_space<vmem_shared>>)
        %jit3A_252 = arith.constant 8 : i32
        %eq3A_253 = arith.constant 0 : i32
        %eq3A_254 = arith.cmpi eq, %jit3A_252, %eq3A_253 : i32
        %jit3A_255 = arith.constant 1 : i32
        %select_n3A_256 = arith.select %eq3A_254, %jit3A_255, %jit3A_252 : i32
        %rem3A_257 = arith.remsi %scan3A_124, %select_n3A_256 : i32
        %ne3A_258 = arith.constant 0 : i32
        %ne3A_259 = arith.cmpi ne, %rem3A_257, %ne3A_258 : i32
        %lt3A_260 = arith.constant 0 : i32
        %lt3A_261 = arith.cmpi slt, %rem3A_257, %lt3A_260 : i32
        %lt3A_262 = arith.constant 0 : i32
        %lt3A_263 = arith.cmpi slt, %select_n3A_256, %lt3A_262 : i32
        %ne3A_264 = arith.xori %lt3A_261, %lt3A_263 : i1
        %and3A_265 = arith.andi %ne3A_264, %ne3A_259 : i1
        %add3A_266 = arith.addi %rem3A_257, %select_n3A_256 : i32
        %select_n3A_267 = arith.select %and3A_265, %add3A_266, %rem3A_257 : i32
        %eq3A_268 = arith.constant 7 : i32
        %eq3A_269 = arith.cmpi eq, %select_n3A_267, %eq3A_268 : i32
        %convert_element_type3A_270 = arith.extui %eq3A_269 : i1 to i32
        %cond3A_271 = arith.constant 0 : i32
        %cond3A_272 = arith.cmpi ne, %convert_element_type3A_270, %cond3A_271 : i32
        scf.if %cond3A_272 {
          %lt3A_295 = arith.constant 39 : i32
          %lt3A_296 = arith.cmpi slt, %scan3A_124, %lt3A_295 : i32
          %convert_element_type3A_297 = arith.extui %lt3A_296 : i1 to i32
          %cond3A_298 = arith.constant 0 : i32
          %cond3A_299 = arith.cmpi ne, %convert_element_type3A_297, %cond3A_298 : i32
          scf.if %cond3A_299 {
            %dma_wait3A_304 = arith.constant 0 : i32
            %dma_wait3A_305 = arith.constant 0 : i32
            %dma_wait3A_306 = arith.constant 0 : i32
            %dma_wait3A_307 = tpu.memref_slice %arg7[%dma_wait3A_304, %dma_wait3A_305, %dma_wait3A_306] : memref<2x16x128xi32, #tpu.memory_space<vmem>> -> memref<1x16x128xi32, #tpu.memory_space<vmem>>
            %dma_wait3A_308 = tpu.memref_squeeze %dma_wait3A_307 : memref<1x16x128xi32, #tpu.memory_space<vmem>> -> memref<16x128xi32, #tpu.memory_space<vmem>>
            %dma_wait3A_309 = arith.constant 0 : i32
            %dma_wait3A_310 = arith.constant 0 : i32
            %dma_wait3A_311 = tpu.memref_slice %arg3[%dma_wait3A_309, %dma_wait3A_310] : memref<2560x128xi32, #tpu.memory_space<hbm>> -> memref<16x128xi32, #tpu.memory_space<hbm>>
            %dma_wait3A_312 = arith.constant 0 : i32
            %dma_wait3A_313 = arith.constant 0 : i32
            %dma_wait3A_314 = tpu.memref_slice %arg7[%dma_wait3A_304, %dma_wait3A_312, %dma_wait3A_313] : memref<2x16x128xi32, #tpu.memory_space<vmem>> -> memref<1x16x128xi32, #tpu.memory_space<vmem>>
            %dma_wait3A_315 = tpu.memref_squeeze %dma_wait3A_314 : memref<1x16x128xi32, #tpu.memory_space<vmem>> -> memref<16x128xi32, #tpu.memory_space<vmem>>
            %dma_wait3A_316 = arith.constant 0 : i32
            %dma_wait3A_317 = arith.constant 0 : i32
            %dma_wait3A_318 = tpu.memref_slice %arg3[%dma_wait3A_316, %dma_wait3A_317] : memref<2560x128xi32, #tpu.memory_space<hbm>> -> memref<16x128xi32, #tpu.memory_space<hbm>>
            tpu.wait_dma2 semaphore(%arg15 : memref<!tpu.dma_semaphore, #tpu.memory_space<semaphore_mem>>) src(%dma_wait3A_318 : memref<16x128xi32, #tpu.memory_space<hbm>>) dst(%dma_wait3A_315 : memref<16x128xi32, #tpu.memory_space<vmem>>)
            %dma_wait3A_319 = arith.constant 0 : i32
            %dma_wait3A_320 = arith.constant 0 : i32
            %dma_wait3A_321 = arith.constant 0 : i32
            %dma_wait3A_322 = tpu.memref_slice %arg8[%dma_wait3A_319, %dma_wait3A_320, %dma_wait3A_321] : memref<2x16x128xi32, #tpu.memory_space<vmem>> -> memref<1x16x128xi32, #tpu.memory_space<vmem>>
            %dma_wait3A_323 = tpu.memref_squeeze %dma_wait3A_322 : memref<1x16x128xi32, #tpu.memory_space<vmem>> -> memref<16x128xi32, #tpu.memory_space<vmem>>
            %dma_wait3A_324 = arith.constant 0 : i32
            %dma_wait3A_325 = arith.constant 0 : i32
            %dma_wait3A_326 = tpu.memref_slice %arg4[%dma_wait3A_324, %dma_wait3A_325] : memref<2560x128xi32, #tpu.memory_space<hbm>> -> memref<16x128xi32, #tpu.memory_space<hbm>>
            %dma_wait3A_327 = arith.constant 0 : i32
            %dma_wait3A_328 = arith.constant 0 : i32
            %dma_wait3A_329 = tpu.memref_slice %arg8[%dma_wait3A_319, %dma_wait3A_327, %dma_wait3A_328] : memref<2x16x128xi32, #tpu.memory_space<vmem>> -> memref<1x16x128xi32, #tpu.memory_space<vmem>>
            %dma_wait3A_330 = tpu.memref_squeeze %dma_wait3A_329 : memref<1x16x128xi32, #tpu.memory_space<vmem>> -> memref<16x128xi32, #tpu.memory_space<vmem>>
            %dma_wait3A_331 = arith.constant 0 : i32
            %dma_wait3A_332 = arith.constant 0 : i32
            %dma_wait3A_333 = tpu.memref_slice %arg4[%dma_wait3A_331, %dma_wait3A_332] : memref<2560x128xi32, #tpu.memory_space<hbm>> -> memref<16x128xi32, #tpu.memory_space<hbm>>
            tpu.wait_dma2 semaphore(%arg15 : memref<!tpu.dma_semaphore, #tpu.memory_space<semaphore_mem>>) src(%dma_wait3A_333 : memref<16x128xi32, #tpu.memory_space<hbm>>) dst(%dma_wait3A_330 : memref<16x128xi32, #tpu.memory_space<vmem>>)
            %add3A_334 = arith.constant 1 : i32
            %add3A_335 = arith.addi %select_n3A, %add3A_334 : i32
            %jit3A_336 = arith.constant 2 : i32
            %eq3A_337 = arith.constant 0 : i32
            %eq3A_338 = arith.cmpi eq, %jit3A_336, %eq3A_337 : i32
            %jit3A_339 = arith.constant 1 : i32
            %select_n3A_340 = arith.select %eq3A_338, %jit3A_339, %jit3A_336 : i32
            %rem3A_341 = arith.remsi %add3A_335, %select_n3A_340 : i32
            %ne3A_342 = arith.constant 0 : i32
            %ne3A_343 = arith.cmpi ne, %rem3A_341, %ne3A_342 : i32
            %lt3A_344 = arith.constant 0 : i32
            %lt3A_345 = arith.cmpi slt, %rem3A_341, %lt3A_344 : i32
            %lt3A_346 = arith.constant 0 : i32
            %lt3A_347 = arith.cmpi slt, %select_n3A_340, %lt3A_346 : i32
            %ne3A_348 = arith.xori %lt3A_345, %lt3A_347 : i1
            %and3A_349 = arith.andi %ne3A_348, %ne3A_343 : i1
            %add3A_350 = arith.addi %rem3A_341, %select_n3A_340 : i32
            %select_n3A_351 = arith.select %and3A_349, %add3A_350, %rem3A_341 : i32
            %dma_start3A_352 = arith.constant 0 : i32
            %dma_start3A_353 = arith.constant 0 : i32
            %dma_start3A_354 = tpu.memref_slice %arg7[%select_n3A_351, %dma_start3A_352, %dma_start3A_353] : memref<2x16x128xi32, #tpu.memory_space<vmem>> -> memref<1x1x128xi32, #tpu.memory_space<vmem>>
            %dma_start3A_355 = tpu.memref_squeeze %dma_start3A_354 : memref<1x1x128xi32, #tpu.memory_space<vmem>> -> memref<128xi32, #tpu.memory_space<vmem>>
            %dma_start3A_356 = arith.constant 0 : i32
            %dma_start3A_357 = arith.constant 0 : i32
            %dma_start3A_358 = tpu.memref_slice %arg2[%dma_start3A_356, %dma_start3A_357] : memref<10000x128xf32, #tpu.memory_space<hbm>> -> memref<10000x128xf32, #tpu.memory_space<hbm>>
            tpu.enqueue_indirect_dma source(%dma_start3A_358 : memref<10000x128xf32, #tpu.memory_space<hbm>>) target(%arg9 : memref<128x128xf32, #tpu.memory_space<vmem>>) offsets(%dma_start3A_355 : memref<128xi32, #tpu.memory_space<vmem>>) semaphore(%arg11 : memref<!tpu.dma_semaphore, #tpu.memory_space<semaphore_mem>>)
          } else {
          }
          %ge3A = arith.constant 39 : i32
          %ge3A_300 = arith.cmpi sge, %scan3A_124, %ge3A : i32
          %convert_element_type3A_301 = arith.extui %ge3A_300 : i1 to i32
          %cond3A_302 = arith.constant 0 : i32
          %cond3A_303 = arith.cmpi ne, %convert_element_type3A_301, %cond3A_302 : i32
          scf.if %cond3A_303 {
            %dma_wait3A_304 = arith.constant 0 : i32
            %dma_wait3A_305 = arith.constant 0 : i32
            %dma_wait3A_306 = arith.constant 0 : i32
            %dma_wait3A_307 = tpu.memref_slice %arg8[%dma_wait3A_304, %dma_wait3A_305, %dma_wait3A_306] : memref<2x16x128xi32, #tpu.memory_space<vmem>> -> memref<1x1x128xi32, #tpu.memory_space<vmem>>
            %dma_wait3A_308 = tpu.memref_squeeze %dma_wait3A_307 : memref<1x1x128xi32, #tpu.memory_space<vmem>> -> memref<128xi32, #tpu.memory_space<vmem>>
            %dma_wait3A_309 = arith.constant 0 : i32
            %dma_wait3A_310 = arith.constant 0 : i32
            %dma_wait3A_311 = tpu.memref_slice %arg6[%dma_wait3A_309, %dma_wait3A_310] : memref<10128x128xf32, #tpu.memory_space<vmem_shared>> -> memref<10128x128xf32, #tpu.memory_space<vmem_shared>>
            tpu.wait_indirect_dma semaphore(%arg14 : memref<!tpu.dma_semaphore, #tpu.memory_space<semaphore_mem>>) src(%arg10 : memref<128x128xf32, #tpu.memory_space<vmem>>) dst(%dma_wait3A_311 : memref<10128x128xf32, #tpu.memory_space<vmem_shared>>)
          } else {
          }
        } else {
        }
        %jit3A_273 = arith.constant 8 : i32
        %eq3A_274 = arith.constant 0 : i32
        %eq3A_275 = arith.cmpi eq, %jit3A_273, %eq3A_274 : i32
        %jit3A_276 = arith.constant 1 : i32
        %select_n3A_277 = arith.select %eq3A_275, %jit3A_276, %jit3A_273 : i32
        %rem3A_278 = arith.remsi %scan3A_124, %select_n3A_277 : i32
        %ne3A_279 = arith.constant 0 : i32
        %ne3A_280 = arith.cmpi ne, %rem3A_278, %ne3A_279 : i32
        %lt3A_281 = arith.constant 0 : i32
        %lt3A_282 = arith.cmpi slt, %rem3A_278, %lt3A_281 : i32
        %lt3A_283 = arith.constant 0 : i32
        %lt3A_284 = arith.cmpi slt, %select_n3A_277, %lt3A_283 : i32
        %ne3A_285 = arith.xori %lt3A_282, %lt3A_284 : i1
        %and3A_286 = arith.andi %ne3A_285, %ne3A_280 : i1
        %add3A_287 = arith.addi %rem3A_278, %select_n3A_277 : i32
        %select_n3A_288 = arith.select %and3A_286, %add3A_287, %rem3A_278 : i32
        %ne3A_289 = arith.constant 7 : i32
        %ne3A_290 = arith.cmpi ne, %select_n3A_288, %ne3A_289 : i32
        %convert_element_type3A_291 = arith.extui %ne3A_290 : i1 to i32
        %cond3A_292 = arith.constant 0 : i32
        %cond3A_293 = arith.cmpi ne, %convert_element_type3A_291, %cond3A_292 : i32
        scf.if %cond3A_293 {
          %add3A_295 = arith.constant 2 : i32
          %add3A_296 = arith.addi %mul3A_174, %add3A_295 : i32
          %dma_start3A_297 = arith.constant 0 : i32
          %dma_start3A_298 = tpu.memref_slice %arg7[%select_n3A_156, %add3A_296, %dma_start3A_297] : memref<2x16x128xi32, #tpu.memory_space<vmem>> -> memref<1x1x128xi32, #tpu.memory_space<vmem>>
          %dma_start3A_299 = tpu.memref_squeeze %dma_start3A_298 : memref<1x1x128xi32, #tpu.memory_space<vmem>> -> memref<128xi32, #tpu.memory_space<vmem>>
          %dma_start3A_300 = arith.constant 0 : i32
          %dma_start3A_301 = arith.constant 0 : i32
          %dma_start3A_302 = tpu.memref_slice %arg2[%dma_start3A_300, %dma_start3A_301] : memref<10000x128xf32, #tpu.memory_space<hbm>> -> memref<10000x128xf32, #tpu.memory_space<hbm>>
          tpu.enqueue_indirect_dma source(%dma_start3A_302 : memref<10000x128xf32, #tpu.memory_space<hbm>>) target(%arg9 : memref<128x128xf32, #tpu.memory_space<vmem>>) offsets(%dma_start3A_299 : memref<128xi32, #tpu.memory_space<vmem>>) semaphore(%arg11 : memref<!tpu.dma_semaphore, #tpu.memory_space<semaphore_mem>>)
        } else {
        }
        %scan3A_294 = arith.constant 0 : i32
        scf.yield %scan3A_294 : i32
      }
      %scan3A_123 = arith.constant 40 : i32
    } else {
    }
    %barrier3A_13 = arith.constant 0 : index
    tpu.barrier barrier_id(%barrier3A_13)
    %scan3A_14 = arith.constant 0 : i32
    %scan3A_15 = arith.constant 0 : i32
    %scan3A_16 = arith.constant 4 : i32
    %scan3A_17 = arith.addi %scan3A_15, %scan3A_16 : i32
    %scan3A_18 = arith.constant 1 : i32
    %scan3A_19 = scf.for %scan3A_21 = %scan3A_15 to %scan3A_17 step %scan3A_18 iter_args(%scan3A_22 = %scan3A_14) -> (i32)  : i32 {
      %mul3A = arith.constant 16 : i32
      %mul3A_23 = arith.muli %scan3A_21, %mul3A : i32
      %add3A = arith.addi %arg1, %mul3A_23 : i32
      %lt3A = arith.constant 50 : i32
      %lt3A_24 = arith.cmpi slt, %add3A, %lt3A : i32
      %convert_element_type3A_25 = arith.extui %lt3A_24 : i1 to i32
      %cond3A_26 = arith.constant 0 : i32
      %cond3A_27 = arith.cmpi ne, %convert_element_type3A_25, %cond3A_26 : i32
      scf.if %cond3A_27 {
        %mul3A_29 = arith.constant 200 : i32
        %mul3A_30 = arith.muli %add3A, %mul3A_29 : i32
        "tpu.region"() ({
          %run_scoped3A = tpu.sem_alloc : memref<!tpu.dma_semaphore, #tpu.memory_space<semaphore_mem>>
          %dma_start3A = arith.constant 0 : i32
          %dma_start3A_31 = tpu.memref_slice %arg5[%arg0, %mul3A_30, %dma_start3A] : memref<2x10000x128xf32, #tpu.memory_space<hbm>> -> memref<1x200x128xf32, #tpu.memory_space<hbm>>
          %dma_start3A_32 = tpu.memref_squeeze %dma_start3A_31 : memref<1x200x128xf32, #tpu.memory_space<hbm>> -> memref<200x128xf32, #tpu.memory_space<hbm>>
          %dma_start3A_33 = arith.constant 0 : i32
          %dma_start3A_34 = tpu.memref_slice %arg6[%mul3A_30, %dma_start3A_33] : memref<10128x128xf32, #tpu.memory_space<vmem_shared>> -> memref<200x128xf32, #tpu.memory_space<vmem_shared>>
          tpu.enqueue_dma source(%dma_start3A_34 : memref<200x128xf32, #tpu.memory_space<vmem_shared>>) target(%dma_start3A_32 : memref<200x128xf32, #tpu.memory_space<hbm>>) target_semaphore(%run_scoped3A : memref<!tpu.dma_semaphore, #tpu.memory_space<semaphore_mem>>)
          %dma_wait3A = arith.constant 0 : i32
          %dma_wait3A_35 = tpu.memref_slice %arg5[%arg0, %mul3A_30, %dma_wait3A] : memref<2x10000x128xf32, #tpu.memory_space<hbm>> -> memref<1x200x128xf32, #tpu.memory_space<hbm>>
          %dma_wait3A_36 = tpu.memref_squeeze %dma_wait3A_35 : memref<1x200x128xf32, #tpu.memory_space<hbm>> -> memref<200x128xf32, #tpu.memory_space<hbm>>
          %dma_wait3A_37 = arith.constant 0 : i32
          %dma_wait3A_38 = tpu.memref_slice %arg6[%mul3A_30, %dma_wait3A_37] : memref<10128x128xf32, #tpu.memory_space<vmem_shared>> -> memref<200x128xf32, #tpu.memory_space<vmem_shared>>
          tpu.wait_dma2 semaphore(%run_scoped3A : memref<!tpu.dma_semaphore, #tpu.memory_space<semaphore_mem>>) src(%dma_wait3A_38 : memref<200x128xf32, #tpu.memory_space<vmem_shared>>) dst(%dma_wait3A_36 : memref<200x128xf32, #tpu.memory_space<hbm>>)
          tpu.yield
        }) : () -> ()
      } else {
      }
      %scan3A_28 = arith.constant 0 : i32
      scf.yield %scan3A_28 : i32
    }
    %scan3A_20 = arith.constant 4 : i32
    return
  }
}

#map = affine_map<(d0, d1) -> (0, 0)>
#map1 = affine_map<(d0, d1) -> (0, 0, 0)>
module attributes {stable_mosaic.version = 14 : i64} {
  func.func @agg_kernel(%arg0: i32, %arg1: i32, %arg2: memref<10000x128xf32, #tpu.memory_space<hbm>>, %arg3: memref<2560x128xi32, #tpu.memory_space<hbm>>, %arg4: memref<2560x128xi32, #tpu.memory_space<hbm>>, %arg5: memref<2x10000x128xf32, #tpu.memory_space<hbm>>, %arg6: memref<10128x128xf32, #tpu.memory_space<vmem_shared>>, %arg7: memref<2x16x128xi32, #tpu.memory_space<vmem>>, %arg8: memref<2x16x128xi32, #tpu.memory_space<vmem>>, %arg9: memref<128x128xf32, #tpu.memory_space<vmem>>, %arg10: memref<128x128xf32, #tpu.memory_space<vmem>>, %arg11: memref<!tpu.dma_semaphore, #tpu.memory_space<semaphore_mem>>, %arg12: memref<!tpu.dma_semaphore, #tpu.memory_space<semaphore_mem>>, %arg13: memref<!tpu.dma_semaphore, #tpu.memory_space<semaphore_mem>>, %arg14: memref<!tpu.dma_semaphore, #tpu.memory_space<semaphore_mem>>, %arg15: memref<!tpu.dma_semaphore, #tpu.memory_space<semaphore_mem>>) attributes {dimension_semantics = [#tpu.dimension_semantics<core_parallel>, #tpu.dimension_semantics<subcore_parallel>], iteration_bounds = array<i64: 2, 16>, scalar_prefetch = 0 : i64, scratch_operands = 10 : i64, tpu.core_type = #tpu.core_type<sc_vector_subcore>, window_params = [{transform_indices = #map}, {transform_indices = #map}, {transform_indices = #map}, {transform_indices = #map1}]} {
    %scan3A = arith.constant 0 : i32
    %scan3A_0 = arith.constant 0 : i32
    %scan3A_1 = arith.constant 4 : i32
    %scan3A_2 = arith.addi %scan3A_0, %scan3A_1 : i32
    %scan3A_3 = arith.constant 1 : i32
    %scan3A_4 = scf.for %scan3A_21 = %scan3A_0 to %scan3A_2 step %scan3A_3 iter_args(%scan3A_22 = %scan3A) -> (i32)  : i32 {
      %mul3A = arith.constant 16 : i32
      %mul3A_23 = arith.muli %scan3A_21, %mul3A : i32
      %add3A = arith.addi %arg1, %mul3A_23 : i32
      %lt3A = arith.constant 50 : i32
      %lt3A_24 = arith.cmpi slt, %add3A, %lt3A : i32
      %convert_element_type3A_25 = arith.extui %lt3A_24 : i1 to i32
      %cond3A_26 = arith.constant 0 : i32
      %cond3A_27 = arith.cmpi ne, %convert_element_type3A_25, %cond3A_26 : i32
      scf.if %cond3A_27 {
        %mul3A_29 = arith.constant 200 : i32
        %mul3A_30 = arith.muli %add3A, %mul3A_29 : i32
        "tpu.region"() ({
          %run_scoped3A = tpu.sem_alloc : memref<!tpu.dma_semaphore, #tpu.memory_space<semaphore_mem>>
          %dma_start3A = arith.constant 0 : i32
          %dma_start3A_31 = tpu.memref_slice %arg6[%mul3A_30, %dma_start3A] : memref<10128x128xf32, #tpu.memory_space<vmem_shared>> -> memref<200x128xf32, #tpu.memory_space<vmem_shared>>
          %dma_start3A_32 = arith.constant 0 : i32
          %dma_start3A_33 = tpu.memref_slice %arg2[%mul3A_30, %dma_start3A_32] : memref<10000x128xf32, #tpu.memory_space<hbm>> -> memref<200x128xf32, #tpu.memory_space<hbm>>
          tpu.enqueue_dma source(%dma_start3A_33 : memref<200x128xf32, #tpu.memory_space<hbm>>) target(%dma_start3A_31 : memref<200x128xf32, #tpu.memory_space<vmem_shared>>) target_semaphore(%run_scoped3A : memref<!tpu.dma_semaphore, #tpu.memory_space<semaphore_mem>>)
          %dma_wait3A = arith.constant 0 : i32
          %dma_wait3A_34 = tpu.memref_slice %arg6[%mul3A_30, %dma_wait3A] : memref<10128x128xf32, #tpu.memory_space<vmem_shared>> -> memref<200x128xf32, #tpu.memory_space<vmem_shared>>
          %dma_wait3A_35 = arith.constant 0 : i32
          %dma_wait3A_36 = tpu.memref_slice %arg2[%mul3A_30, %dma_wait3A_35] : memref<10000x128xf32, #tpu.memory_space<hbm>> -> memref<200x128xf32, #tpu.memory_space<hbm>>
          tpu.wait_dma2 semaphore(%run_scoped3A : memref<!tpu.dma_semaphore, #tpu.memory_space<semaphore_mem>>) src(%dma_wait3A_36 : memref<200x128xf32, #tpu.memory_space<hbm>>) dst(%dma_wait3A_34 : memref<200x128xf32, #tpu.memory_space<vmem_shared>>)
          tpu.yield
        }) : () -> ()
      } else {
      }
      %scan3A_28 = arith.constant 0 : i32
      scf.yield %scan3A_28 : i32
    }
    %scan3A_5 = arith.constant 4 : i32
    %barrier3A = arith.constant 0 : index
    tpu.barrier barrier_id(%barrier3A)
    %eq3A = arith.constant 0 : i32
    %eq3A_6 = arith.cmpi eq, %arg0, %eq3A : i32
    %convert_element_type3A = arith.extui %eq3A_6 : i1 to i32
    %cond3A = arith.constant 0 : i32
    %cond3A_7 = arith.cmpi ne, %convert_element_type3A, %cond3A : i32
    scf.if %cond3A_7 {
      %mul3A = arith.constant 80 : i32
      %mul3A_21 = arith.muli %arg1, %mul3A : i32
      %add3A = arith.constant 1280 : i32
      %add3A_22 = arith.addi %add3A, %mul3A_21 : i32
      %add3A_23 = arith.constant 0 : i32
      %add3A_24 = arith.addi %add3A_22, %add3A_23 : i32
      %dma_start3A = arith.constant 0 : i32
      %dma_start3A_25 = arith.constant 0 : i32
      %dma_start3A_26 = arith.constant 0 : i32
      %dma_start3A_27 = tpu.memref_slice %arg7[%dma_start3A, %dma_start3A_25, %dma_start3A_26] : memref<2x16x128xi32, #tpu.memory_space<vmem>> -> memref<1x16x128xi32, #tpu.memory_space<vmem>>
      %dma_start3A_28 = tpu.memref_squeeze %dma_start3A_27 : memref<1x16x128xi32, #tpu.memory_space<vmem>> -> memref<16x128xi32, #tpu.memory_space<vmem>>
      %dma_start3A_29 = arith.constant 0 : i32
      %dma_start3A_30 = tpu.memref_slice %arg3[%add3A_24, %dma_start3A_29] : memref<2560x128xi32, #tpu.memory_space<hbm>> -> memref<16x128xi32, #tpu.memory_space<hbm>>
      %dma_start3A_31 = arith.constant 0 : i32
      %dma_start3A_32 = arith.constant 0 : i32
      %dma_start3A_33 = tpu.memref_slice %arg7[%dma_start3A, %dma_start3A_31, %dma_start3A_32] : memref<2x16x128xi32, #tpu.memory_space<vmem>> -> memref<1x16x128xi32, #tpu.memory_space<vmem>>
      %dma_start3A_34 = tpu.memref_squeeze %dma_start3A_33 : memref<1x16x128xi32, #tpu.memory_space<vmem>> -> memref<16x128xi32, #tpu.memory_space<vmem>>
      %dma_start3A_35 = arith.constant 0 : i32
      %dma_start3A_36 = tpu.memref_slice %arg3[%add3A_24, %dma_start3A_35] : memref<2560x128xi32, #tpu.memory_space<hbm>> -> memref<16x128xi32, #tpu.memory_space<hbm>>
      tpu.enqueue_dma source(%dma_start3A_36 : memref<16x128xi32, #tpu.memory_space<hbm>>) target(%dma_start3A_34 : memref<16x128xi32, #tpu.memory_space<vmem>>) target_semaphore(%arg15 : memref<!tpu.dma_semaphore, #tpu.memory_space<semaphore_mem>>)
      %add3A_37 = arith.constant 0 : i32
      %add3A_38 = arith.addi %add3A_22, %add3A_37 : i32
      %dma_start3A_39 = arith.constant 0 : i32
      %dma_start3A_40 = arith.constant 0 : i32
      %dma_start3A_41 = arith.constant 0 : i32
      %dma_start3A_42 = tpu.memref_slice %arg8[%dma_start3A_39, %dma_start3A_40, %dma_start3A_41] : memref<2x16x128xi32, #tpu.memory_space<vmem>> -> memref<1x16x128xi32, #tpu.memory_space<vmem>>
      %dma_start3A_43 = tpu.memref_squeeze %dma_start3A_42 : memref<1x16x128xi32, #tpu.memory_space<vmem>> -> memref<16x128xi32, #tpu.memory_space<vmem>>
      %dma_start3A_44 = arith.constant 0 : i32
      %dma_start3A_45 = tpu.memref_slice %arg4[%add3A_38, %dma_start3A_44] : memref<2560x128xi32, #tpu.memory_space<hbm>> -> memref<16x128xi32, #tpu.memory_space<hbm>>
      %dma_start3A_46 = arith.constant 0 : i32
      %dma_start3A_47 = arith.constant 0 : i32
      %dma_start3A_48 = tpu.memref_slice %arg8[%dma_start3A_39, %dma_start3A_46, %dma_start3A_47] : memref<2x16x128xi32, #tpu.memory_space<vmem>> -> memref<1x16x128xi32, #tpu.memory_space<vmem>>
      %dma_start3A_49 = tpu.memref_squeeze %dma_start3A_48 : memref<1x16x128xi32, #tpu.memory_space<vmem>> -> memref<16x128xi32, #tpu.memory_space<vmem>>
      %dma_start3A_50 = arith.constant 0 : i32
      %dma_start3A_51 = tpu.memref_slice %arg4[%add3A_38, %dma_start3A_50] : memref<2560x128xi32, #tpu.memory_space<hbm>> -> memref<16x128xi32, #tpu.memory_space<hbm>>
      tpu.enqueue_dma source(%dma_start3A_51 : memref<16x128xi32, #tpu.memory_space<hbm>>) target(%dma_start3A_49 : memref<16x128xi32, #tpu.memory_space<vmem>>) target_semaphore(%arg15 : memref<!tpu.dma_semaphore, #tpu.memory_space<semaphore_mem>>)
      %dma_wait3A = arith.constant 0 : i32
      %dma_wait3A_52 = arith.constant 0 : i32
      %dma_wait3A_53 = arith.constant 0 : i32
      %dma_wait3A_54 = tpu.memref_slice %arg7[%dma_wait3A, %dma_wait3A_52, %dma_wait3A_53] : memref<2x16x128xi32, #tpu.memory_space<vmem>> -> memref<1x16x128xi32, #tpu.memory_space<vmem>>
      %dma_wait3A_55 = tpu.memref_squeeze %dma_wait3A_54 : memref<1x16x128xi32, #tpu.memory_space<vmem>> -> memref<16x128xi32, #tpu.memory_space<vmem>>
      %dma_wait3A_56 = arith.constant 0 : i32
      %dma_wait3A_57 = arith.constant 0 : i32
      %dma_wait3A_58 = tpu.memref_slice %arg3[%dma_wait3A_56, %dma_wait3A_57] : memref<2560x128xi32, #tpu.memory_space<hbm>> -> memref<16x128xi32, #tpu.memory_space<hbm>>
      %dma_wait3A_59 = arith.constant 0 : i32
      %dma_wait3A_60 = arith.constant 0 : i32
      %dma_wait3A_61 = tpu.memref_slice %arg7[%dma_wait3A, %dma_wait3A_59, %dma_wait3A_60] : memref<2x16x128xi32, #tpu.memory_space<vmem>> -> memref<1x16x128xi32, #tpu.memory_space<vmem>>
      %dma_wait3A_62 = tpu.memref_squeeze %dma_wait3A_61 : memref<1x16x128xi32, #tpu.memory_space<vmem>> -> memref<16x128xi32, #tpu.memory_space<vmem>>
      %dma_wait3A_63 = arith.constant 0 : i32
      %dma_wait3A_64 = arith.constant 0 : i32
      %dma_wait3A_65 = tpu.memref_slice %arg3[%dma_wait3A_63, %dma_wait3A_64] : memref<2560x128xi32, #tpu.memory_space<hbm>> -> memref<16x128xi32, #tpu.memory_space<hbm>>
      tpu.wait_dma2 semaphore(%arg15 : memref<!tpu.dma_semaphore, #tpu.memory_space<semaphore_mem>>) src(%dma_wait3A_65 : memref<16x128xi32, #tpu.memory_space<hbm>>) dst(%dma_wait3A_62 : memref<16x128xi32, #tpu.memory_space<vmem>>)
      %dma_wait3A_66 = arith.constant 0 : i32
      %dma_wait3A_67 = arith.constant 0 : i32
      %dma_wait3A_68 = arith.constant 0 : i32
      %dma_wait3A_69 = tpu.memref_slice %arg8[%dma_wait3A_66, %dma_wait3A_67, %dma_wait3A_68] : memref<2x16x128xi32, #tpu.memory_space<vmem>> -> memref<1x16x128xi32, #tpu.memory_space<vmem>>
      %dma_wait3A_70 = tpu.memref_squeeze %dma_wait3A_69 : memref<1x16x128xi32, #tpu.memory_space<vmem>> -> memref<16x128xi32, #tpu.memory_space<vmem>>
      %dma_wait3A_71 = arith.constant 0 : i32
      %dma_wait3A_72 = arith.constant 0 : i32
      %dma_wait3A_73 = tpu.memref_slice %arg4[%dma_wait3A_71, %dma_wait3A_72] : memref<2560x128xi32, #tpu.memory_space<hbm>> -> memref<16x128xi32, #tpu.memory_space<hbm>>
      %dma_wait3A_74 = arith.constant 0 : i32
      %dma_wait3A_75 = arith.constant 0 : i32
      %dma_wait3A_76 = tpu.memref_slice %arg8[%dma_wait3A_66, %dma_wait3A_74, %dma_wait3A_75] : memref<2x16x128xi32, #tpu.memory_space<vmem>> -> memref<1x16x128xi32, #tpu.memory_space<vmem>>
      %dma_wait3A_77 = tpu.memref_squeeze %dma_wait3A_76 : memref<1x16x128xi32, #tpu.memory_space<vmem>> -> memref<16x128xi32, #tpu.memory_space<vmem>>
      %dma_wait3A_78 = arith.constant 0 : i32
      %dma_wait3A_79 = arith.constant 0 : i32
      %dma_wait3A_80 = tpu.memref_slice %arg4[%dma_wait3A_78, %dma_wait3A_79] : memref<2560x128xi32, #tpu.memory_space<hbm>> -> memref<16x128xi32, #tpu.memory_space<hbm>>
      tpu.wait_dma2 semaphore(%arg15 : memref<!tpu.dma_semaphore, #tpu.memory_space<semaphore_mem>>) src(%dma_wait3A_80 : memref<16x128xi32, #tpu.memory_space<hbm>>) dst(%dma_wait3A_77 : memref<16x128xi32, #tpu.memory_space<vmem>>)
      %add3A_81 = arith.constant 16 : i32
      %add3A_82 = arith.addi %add3A_22, %add3A_81 : i32
      %dma_start3A_83 = arith.constant 1 : i32
      %dma_start3A_84 = arith.constant 0 : i32
      %dma_start3A_85 = arith.constant 0 : i32
      %dma_start3A_86 = tpu.memref_slice %arg7[%dma_start3A_83, %dma_start3A_84, %dma_start3A_85] : memref<2x16x128xi32, #tpu.memory_space<vmem>> -> memref<1x16x128xi32, #tpu.memory_space<vmem>>
      %dma_start3A_87 = tpu.memref_squeeze %dma_start3A_86 : memref<1x16x128xi32, #tpu.memory_space<vmem>> -> memref<16x128xi32, #tpu.memory_space<vmem>>
      %dma_start3A_88 = arith.constant 0 : i32
      %dma_start3A_89 = tpu.memref_slice %arg3[%add3A_82, %dma_start3A_88] : memref<2560x128xi32, #tpu.memory_space<hbm>> -> memref<16x128xi32, #tpu.memory_space<hbm>>
      %dma_start3A_90 = arith.constant 0 : i32
      %dma_start3A_91 = arith.constant 0 : i32
      %dma_start3A_92 = tpu.memref_slice %arg7[%dma_start3A_83, %dma_start3A_90, %dma_start3A_91] : memref<2x16x128xi32, #tpu.memory_space<vmem>> -> memref<1x16x128xi32, #tpu.memory_space<vmem>>
      %dma_start3A_93 = tpu.memref_squeeze %dma_start3A_92 : memref<1x16x128xi32, #tpu.memory_space<vmem>> -> memref<16x128xi32, #tpu.memory_space<vmem>>
      %dma_start3A_94 = arith.constant 0 : i32
      %dma_start3A_95 = tpu.memref_slice %arg3[%add3A_82, %dma_start3A_94] : memref<2560x128xi32, #tpu.memory_space<hbm>> -> memref<16x128xi32, #tpu.memory_space<hbm>>
      tpu.enqueue_dma source(%dma_start3A_95 : memref<16x128xi32, #tpu.memory_space<hbm>>) target(%dma_start3A_93 : memref<16x128xi32, #tpu.memory_space<vmem>>) target_semaphore(%arg15 : memref<!tpu.dma_semaphore, #tpu.memory_space<semaphore_mem>>)
      %add3A_96 = arith.constant 16 : i32
      %add3A_97 = arith.addi %add3A_22, %add3A_96 : i32
      %dma_start3A_98 = arith.constant 1 : i32
      %dma_start3A_99 = arith.constant 0 : i32
      %dma_start3A_100 = arith.constant 0 : i32
      %dma_start3A_101 = tpu.memref_slice %arg8[%dma_start3A_98, %dma_start3A_99, %dma_start3A_100] : memref<2x16x128xi32, #tpu.memory_space<vmem>> -> memref<1x16x128xi32, #tpu.memory_space<vmem>>
      %dma_start3A_102 = tpu.memref_squeeze %dma_start3A_101 : memref<1x16x128xi32, #tpu.memory_space<vmem>> -> memref<16x128xi32, #tpu.memory_space<vmem>>
      %dma_start3A_103 = arith.constant 0 : i32
      %dma_start3A_104 = tpu.memref_slice %arg4[%add3A_97, %dma_start3A_103] : memref<2560x128xi32, #tpu.memory_space<hbm>> -> memref<16x128xi32, #tpu.memory_space<hbm>>
      %dma_start3A_105 = arith.constant 0 : i32
      %dma_start3A_106 = arith.constant 0 : i32
      %dma_start3A_107 = tpu.memref_slice %arg8[%dma_start3A_98, %dma_start3A_105, %dma_start3A_106] : memref<2x16x128xi32, #tpu.memory_space<vmem>> -> memref<1x16x128xi32, #tpu.memory_space<vmem>>
      %dma_start3A_108 = tpu.memref_squeeze %dma_start3A_107 : memref<1x16x128xi32, #tpu.memory_space<vmem>> -> memref<16x128xi32, #tpu.memory_space<vmem>>
      %dma_start3A_109 = arith.constant 0 : i32
      %dma_start3A_110 = tpu.memref_slice %arg4[%add3A_97, %dma_start3A_109] : memref<2560x128xi32, #tpu.memory_space<hbm>> -> memref<16x128xi32, #tpu.memory_space<hbm>>
      tpu.enqueue_dma source(%dma_start3A_110 : memref<16x128xi32, #tpu.memory_space<hbm>>) target(%dma_start3A_108 : memref<16x128xi32, #tpu.memory_space<vmem>>) target_semaphore(%arg15 : memref<!tpu.dma_semaphore, #tpu.memory_space<semaphore_mem>>)
      %dma_start3A_111 = arith.constant 0 : i32
      %dma_start3A_112 = arith.constant 0 : i32
      %dma_start3A_113 = arith.constant 0 : i32
      %dma_start3A_114 = tpu.memref_slice %arg7[%dma_start3A_111, %dma_start3A_112, %dma_start3A_113] : memref<2x16x128xi32, #tpu.memory_space<vmem>> -> memref<1x1x128xi32, #tpu.memory_space<vmem>>
      %dma_start3A_115 = tpu.memref_squeeze %dma_start3A_114 : memref<1x1x128xi32, #tpu.memory_space<vmem>> -> memref<128xi32, #tpu.memory_space<vmem>>
      %dma_start3A_116 = arith.constant 0 : i32
      %dma_start3A_117 = arith.constant 0 : i32
      %dma_start3A_118 = tpu.memref_slice %arg2[%dma_start3A_116, %dma_start3A_117] : memref<10000x128xf32, #tpu.memory_space<hbm>> -> memref<10000x128xf32, #tpu.memory_space<hbm>>
      tpu.enqueue_indirect_dma source(%dma_start3A_118 : memref<10000x128xf32, #tpu.memory_space<hbm>>) target(%arg9 : memref<128x128xf32, #tpu.memory_space<vmem>>) offsets(%dma_start3A_115 : memref<128xi32, #tpu.memory_space<vmem>>) semaphore(%arg11 : memref<!tpu.dma_semaphore, #tpu.memory_space<semaphore_mem>>)
      %scan3A_119 = arith.constant 0 : i32
      %scan3A_120 = arith.constant 0 : i32
      %scan3A_121 = arith.constant 40 : i32
      %scan3A_122 = arith.addi %scan3A_120, %scan3A_121 : i32
      %scan3A_123 = arith.constant 1 : i32
      %scan3A_124 = scf.for %scan3A_126 = %scan3A_120 to %scan3A_122 step %scan3A_123 iter_args(%scan3A_127 = %scan3A_119) -> (i32)  : i32 {
        %jit3A = arith.constant 8 : i32
        %div3A = arith.divsi %scan3A_126, %jit3A : i32
        %sign3A = arith.constant 0 : i32
        %sign3A_128 = arith.cmpi sgt, %scan3A_126, %sign3A : i32
        %sign3A_129 = arith.extui %sign3A_128 : i1 to i32
        %sign3A_130 = arith.constant 0 : i32
        %sign3A_131 = arith.cmpi slt, %scan3A_126, %sign3A_130 : i32
        %sign3A_132 = arith.extui %sign3A_131 : i1 to i32
        %sign3A_133 = arith.subi %sign3A_129, %sign3A_132 : i32
        %sign3A_134 = arith.constant 0 : i32
        %sign3A_135 = arith.cmpi sgt, %jit3A, %sign3A_134 : i32
        %sign3A_136 = arith.extui %sign3A_135 : i1 to i32
        %sign3A_137 = arith.constant 0 : i32
        %sign3A_138 = arith.cmpi slt, %jit3A, %sign3A_137 : i32
        %sign3A_139 = arith.extui %sign3A_138 : i1 to i32
        %sign3A_140 = arith.subi %sign3A_136, %sign3A_139 : i32
        %ne3A = arith.cmpi ne, %sign3A_133, %sign3A_140 : i32
        %rem3A = arith.remsi %scan3A_126, %jit3A : i32
        %ne3A_141 = arith.constant 0 : i32
        %ne3A_142 = arith.cmpi ne, %rem3A, %ne3A_141 : i32
        %and3A = arith.andi %ne3A, %ne3A_142 : i1
        %sub3A = arith.constant 1 : i32
        %sub3A_143 = arith.subi %div3A, %sub3A : i32
        %select_n3A = arith.select %and3A, %sub3A_143, %div3A : i32
        %jit3A_144 = arith.constant 2 : i32
        %eq3A_145 = arith.constant 0 : i32
        %eq3A_146 = arith.cmpi eq, %jit3A_144, %eq3A_145 : i32
        %jit3A_147 = arith.constant 1 : i32
        %select_n3A_148 = arith.select %eq3A_146, %jit3A_147, %jit3A_144 : i32
        %rem3A_149 = arith.remsi %select_n3A, %select_n3A_148 : i32
        %ne3A_150 = arith.constant 0 : i32
        %ne3A_151 = arith.cmpi ne, %rem3A_149, %ne3A_150 : i32
        %lt3A = arith.constant 0 : i32
        %lt3A_152 = arith.cmpi slt, %rem3A_149, %lt3A : i32
        %lt3A_153 = arith.constant 0 : i32
        %lt3A_154 = arith.cmpi slt, %select_n3A_148, %lt3A_153 : i32
        %ne3A_155 = arith.xori %lt3A_152, %lt3A_154 : i1
        %and3A_156 = arith.andi %ne3A_155, %ne3A_151 : i1
        %add3A_157 = arith.addi %rem3A_149, %select_n3A_148 : i32
        %select_n3A_158 = arith.select %and3A_156, %add3A_157, %rem3A_149 : i32
        %jit3A_159 = arith.constant 8 : i32
        %eq3A_160 = arith.constant 0 : i32
        %eq3A_161 = arith.cmpi eq, %jit3A_159, %eq3A_160 : i32
        %jit3A_162 = arith.constant 1 : i32
        %select_n3A_163 = arith.select %eq3A_161, %jit3A_162, %jit3A_159 : i32
        %rem3A_164 = arith.remsi %scan3A_126, %select_n3A_163 : i32
        %ne3A_165 = arith.constant 0 : i32
        %ne3A_166 = arith.cmpi ne, %rem3A_164, %ne3A_165 : i32
        %lt3A_167 = arith.constant 0 : i32
        %lt3A_168 = arith.cmpi slt, %rem3A_164, %lt3A_167 : i32
        %lt3A_169 = arith.constant 0 : i32
        %lt3A_170 = arith.cmpi slt, %select_n3A_163, %lt3A_169 : i32
        %ne3A_171 = arith.xori %lt3A_168, %lt3A_170 : i1
        %and3A_172 = arith.andi %ne3A_171, %ne3A_166 : i1
        %add3A_173 = arith.addi %rem3A_164, %select_n3A_163 : i32
        %select_n3A_174 = arith.select %and3A_172, %add3A_173, %rem3A_164 : i32
        %mul3A_175 = arith.constant 2 : i32
        %mul3A_176 = arith.muli %mul3A_175, %select_n3A_174 : i32
        %dma_wait3A_177 = arith.constant 0 : i32
        %dma_wait3A_178 = arith.constant 0 : i32
        %dma_wait3A_179 = arith.constant 0 : i32
        %dma_wait3A_180 = tpu.memref_slice %arg7[%dma_wait3A_177, %dma_wait3A_178, %dma_wait3A_179] : memref<2x16x128xi32, #tpu.memory_space<vmem>> -> memref<1x1x128xi32, #tpu.memory_space<vmem>>
        %dma_wait3A_181 = tpu.memref_squeeze %dma_wait3A_180 : memref<1x1x128xi32, #tpu.memory_space<vmem>> -> memref<128xi32, #tpu.memory_space<vmem>>
        %dma_wait3A_182 = arith.constant 0 : i32
        %dma_wait3A_183 = arith.constant 0 : i32
        %dma_wait3A_184 = tpu.memref_slice %arg2[%dma_wait3A_182, %dma_wait3A_183] : memref<10000x128xf32, #tpu.memory_space<hbm>> -> memref<10000x128xf32, #tpu.memory_space<hbm>>
        tpu.wait_indirect_dma semaphore(%arg11 : memref<!tpu.dma_semaphore, #tpu.memory_space<semaphore_mem>>) src(%dma_wait3A_184 : memref<10000x128xf32, #tpu.memory_space<hbm>>) dst(%arg9 : memref<128x128xf32, #tpu.memory_space<vmem>>)
        %dma_start3A_185 = arith.constant 0 : i32
        %dma_start3A_186 = tpu.memref_slice %arg8[%select_n3A_158, %mul3A_176, %dma_start3A_185] : memref<2x16x128xi32, #tpu.memory_space<vmem>> -> memref<1x1x128xi32, #tpu.memory_space<vmem>>
        %dma_start3A_187 = tpu.memref_squeeze %dma_start3A_186 : memref<1x1x128xi32, #tpu.memory_space<vmem>> -> memref<128xi32, #tpu.memory_space<vmem>>
        %dma_start3A_188 = arith.constant 0 : i32
        %dma_start3A_189 = arith.constant 0 : i32
        %dma_start3A_190 = tpu.memref_slice %arg6[%dma_start3A_188, %dma_start3A_189] : memref<10128x128xf32, #tpu.memory_space<vmem_shared>> -> memref<10128x128xf32, #tpu.memory_space<vmem_shared>>
        tpu.enqueue_indirect_dma source(%arg9 : memref<128x128xf32, #tpu.memory_space<vmem>>) target(%dma_start3A_190 : memref<10128x128xf32, #tpu.memory_space<vmem_shared>>) offsets(%dma_start3A_187 : memref<128xi32, #tpu.memory_space<vmem>>) semaphore(%arg13 : memref<!tpu.dma_semaphore, #tpu.memory_space<semaphore_mem>>) {add = true}
        %gt3A = arith.constant 0 : i32
        %gt3A_191 = arith.cmpi sgt, %scan3A_126, %gt3A : i32
        %convert_element_type3A_192 = arith.extui %gt3A_191 : i1 to i32
        %cond3A_193 = arith.constant 0 : i32
        %cond3A_194 = arith.cmpi ne, %convert_element_type3A_192, %cond3A_193 : i32
        scf.if %cond3A_194 {
          %dma_wait3A_297 = arith.constant 0 : i32
          %dma_wait3A_298 = arith.constant 0 : i32
          %dma_wait3A_299 = arith.constant 0 : i32
          %dma_wait3A_300 = tpu.memref_slice %arg8[%dma_wait3A_297, %dma_wait3A_298, %dma_wait3A_299] : memref<2x16x128xi32, #tpu.memory_space<vmem>> -> memref<1x1x128xi32, #tpu.memory_space<vmem>>
          %dma_wait3A_301 = tpu.memref_squeeze %dma_wait3A_300 : memref<1x1x128xi32, #tpu.memory_space<vmem>> -> memref<128xi32, #tpu.memory_space<vmem>>
          %dma_wait3A_302 = arith.constant 0 : i32
          %dma_wait3A_303 = arith.constant 0 : i32
          %dma_wait3A_304 = tpu.memref_slice %arg6[%dma_wait3A_302, %dma_wait3A_303] : memref<10128x128xf32, #tpu.memory_space<vmem_shared>> -> memref<10128x128xf32, #tpu.memory_space<vmem_shared>>
          tpu.wait_indirect_dma semaphore(%arg14 : memref<!tpu.dma_semaphore, #tpu.memory_space<semaphore_mem>>) src(%arg10 : memref<128x128xf32, #tpu.memory_space<vmem>>) dst(%dma_wait3A_304 : memref<10128x128xf32, #tpu.memory_space<vmem_shared>>)
        } else {
        }
        %jit3A_195 = arith.constant 8 : i32
        %eq3A_196 = arith.constant 0 : i32
        %eq3A_197 = arith.cmpi eq, %jit3A_195, %eq3A_196 : i32
        %jit3A_198 = arith.constant 1 : i32
        %select_n3A_199 = arith.select %eq3A_197, %jit3A_198, %jit3A_195 : i32
        %rem3A_200 = arith.remsi %scan3A_126, %select_n3A_199 : i32
        %ne3A_201 = arith.constant 0 : i32
        %ne3A_202 = arith.cmpi ne, %rem3A_200, %ne3A_201 : i32
        %lt3A_203 = arith.constant 0 : i32
        %lt3A_204 = arith.cmpi slt, %rem3A_200, %lt3A_203 : i32
        %lt3A_205 = arith.constant 0 : i32
        %lt3A_206 = arith.cmpi slt, %select_n3A_199, %lt3A_205 : i32
        %ne3A_207 = arith.xori %lt3A_204, %lt3A_206 : i1
        %and3A_208 = arith.andi %ne3A_207, %ne3A_202 : i1
        %add3A_209 = arith.addi %rem3A_200, %select_n3A_199 : i32
        %select_n3A_210 = arith.select %and3A_208, %add3A_209, %rem3A_200 : i32
        %eq3A_211 = arith.constant 0 : i32
        %eq3A_212 = arith.cmpi eq, %select_n3A_210, %eq3A_211 : i32
        %gt3A_213 = arith.constant 0 : i32
        %gt3A_214 = arith.cmpi sgt, %scan3A_126, %gt3A_213 : i32
        %and3A_215 = arith.andi %eq3A_212, %gt3A_214 : i1
        %lt3A_216 = arith.constant 4 : i32
        %lt3A_217 = arith.cmpi slt, %select_n3A, %lt3A_216 : i32
        %and3A_218 = arith.andi %and3A_215, %lt3A_217 : i1
        %convert_element_type3A_219 = arith.extui %and3A_218 : i1 to i32
        %cond3A_220 = arith.constant 0 : i32
        %cond3A_221 = arith.cmpi ne, %convert_element_type3A_219, %cond3A_220 : i32
        scf.if %cond3A_221 {
          %add3A_297 = arith.constant 1 : i32
          %add3A_298 = arith.addi %select_n3A, %add3A_297 : i32
          %add3A_299 = arith.constant 1 : i32
          %add3A_300 = arith.addi %select_n3A, %add3A_299 : i32
          %jit3A_301 = arith.constant 2 : i32
          %eq3A_302 = arith.constant 0 : i32
          %eq3A_303 = arith.cmpi eq, %jit3A_301, %eq3A_302 : i32
          %jit3A_304 = arith.constant 1 : i32
          %select_n3A_305 = arith.select %eq3A_303, %jit3A_304, %jit3A_301 : i32
          %rem3A_306 = arith.remsi %add3A_300, %select_n3A_305 : i32
          %ne3A_307 = arith.constant 0 : i32
          %ne3A_308 = arith.cmpi ne, %rem3A_306, %ne3A_307 : i32
          %lt3A_309 = arith.constant 0 : i32
          %lt3A_310 = arith.cmpi slt, %rem3A_306, %lt3A_309 : i32
          %lt3A_311 = arith.constant 0 : i32
          %lt3A_312 = arith.cmpi slt, %select_n3A_305, %lt3A_311 : i32
          %ne3A_313 = arith.xori %lt3A_310, %lt3A_312 : i1
          %and3A_314 = arith.andi %ne3A_313, %ne3A_308 : i1
          %add3A_315 = arith.addi %rem3A_306, %select_n3A_305 : i32
          %select_n3A_316 = arith.select %and3A_314, %add3A_315, %rem3A_306 : i32
          %mul3A_317 = arith.constant 16 : i32
          %mul3A_318 = arith.muli %add3A_298, %mul3A_317 : i32
          %add3A_319 = arith.addi %add3A_22, %mul3A_318 : i32
          %dma_start3A_320 = arith.constant 0 : i32
          %dma_start3A_321 = arith.constant 0 : i32
          %dma_start3A_322 = tpu.memref_slice %arg7[%select_n3A_316, %dma_start3A_320, %dma_start3A_321] : memref<2x16x128xi32, #tpu.memory_space<vmem>> -> memref<1x16x128xi32, #tpu.memory_space<vmem>>
          %dma_start3A_323 = tpu.memref_squeeze %dma_start3A_322 : memref<1x16x128xi32, #tpu.memory_space<vmem>> -> memref<16x128xi32, #tpu.memory_space<vmem>>
          %dma_start3A_324 = arith.constant 0 : i32
          %dma_start3A_325 = tpu.memref_slice %arg3[%add3A_319, %dma_start3A_324] : memref<2560x128xi32, #tpu.memory_space<hbm>> -> memref<16x128xi32, #tpu.memory_space<hbm>>
          %dma_start3A_326 = arith.constant 0 : i32
          %dma_start3A_327 = arith.constant 0 : i32
          %dma_start3A_328 = tpu.memref_slice %arg7[%select_n3A_316, %dma_start3A_326, %dma_start3A_327] : memref<2x16x128xi32, #tpu.memory_space<vmem>> -> memref<1x16x128xi32, #tpu.memory_space<vmem>>
          %dma_start3A_329 = tpu.memref_squeeze %dma_start3A_328 : memref<1x16x128xi32, #tpu.memory_space<vmem>> -> memref<16x128xi32, #tpu.memory_space<vmem>>
          %dma_start3A_330 = arith.constant 0 : i32
          %dma_start3A_331 = tpu.memref_slice %arg3[%add3A_319, %dma_start3A_330] : memref<2560x128xi32, #tpu.memory_space<hbm>> -> memref<16x128xi32, #tpu.memory_space<hbm>>
          tpu.enqueue_dma source(%dma_start3A_331 : memref<16x128xi32, #tpu.memory_space<hbm>>) target(%dma_start3A_329 : memref<16x128xi32, #tpu.memory_space<vmem>>) target_semaphore(%arg15 : memref<!tpu.dma_semaphore, #tpu.memory_space<semaphore_mem>>)
          %mul3A_332 = arith.constant 16 : i32
          %mul3A_333 = arith.muli %add3A_298, %mul3A_332 : i32
          %add3A_334 = arith.addi %add3A_22, %mul3A_333 : i32
          %dma_start3A_335 = arith.constant 0 : i32
          %dma_start3A_336 = arith.constant 0 : i32
          %dma_start3A_337 = tpu.memref_slice %arg8[%select_n3A_316, %dma_start3A_335, %dma_start3A_336] : memref<2x16x128xi32, #tpu.memory_space<vmem>> -> memref<1x16x128xi32, #tpu.memory_space<vmem>>
          %dma_start3A_338 = tpu.memref_squeeze %dma_start3A_337 : memref<1x16x128xi32, #tpu.memory_space<vmem>> -> memref<16x128xi32, #tpu.memory_space<vmem>>
          %dma_start3A_339 = arith.constant 0 : i32
          %dma_start3A_340 = tpu.memref_slice %arg4[%add3A_334, %dma_start3A_339] : memref<2560x128xi32, #tpu.memory_space<hbm>> -> memref<16x128xi32, #tpu.memory_space<hbm>>
          %dma_start3A_341 = arith.constant 0 : i32
          %dma_start3A_342 = arith.constant 0 : i32
          %dma_start3A_343 = tpu.memref_slice %arg8[%select_n3A_316, %dma_start3A_341, %dma_start3A_342] : memref<2x16x128xi32, #tpu.memory_space<vmem>> -> memref<1x16x128xi32, #tpu.memory_space<vmem>>
          %dma_start3A_344 = tpu.memref_squeeze %dma_start3A_343 : memref<1x16x128xi32, #tpu.memory_space<vmem>> -> memref<16x128xi32, #tpu.memory_space<vmem>>
          %dma_start3A_345 = arith.constant 0 : i32
          %dma_start3A_346 = tpu.memref_slice %arg4[%add3A_334, %dma_start3A_345] : memref<2560x128xi32, #tpu.memory_space<hbm>> -> memref<16x128xi32, #tpu.memory_space<hbm>>
          tpu.enqueue_dma source(%dma_start3A_346 : memref<16x128xi32, #tpu.memory_space<hbm>>) target(%dma_start3A_344 : memref<16x128xi32, #tpu.memory_space<vmem>>) target_semaphore(%arg15 : memref<!tpu.dma_semaphore, #tpu.memory_space<semaphore_mem>>)
        } else {
        }
        %add3A_222 = arith.constant 1 : i32
        %add3A_223 = arith.addi %mul3A_176, %add3A_222 : i32
        %dma_start3A_224 = arith.constant 0 : i32
        %dma_start3A_225 = tpu.memref_slice %arg7[%select_n3A_158, %add3A_223, %dma_start3A_224] : memref<2x16x128xi32, #tpu.memory_space<vmem>> -> memref<1x1x128xi32, #tpu.memory_space<vmem>>
        %dma_start3A_226 = tpu.memref_squeeze %dma_start3A_225 : memref<1x1x128xi32, #tpu.memory_space<vmem>> -> memref<128xi32, #tpu.memory_space<vmem>>
        %dma_start3A_227 = arith.constant 0 : i32
        %dma_start3A_228 = arith.constant 0 : i32
        %dma_start3A_229 = tpu.memref_slice %arg2[%dma_start3A_227, %dma_start3A_228] : memref<10000x128xf32, #tpu.memory_space<hbm>> -> memref<10000x128xf32, #tpu.memory_space<hbm>>
        tpu.enqueue_indirect_dma source(%dma_start3A_229 : memref<10000x128xf32, #tpu.memory_space<hbm>>) target(%arg10 : memref<128x128xf32, #tpu.memory_space<vmem>>) offsets(%dma_start3A_226 : memref<128xi32, #tpu.memory_space<vmem>>) semaphore(%arg12 : memref<!tpu.dma_semaphore, #tpu.memory_space<semaphore_mem>>)
        %dma_wait3A_230 = arith.constant 0 : i32
        %dma_wait3A_231 = arith.constant 0 : i32
        %dma_wait3A_232 = arith.constant 0 : i32
        %dma_wait3A_233 = tpu.memref_slice %arg7[%dma_wait3A_230, %dma_wait3A_231, %dma_wait3A_232] : memref<2x16x128xi32, #tpu.memory_space<vmem>> -> memref<1x1x128xi32, #tpu.memory_space<vmem>>
        %dma_wait3A_234 = tpu.memref_squeeze %dma_wait3A_233 : memref<1x1x128xi32, #tpu.memory_space<vmem>> -> memref<128xi32, #tpu.memory_space<vmem>>
        %dma_wait3A_235 = arith.constant 0 : i32
        %dma_wait3A_236 = arith.constant 0 : i32
        %dma_wait3A_237 = tpu.memref_slice %arg2[%dma_wait3A_235, %dma_wait3A_236] : memref<10000x128xf32, #tpu.memory_space<hbm>> -> memref<10000x128xf32, #tpu.memory_space<hbm>>
        tpu.wait_indirect_dma semaphore(%arg12 : memref<!tpu.dma_semaphore, #tpu.memory_space<semaphore_mem>>) src(%dma_wait3A_237 : memref<10000x128xf32, #tpu.memory_space<hbm>>) dst(%arg10 : memref<128x128xf32, #tpu.memory_space<vmem>>)
        %add3A_238 = arith.constant 1 : i32
        %add3A_239 = arith.addi %mul3A_176, %add3A_238 : i32
        %dma_start3A_240 = arith.constant 0 : i32
        %dma_start3A_241 = tpu.memref_slice %arg8[%select_n3A_158, %add3A_239, %dma_start3A_240] : memref<2x16x128xi32, #tpu.memory_space<vmem>> -> memref<1x1x128xi32, #tpu.memory_space<vmem>>
        %dma_start3A_242 = tpu.memref_squeeze %dma_start3A_241 : memref<1x1x128xi32, #tpu.memory_space<vmem>> -> memref<128xi32, #tpu.memory_space<vmem>>
        %dma_start3A_243 = arith.constant 0 : i32
        %dma_start3A_244 = arith.constant 0 : i32
        %dma_start3A_245 = tpu.memref_slice %arg6[%dma_start3A_243, %dma_start3A_244] : memref<10128x128xf32, #tpu.memory_space<vmem_shared>> -> memref<10128x128xf32, #tpu.memory_space<vmem_shared>>
        tpu.enqueue_indirect_dma source(%arg10 : memref<128x128xf32, #tpu.memory_space<vmem>>) target(%dma_start3A_245 : memref<10128x128xf32, #tpu.memory_space<vmem_shared>>) offsets(%dma_start3A_242 : memref<128xi32, #tpu.memory_space<vmem>>) semaphore(%arg14 : memref<!tpu.dma_semaphore, #tpu.memory_space<semaphore_mem>>) {add = true}
        %dma_wait3A_246 = arith.constant 0 : i32
        %dma_wait3A_247 = arith.constant 0 : i32
        %dma_wait3A_248 = arith.constant 0 : i32
        %dma_wait3A_249 = tpu.memref_slice %arg8[%dma_wait3A_246, %dma_wait3A_247, %dma_wait3A_248] : memref<2x16x128xi32, #tpu.memory_space<vmem>> -> memref<1x1x128xi32, #tpu.memory_space<vmem>>
        %dma_wait3A_250 = tpu.memref_squeeze %dma_wait3A_249 : memref<1x1x128xi32, #tpu.memory_space<vmem>> -> memref<128xi32, #tpu.memory_space<vmem>>
        %dma_wait3A_251 = arith.constant 0 : i32
        %dma_wait3A_252 = arith.constant 0 : i32
        %dma_wait3A_253 = tpu.memref_slice %arg6[%dma_wait3A_251, %dma_wait3A_252] : memref<10128x128xf32, #tpu.memory_space<vmem_shared>> -> memref<10128x128xf32, #tpu.memory_space<vmem_shared>>
        tpu.wait_indirect_dma semaphore(%arg13 : memref<!tpu.dma_semaphore, #tpu.memory_space<semaphore_mem>>) src(%arg9 : memref<128x128xf32, #tpu.memory_space<vmem>>) dst(%dma_wait3A_253 : memref<10128x128xf32, #tpu.memory_space<vmem_shared>>)
        %jit3A_254 = arith.constant 8 : i32
        %eq3A_255 = arith.constant 0 : i32
        %eq3A_256 = arith.cmpi eq, %jit3A_254, %eq3A_255 : i32
        %jit3A_257 = arith.constant 1 : i32
        %select_n3A_258 = arith.select %eq3A_256, %jit3A_257, %jit3A_254 : i32
        %rem3A_259 = arith.remsi %scan3A_126, %select_n3A_258 : i32
        %ne3A_260 = arith.constant 0 : i32
        %ne3A_261 = arith.cmpi ne, %rem3A_259, %ne3A_260 : i32
        %lt3A_262 = arith.constant 0 : i32
        %lt3A_263 = arith.cmpi slt, %rem3A_259, %lt3A_262 : i32
        %lt3A_264 = arith.constant 0 : i32
        %lt3A_265 = arith.cmpi slt, %select_n3A_258, %lt3A_264 : i32
        %ne3A_266 = arith.xori %lt3A_263, %lt3A_265 : i1
        %and3A_267 = arith.andi %ne3A_266, %ne3A_261 : i1
        %add3A_268 = arith.addi %rem3A_259, %select_n3A_258 : i32
        %select_n3A_269 = arith.select %and3A_267, %add3A_268, %rem3A_259 : i32
        %eq3A_270 = arith.constant 7 : i32
        %eq3A_271 = arith.cmpi eq, %select_n3A_269, %eq3A_270 : i32
        %convert_element_type3A_272 = arith.extui %eq3A_271 : i1 to i32
        %cond3A_273 = arith.constant 0 : i32
        %cond3A_274 = arith.cmpi ne, %convert_element_type3A_272, %cond3A_273 : i32
        scf.if %cond3A_274 {
          %lt3A_297 = arith.constant 39 : i32
          %lt3A_298 = arith.cmpi slt, %scan3A_126, %lt3A_297 : i32
          %convert_element_type3A_299 = arith.extui %lt3A_298 : i1 to i32
          %cond3A_300 = arith.constant 0 : i32
          %cond3A_301 = arith.cmpi ne, %convert_element_type3A_299, %cond3A_300 : i32
          scf.if %cond3A_301 {
            %dma_wait3A_306 = arith.constant 0 : i32
            %dma_wait3A_307 = arith.constant 0 : i32
            %dma_wait3A_308 = arith.constant 0 : i32
            %dma_wait3A_309 = tpu.memref_slice %arg7[%dma_wait3A_306, %dma_wait3A_307, %dma_wait3A_308] : memref<2x16x128xi32, #tpu.memory_space<vmem>> -> memref<1x16x128xi32, #tpu.memory_space<vmem>>
            %dma_wait3A_310 = tpu.memref_squeeze %dma_wait3A_309 : memref<1x16x128xi32, #tpu.memory_space<vmem>> -> memref<16x128xi32, #tpu.memory_space<vmem>>
            %dma_wait3A_311 = arith.constant 0 : i32
            %dma_wait3A_312 = arith.constant 0 : i32
            %dma_wait3A_313 = tpu.memref_slice %arg3[%dma_wait3A_311, %dma_wait3A_312] : memref<2560x128xi32, #tpu.memory_space<hbm>> -> memref<16x128xi32, #tpu.memory_space<hbm>>
            %dma_wait3A_314 = arith.constant 0 : i32
            %dma_wait3A_315 = arith.constant 0 : i32
            %dma_wait3A_316 = tpu.memref_slice %arg7[%dma_wait3A_306, %dma_wait3A_314, %dma_wait3A_315] : memref<2x16x128xi32, #tpu.memory_space<vmem>> -> memref<1x16x128xi32, #tpu.memory_space<vmem>>
            %dma_wait3A_317 = tpu.memref_squeeze %dma_wait3A_316 : memref<1x16x128xi32, #tpu.memory_space<vmem>> -> memref<16x128xi32, #tpu.memory_space<vmem>>
            %dma_wait3A_318 = arith.constant 0 : i32
            %dma_wait3A_319 = arith.constant 0 : i32
            %dma_wait3A_320 = tpu.memref_slice %arg3[%dma_wait3A_318, %dma_wait3A_319] : memref<2560x128xi32, #tpu.memory_space<hbm>> -> memref<16x128xi32, #tpu.memory_space<hbm>>
            tpu.wait_dma2 semaphore(%arg15 : memref<!tpu.dma_semaphore, #tpu.memory_space<semaphore_mem>>) src(%dma_wait3A_320 : memref<16x128xi32, #tpu.memory_space<hbm>>) dst(%dma_wait3A_317 : memref<16x128xi32, #tpu.memory_space<vmem>>)
            %dma_wait3A_321 = arith.constant 0 : i32
            %dma_wait3A_322 = arith.constant 0 : i32
            %dma_wait3A_323 = arith.constant 0 : i32
            %dma_wait3A_324 = tpu.memref_slice %arg8[%dma_wait3A_321, %dma_wait3A_322, %dma_wait3A_323] : memref<2x16x128xi32, #tpu.memory_space<vmem>> -> memref<1x16x128xi32, #tpu.memory_space<vmem>>
            %dma_wait3A_325 = tpu.memref_squeeze %dma_wait3A_324 : memref<1x16x128xi32, #tpu.memory_space<vmem>> -> memref<16x128xi32, #tpu.memory_space<vmem>>
            %dma_wait3A_326 = arith.constant 0 : i32
            %dma_wait3A_327 = arith.constant 0 : i32
            %dma_wait3A_328 = tpu.memref_slice %arg4[%dma_wait3A_326, %dma_wait3A_327] : memref<2560x128xi32, #tpu.memory_space<hbm>> -> memref<16x128xi32, #tpu.memory_space<hbm>>
            %dma_wait3A_329 = arith.constant 0 : i32
            %dma_wait3A_330 = arith.constant 0 : i32
            %dma_wait3A_331 = tpu.memref_slice %arg8[%dma_wait3A_321, %dma_wait3A_329, %dma_wait3A_330] : memref<2x16x128xi32, #tpu.memory_space<vmem>> -> memref<1x16x128xi32, #tpu.memory_space<vmem>>
            %dma_wait3A_332 = tpu.memref_squeeze %dma_wait3A_331 : memref<1x16x128xi32, #tpu.memory_space<vmem>> -> memref<16x128xi32, #tpu.memory_space<vmem>>
            %dma_wait3A_333 = arith.constant 0 : i32
            %dma_wait3A_334 = arith.constant 0 : i32
            %dma_wait3A_335 = tpu.memref_slice %arg4[%dma_wait3A_333, %dma_wait3A_334] : memref<2560x128xi32, #tpu.memory_space<hbm>> -> memref<16x128xi32, #tpu.memory_space<hbm>>
            tpu.wait_dma2 semaphore(%arg15 : memref<!tpu.dma_semaphore, #tpu.memory_space<semaphore_mem>>) src(%dma_wait3A_335 : memref<16x128xi32, #tpu.memory_space<hbm>>) dst(%dma_wait3A_332 : memref<16x128xi32, #tpu.memory_space<vmem>>)
            %add3A_336 = arith.constant 1 : i32
            %add3A_337 = arith.addi %select_n3A, %add3A_336 : i32
            %jit3A_338 = arith.constant 2 : i32
            %eq3A_339 = arith.constant 0 : i32
            %eq3A_340 = arith.cmpi eq, %jit3A_338, %eq3A_339 : i32
            %jit3A_341 = arith.constant 1 : i32
            %select_n3A_342 = arith.select %eq3A_340, %jit3A_341, %jit3A_338 : i32
            %rem3A_343 = arith.remsi %add3A_337, %select_n3A_342 : i32
            %ne3A_344 = arith.constant 0 : i32
            %ne3A_345 = arith.cmpi ne, %rem3A_343, %ne3A_344 : i32
            %lt3A_346 = arith.constant 0 : i32
            %lt3A_347 = arith.cmpi slt, %rem3A_343, %lt3A_346 : i32
            %lt3A_348 = arith.constant 0 : i32
            %lt3A_349 = arith.cmpi slt, %select_n3A_342, %lt3A_348 : i32
            %ne3A_350 = arith.xori %lt3A_347, %lt3A_349 : i1
            %and3A_351 = arith.andi %ne3A_350, %ne3A_345 : i1
            %add3A_352 = arith.addi %rem3A_343, %select_n3A_342 : i32
            %select_n3A_353 = arith.select %and3A_351, %add3A_352, %rem3A_343 : i32
            %dma_start3A_354 = arith.constant 0 : i32
            %dma_start3A_355 = arith.constant 0 : i32
            %dma_start3A_356 = tpu.memref_slice %arg7[%select_n3A_353, %dma_start3A_354, %dma_start3A_355] : memref<2x16x128xi32, #tpu.memory_space<vmem>> -> memref<1x1x128xi32, #tpu.memory_space<vmem>>
            %dma_start3A_357 = tpu.memref_squeeze %dma_start3A_356 : memref<1x1x128xi32, #tpu.memory_space<vmem>> -> memref<128xi32, #tpu.memory_space<vmem>>
            %dma_start3A_358 = arith.constant 0 : i32
            %dma_start3A_359 = arith.constant 0 : i32
            %dma_start3A_360 = tpu.memref_slice %arg2[%dma_start3A_358, %dma_start3A_359] : memref<10000x128xf32, #tpu.memory_space<hbm>> -> memref<10000x128xf32, #tpu.memory_space<hbm>>
            tpu.enqueue_indirect_dma source(%dma_start3A_360 : memref<10000x128xf32, #tpu.memory_space<hbm>>) target(%arg9 : memref<128x128xf32, #tpu.memory_space<vmem>>) offsets(%dma_start3A_357 : memref<128xi32, #tpu.memory_space<vmem>>) semaphore(%arg11 : memref<!tpu.dma_semaphore, #tpu.memory_space<semaphore_mem>>)
          } else {
          }
          %ge3A = arith.constant 39 : i32
          %ge3A_302 = arith.cmpi sge, %scan3A_126, %ge3A : i32
          %convert_element_type3A_303 = arith.extui %ge3A_302 : i1 to i32
          %cond3A_304 = arith.constant 0 : i32
          %cond3A_305 = arith.cmpi ne, %convert_element_type3A_303, %cond3A_304 : i32
          scf.if %cond3A_305 {
            %dma_wait3A_306 = arith.constant 0 : i32
            %dma_wait3A_307 = arith.constant 0 : i32
            %dma_wait3A_308 = arith.constant 0 : i32
            %dma_wait3A_309 = tpu.memref_slice %arg8[%dma_wait3A_306, %dma_wait3A_307, %dma_wait3A_308] : memref<2x16x128xi32, #tpu.memory_space<vmem>> -> memref<1x1x128xi32, #tpu.memory_space<vmem>>
            %dma_wait3A_310 = tpu.memref_squeeze %dma_wait3A_309 : memref<1x1x128xi32, #tpu.memory_space<vmem>> -> memref<128xi32, #tpu.memory_space<vmem>>
            %dma_wait3A_311 = arith.constant 0 : i32
            %dma_wait3A_312 = arith.constant 0 : i32
            %dma_wait3A_313 = tpu.memref_slice %arg6[%dma_wait3A_311, %dma_wait3A_312] : memref<10128x128xf32, #tpu.memory_space<vmem_shared>> -> memref<10128x128xf32, #tpu.memory_space<vmem_shared>>
            tpu.wait_indirect_dma semaphore(%arg14 : memref<!tpu.dma_semaphore, #tpu.memory_space<semaphore_mem>>) src(%arg10 : memref<128x128xf32, #tpu.memory_space<vmem>>) dst(%dma_wait3A_313 : memref<10128x128xf32, #tpu.memory_space<vmem_shared>>)
          } else {
          }
        } else {
        }
        %jit3A_275 = arith.constant 8 : i32
        %eq3A_276 = arith.constant 0 : i32
        %eq3A_277 = arith.cmpi eq, %jit3A_275, %eq3A_276 : i32
        %jit3A_278 = arith.constant 1 : i32
        %select_n3A_279 = arith.select %eq3A_277, %jit3A_278, %jit3A_275 : i32
        %rem3A_280 = arith.remsi %scan3A_126, %select_n3A_279 : i32
        %ne3A_281 = arith.constant 0 : i32
        %ne3A_282 = arith.cmpi ne, %rem3A_280, %ne3A_281 : i32
        %lt3A_283 = arith.constant 0 : i32
        %lt3A_284 = arith.cmpi slt, %rem3A_280, %lt3A_283 : i32
        %lt3A_285 = arith.constant 0 : i32
        %lt3A_286 = arith.cmpi slt, %select_n3A_279, %lt3A_285 : i32
        %ne3A_287 = arith.xori %lt3A_284, %lt3A_286 : i1
        %and3A_288 = arith.andi %ne3A_287, %ne3A_282 : i1
        %add3A_289 = arith.addi %rem3A_280, %select_n3A_279 : i32
        %select_n3A_290 = arith.select %and3A_288, %add3A_289, %rem3A_280 : i32
        %ne3A_291 = arith.constant 7 : i32
        %ne3A_292 = arith.cmpi ne, %select_n3A_290, %ne3A_291 : i32
        %convert_element_type3A_293 = arith.extui %ne3A_292 : i1 to i32
        %cond3A_294 = arith.constant 0 : i32
        %cond3A_295 = arith.cmpi ne, %convert_element_type3A_293, %cond3A_294 : i32
        scf.if %cond3A_295 {
          %add3A_297 = arith.constant 2 : i32
          %add3A_298 = arith.addi %mul3A_176, %add3A_297 : i32
          %dma_start3A_299 = arith.constant 0 : i32
          %dma_start3A_300 = tpu.memref_slice %arg7[%select_n3A_158, %add3A_298, %dma_start3A_299] : memref<2x16x128xi32, #tpu.memory_space<vmem>> -> memref<1x1x128xi32, #tpu.memory_space<vmem>>
          %dma_start3A_301 = tpu.memref_squeeze %dma_start3A_300 : memref<1x1x128xi32, #tpu.memory_space<vmem>> -> memref<128xi32, #tpu.memory_space<vmem>>
          %dma_start3A_302 = arith.constant 0 : i32
          %dma_start3A_303 = arith.constant 0 : i32
          %dma_start3A_304 = tpu.memref_slice %arg2[%dma_start3A_302, %dma_start3A_303] : memref<10000x128xf32, #tpu.memory_space<hbm>> -> memref<10000x128xf32, #tpu.memory_space<hbm>>
          tpu.enqueue_indirect_dma source(%dma_start3A_304 : memref<10000x128xf32, #tpu.memory_space<hbm>>) target(%arg9 : memref<128x128xf32, #tpu.memory_space<vmem>>) offsets(%dma_start3A_301 : memref<128xi32, #tpu.memory_space<vmem>>) semaphore(%arg11 : memref<!tpu.dma_semaphore, #tpu.memory_space<semaphore_mem>>)
        } else {
        }
        %scan3A_296 = arith.constant 0 : i32
        scf.yield %scan3A_296 : i32
      }
      %scan3A_125 = arith.constant 40 : i32
    } else {
    }
    %eq3A_8 = arith.constant 1 : i32
    %eq3A_9 = arith.cmpi eq, %arg0, %eq3A_8 : i32
    %convert_element_type3A_10 = arith.extui %eq3A_9 : i1 to i32
    %cond3A_11 = arith.constant 0 : i32
    %cond3A_12 = arith.cmpi ne, %convert_element_type3A_10, %cond3A_11 : i32
    scf.if %cond3A_12 {
      %mul3A = arith.constant 80 : i32
      %mul3A_21 = arith.muli %arg1, %mul3A : i32
      %add3A = arith.constant 0 : i32
      %add3A_22 = arith.addi %mul3A_21, %add3A : i32
      %dma_start3A = arith.constant 0 : i32
      %dma_start3A_23 = arith.constant 0 : i32
      %dma_start3A_24 = arith.constant 0 : i32
      %dma_start3A_25 = tpu.memref_slice %arg7[%dma_start3A, %dma_start3A_23, %dma_start3A_24] : memref<2x16x128xi32, #tpu.memory_space<vmem>> -> memref<1x16x128xi32, #tpu.memory_space<vmem>>
      %dma_start3A_26 = tpu.memref_squeeze %dma_start3A_25 : memref<1x16x128xi32, #tpu.memory_space<vmem>> -> memref<16x128xi32, #tpu.memory_space<vmem>>
      %dma_start3A_27 = arith.constant 0 : i32
      %dma_start3A_28 = tpu.memref_slice %arg3[%add3A_22, %dma_start3A_27] : memref<2560x128xi32, #tpu.memory_space<hbm>> -> memref<16x128xi32, #tpu.memory_space<hbm>>
      %dma_start3A_29 = arith.constant 0 : i32
      %dma_start3A_30 = arith.constant 0 : i32
      %dma_start3A_31 = tpu.memref_slice %arg7[%dma_start3A, %dma_start3A_29, %dma_start3A_30] : memref<2x16x128xi32, #tpu.memory_space<vmem>> -> memref<1x16x128xi32, #tpu.memory_space<vmem>>
      %dma_start3A_32 = tpu.memref_squeeze %dma_start3A_31 : memref<1x16x128xi32, #tpu.memory_space<vmem>> -> memref<16x128xi32, #tpu.memory_space<vmem>>
      %dma_start3A_33 = arith.constant 0 : i32
      %dma_start3A_34 = tpu.memref_slice %arg3[%add3A_22, %dma_start3A_33] : memref<2560x128xi32, #tpu.memory_space<hbm>> -> memref<16x128xi32, #tpu.memory_space<hbm>>
      tpu.enqueue_dma source(%dma_start3A_34 : memref<16x128xi32, #tpu.memory_space<hbm>>) target(%dma_start3A_32 : memref<16x128xi32, #tpu.memory_space<vmem>>) target_semaphore(%arg15 : memref<!tpu.dma_semaphore, #tpu.memory_space<semaphore_mem>>)
      %add3A_35 = arith.constant 0 : i32
      %add3A_36 = arith.addi %mul3A_21, %add3A_35 : i32
      %dma_start3A_37 = arith.constant 0 : i32
      %dma_start3A_38 = arith.constant 0 : i32
      %dma_start3A_39 = arith.constant 0 : i32
      %dma_start3A_40 = tpu.memref_slice %arg8[%dma_start3A_37, %dma_start3A_38, %dma_start3A_39] : memref<2x16x128xi32, #tpu.memory_space<vmem>> -> memref<1x16x128xi32, #tpu.memory_space<vmem>>
      %dma_start3A_41 = tpu.memref_squeeze %dma_start3A_40 : memref<1x16x128xi32, #tpu.memory_space<vmem>> -> memref<16x128xi32, #tpu.memory_space<vmem>>
      %dma_start3A_42 = arith.constant 0 : i32
      %dma_start3A_43 = tpu.memref_slice %arg4[%add3A_36, %dma_start3A_42] : memref<2560x128xi32, #tpu.memory_space<hbm>> -> memref<16x128xi32, #tpu.memory_space<hbm>>
      %dma_start3A_44 = arith.constant 0 : i32
      %dma_start3A_45 = arith.constant 0 : i32
      %dma_start3A_46 = tpu.memref_slice %arg8[%dma_start3A_37, %dma_start3A_44, %dma_start3A_45] : memref<2x16x128xi32, #tpu.memory_space<vmem>> -> memref<1x16x128xi32, #tpu.memory_space<vmem>>
      %dma_start3A_47 = tpu.memref_squeeze %dma_start3A_46 : memref<1x16x128xi32, #tpu.memory_space<vmem>> -> memref<16x128xi32, #tpu.memory_space<vmem>>
      %dma_start3A_48 = arith.constant 0 : i32
      %dma_start3A_49 = tpu.memref_slice %arg4[%add3A_36, %dma_start3A_48] : memref<2560x128xi32, #tpu.memory_space<hbm>> -> memref<16x128xi32, #tpu.memory_space<hbm>>
      tpu.enqueue_dma source(%dma_start3A_49 : memref<16x128xi32, #tpu.memory_space<hbm>>) target(%dma_start3A_47 : memref<16x128xi32, #tpu.memory_space<vmem>>) target_semaphore(%arg15 : memref<!tpu.dma_semaphore, #tpu.memory_space<semaphore_mem>>)
      %dma_wait3A = arith.constant 0 : i32
      %dma_wait3A_50 = arith.constant 0 : i32
      %dma_wait3A_51 = arith.constant 0 : i32
      %dma_wait3A_52 = tpu.memref_slice %arg7[%dma_wait3A, %dma_wait3A_50, %dma_wait3A_51] : memref<2x16x128xi32, #tpu.memory_space<vmem>> -> memref<1x16x128xi32, #tpu.memory_space<vmem>>
      %dma_wait3A_53 = tpu.memref_squeeze %dma_wait3A_52 : memref<1x16x128xi32, #tpu.memory_space<vmem>> -> memref<16x128xi32, #tpu.memory_space<vmem>>
      %dma_wait3A_54 = arith.constant 0 : i32
      %dma_wait3A_55 = arith.constant 0 : i32
      %dma_wait3A_56 = tpu.memref_slice %arg3[%dma_wait3A_54, %dma_wait3A_55] : memref<2560x128xi32, #tpu.memory_space<hbm>> -> memref<16x128xi32, #tpu.memory_space<hbm>>
      %dma_wait3A_57 = arith.constant 0 : i32
      %dma_wait3A_58 = arith.constant 0 : i32
      %dma_wait3A_59 = tpu.memref_slice %arg7[%dma_wait3A, %dma_wait3A_57, %dma_wait3A_58] : memref<2x16x128xi32, #tpu.memory_space<vmem>> -> memref<1x16x128xi32, #tpu.memory_space<vmem>>
      %dma_wait3A_60 = tpu.memref_squeeze %dma_wait3A_59 : memref<1x16x128xi32, #tpu.memory_space<vmem>> -> memref<16x128xi32, #tpu.memory_space<vmem>>
      %dma_wait3A_61 = arith.constant 0 : i32
      %dma_wait3A_62 = arith.constant 0 : i32
      %dma_wait3A_63 = tpu.memref_slice %arg3[%dma_wait3A_61, %dma_wait3A_62] : memref<2560x128xi32, #tpu.memory_space<hbm>> -> memref<16x128xi32, #tpu.memory_space<hbm>>
      tpu.wait_dma2 semaphore(%arg15 : memref<!tpu.dma_semaphore, #tpu.memory_space<semaphore_mem>>) src(%dma_wait3A_63 : memref<16x128xi32, #tpu.memory_space<hbm>>) dst(%dma_wait3A_60 : memref<16x128xi32, #tpu.memory_space<vmem>>)
      %dma_wait3A_64 = arith.constant 0 : i32
      %dma_wait3A_65 = arith.constant 0 : i32
      %dma_wait3A_66 = arith.constant 0 : i32
      %dma_wait3A_67 = tpu.memref_slice %arg8[%dma_wait3A_64, %dma_wait3A_65, %dma_wait3A_66] : memref<2x16x128xi32, #tpu.memory_space<vmem>> -> memref<1x16x128xi32, #tpu.memory_space<vmem>>
      %dma_wait3A_68 = tpu.memref_squeeze %dma_wait3A_67 : memref<1x16x128xi32, #tpu.memory_space<vmem>> -> memref<16x128xi32, #tpu.memory_space<vmem>>
      %dma_wait3A_69 = arith.constant 0 : i32
      %dma_wait3A_70 = arith.constant 0 : i32
      %dma_wait3A_71 = tpu.memref_slice %arg4[%dma_wait3A_69, %dma_wait3A_70] : memref<2560x128xi32, #tpu.memory_space<hbm>> -> memref<16x128xi32, #tpu.memory_space<hbm>>
      %dma_wait3A_72 = arith.constant 0 : i32
      %dma_wait3A_73 = arith.constant 0 : i32
      %dma_wait3A_74 = tpu.memref_slice %arg8[%dma_wait3A_64, %dma_wait3A_72, %dma_wait3A_73] : memref<2x16x128xi32, #tpu.memory_space<vmem>> -> memref<1x16x128xi32, #tpu.memory_space<vmem>>
      %dma_wait3A_75 = tpu.memref_squeeze %dma_wait3A_74 : memref<1x16x128xi32, #tpu.memory_space<vmem>> -> memref<16x128xi32, #tpu.memory_space<vmem>>
      %dma_wait3A_76 = arith.constant 0 : i32
      %dma_wait3A_77 = arith.constant 0 : i32
      %dma_wait3A_78 = tpu.memref_slice %arg4[%dma_wait3A_76, %dma_wait3A_77] : memref<2560x128xi32, #tpu.memory_space<hbm>> -> memref<16x128xi32, #tpu.memory_space<hbm>>
      tpu.wait_dma2 semaphore(%arg15 : memref<!tpu.dma_semaphore, #tpu.memory_space<semaphore_mem>>) src(%dma_wait3A_78 : memref<16x128xi32, #tpu.memory_space<hbm>>) dst(%dma_wait3A_75 : memref<16x128xi32, #tpu.memory_space<vmem>>)
      %add3A_79 = arith.constant 16 : i32
      %add3A_80 = arith.addi %mul3A_21, %add3A_79 : i32
      %dma_start3A_81 = arith.constant 1 : i32
      %dma_start3A_82 = arith.constant 0 : i32
      %dma_start3A_83 = arith.constant 0 : i32
      %dma_start3A_84 = tpu.memref_slice %arg7[%dma_start3A_81, %dma_start3A_82, %dma_start3A_83] : memref<2x16x128xi32, #tpu.memory_space<vmem>> -> memref<1x16x128xi32, #tpu.memory_space<vmem>>
      %dma_start3A_85 = tpu.memref_squeeze %dma_start3A_84 : memref<1x16x128xi32, #tpu.memory_space<vmem>> -> memref<16x128xi32, #tpu.memory_space<vmem>>
      %dma_start3A_86 = arith.constant 0 : i32
      %dma_start3A_87 = tpu.memref_slice %arg3[%add3A_80, %dma_start3A_86] : memref<2560x128xi32, #tpu.memory_space<hbm>> -> memref<16x128xi32, #tpu.memory_space<hbm>>
      %dma_start3A_88 = arith.constant 0 : i32
      %dma_start3A_89 = arith.constant 0 : i32
      %dma_start3A_90 = tpu.memref_slice %arg7[%dma_start3A_81, %dma_start3A_88, %dma_start3A_89] : memref<2x16x128xi32, #tpu.memory_space<vmem>> -> memref<1x16x128xi32, #tpu.memory_space<vmem>>
      %dma_start3A_91 = tpu.memref_squeeze %dma_start3A_90 : memref<1x16x128xi32, #tpu.memory_space<vmem>> -> memref<16x128xi32, #tpu.memory_space<vmem>>
      %dma_start3A_92 = arith.constant 0 : i32
      %dma_start3A_93 = tpu.memref_slice %arg3[%add3A_80, %dma_start3A_92] : memref<2560x128xi32, #tpu.memory_space<hbm>> -> memref<16x128xi32, #tpu.memory_space<hbm>>
      tpu.enqueue_dma source(%dma_start3A_93 : memref<16x128xi32, #tpu.memory_space<hbm>>) target(%dma_start3A_91 : memref<16x128xi32, #tpu.memory_space<vmem>>) target_semaphore(%arg15 : memref<!tpu.dma_semaphore, #tpu.memory_space<semaphore_mem>>)
      %add3A_94 = arith.constant 16 : i32
      %add3A_95 = arith.addi %mul3A_21, %add3A_94 : i32
      %dma_start3A_96 = arith.constant 1 : i32
      %dma_start3A_97 = arith.constant 0 : i32
      %dma_start3A_98 = arith.constant 0 : i32
      %dma_start3A_99 = tpu.memref_slice %arg8[%dma_start3A_96, %dma_start3A_97, %dma_start3A_98] : memref<2x16x128xi32, #tpu.memory_space<vmem>> -> memref<1x16x128xi32, #tpu.memory_space<vmem>>
      %dma_start3A_100 = tpu.memref_squeeze %dma_start3A_99 : memref<1x16x128xi32, #tpu.memory_space<vmem>> -> memref<16x128xi32, #tpu.memory_space<vmem>>
      %dma_start3A_101 = arith.constant 0 : i32
      %dma_start3A_102 = tpu.memref_slice %arg4[%add3A_95, %dma_start3A_101] : memref<2560x128xi32, #tpu.memory_space<hbm>> -> memref<16x128xi32, #tpu.memory_space<hbm>>
      %dma_start3A_103 = arith.constant 0 : i32
      %dma_start3A_104 = arith.constant 0 : i32
      %dma_start3A_105 = tpu.memref_slice %arg8[%dma_start3A_96, %dma_start3A_103, %dma_start3A_104] : memref<2x16x128xi32, #tpu.memory_space<vmem>> -> memref<1x16x128xi32, #tpu.memory_space<vmem>>
      %dma_start3A_106 = tpu.memref_squeeze %dma_start3A_105 : memref<1x16x128xi32, #tpu.memory_space<vmem>> -> memref<16x128xi32, #tpu.memory_space<vmem>>
      %dma_start3A_107 = arith.constant 0 : i32
      %dma_start3A_108 = tpu.memref_slice %arg4[%add3A_95, %dma_start3A_107] : memref<2560x128xi32, #tpu.memory_space<hbm>> -> memref<16x128xi32, #tpu.memory_space<hbm>>
      tpu.enqueue_dma source(%dma_start3A_108 : memref<16x128xi32, #tpu.memory_space<hbm>>) target(%dma_start3A_106 : memref<16x128xi32, #tpu.memory_space<vmem>>) target_semaphore(%arg15 : memref<!tpu.dma_semaphore, #tpu.memory_space<semaphore_mem>>)
      %dma_start3A_109 = arith.constant 0 : i32
      %dma_start3A_110 = arith.constant 0 : i32
      %dma_start3A_111 = arith.constant 0 : i32
      %dma_start3A_112 = tpu.memref_slice %arg7[%dma_start3A_109, %dma_start3A_110, %dma_start3A_111] : memref<2x16x128xi32, #tpu.memory_space<vmem>> -> memref<1x1x128xi32, #tpu.memory_space<vmem>>
      %dma_start3A_113 = tpu.memref_squeeze %dma_start3A_112 : memref<1x1x128xi32, #tpu.memory_space<vmem>> -> memref<128xi32, #tpu.memory_space<vmem>>
      %dma_start3A_114 = arith.constant 0 : i32
      %dma_start3A_115 = arith.constant 0 : i32
      %dma_start3A_116 = tpu.memref_slice %arg2[%dma_start3A_114, %dma_start3A_115] : memref<10000x128xf32, #tpu.memory_space<hbm>> -> memref<10000x128xf32, #tpu.memory_space<hbm>>
      tpu.enqueue_indirect_dma source(%dma_start3A_116 : memref<10000x128xf32, #tpu.memory_space<hbm>>) target(%arg9 : memref<128x128xf32, #tpu.memory_space<vmem>>) offsets(%dma_start3A_113 : memref<128xi32, #tpu.memory_space<vmem>>) semaphore(%arg11 : memref<!tpu.dma_semaphore, #tpu.memory_space<semaphore_mem>>)
      %scan3A_117 = arith.constant 0 : i32
      %scan3A_118 = arith.constant 0 : i32
      %scan3A_119 = arith.constant 40 : i32
      %scan3A_120 = arith.addi %scan3A_118, %scan3A_119 : i32
      %scan3A_121 = arith.constant 1 : i32
      %scan3A_122 = scf.for %scan3A_124 = %scan3A_118 to %scan3A_120 step %scan3A_121 iter_args(%scan3A_125 = %scan3A_117) -> (i32)  : i32 {
        %jit3A = arith.constant 8 : i32
        %div3A = arith.divsi %scan3A_124, %jit3A : i32
        %sign3A = arith.constant 0 : i32
        %sign3A_126 = arith.cmpi sgt, %scan3A_124, %sign3A : i32
        %sign3A_127 = arith.extui %sign3A_126 : i1 to i32
        %sign3A_128 = arith.constant 0 : i32
        %sign3A_129 = arith.cmpi slt, %scan3A_124, %sign3A_128 : i32
        %sign3A_130 = arith.extui %sign3A_129 : i1 to i32
        %sign3A_131 = arith.subi %sign3A_127, %sign3A_130 : i32
        %sign3A_132 = arith.constant 0 : i32
        %sign3A_133 = arith.cmpi sgt, %jit3A, %sign3A_132 : i32
        %sign3A_134 = arith.extui %sign3A_133 : i1 to i32
        %sign3A_135 = arith.constant 0 : i32
        %sign3A_136 = arith.cmpi slt, %jit3A, %sign3A_135 : i32
        %sign3A_137 = arith.extui %sign3A_136 : i1 to i32
        %sign3A_138 = arith.subi %sign3A_134, %sign3A_137 : i32
        %ne3A = arith.cmpi ne, %sign3A_131, %sign3A_138 : i32
        %rem3A = arith.remsi %scan3A_124, %jit3A : i32
        %ne3A_139 = arith.constant 0 : i32
        %ne3A_140 = arith.cmpi ne, %rem3A, %ne3A_139 : i32
        %and3A = arith.andi %ne3A, %ne3A_140 : i1
        %sub3A = arith.constant 1 : i32
        %sub3A_141 = arith.subi %div3A, %sub3A : i32
        %select_n3A = arith.select %and3A, %sub3A_141, %div3A : i32
        %jit3A_142 = arith.constant 2 : i32
        %eq3A_143 = arith.constant 0 : i32
        %eq3A_144 = arith.cmpi eq, %jit3A_142, %eq3A_143 : i32
        %jit3A_145 = arith.constant 1 : i32
        %select_n3A_146 = arith.select %eq3A_144, %jit3A_145, %jit3A_142 : i32
        %rem3A_147 = arith.remsi %select_n3A, %select_n3A_146 : i32
        %ne3A_148 = arith.constant 0 : i32
        %ne3A_149 = arith.cmpi ne, %rem3A_147, %ne3A_148 : i32
        %lt3A = arith.constant 0 : i32
        %lt3A_150 = arith.cmpi slt, %rem3A_147, %lt3A : i32
        %lt3A_151 = arith.constant 0 : i32
        %lt3A_152 = arith.cmpi slt, %select_n3A_146, %lt3A_151 : i32
        %ne3A_153 = arith.xori %lt3A_150, %lt3A_152 : i1
        %and3A_154 = arith.andi %ne3A_153, %ne3A_149 : i1
        %add3A_155 = arith.addi %rem3A_147, %select_n3A_146 : i32
        %select_n3A_156 = arith.select %and3A_154, %add3A_155, %rem3A_147 : i32
        %jit3A_157 = arith.constant 8 : i32
        %eq3A_158 = arith.constant 0 : i32
        %eq3A_159 = arith.cmpi eq, %jit3A_157, %eq3A_158 : i32
        %jit3A_160 = arith.constant 1 : i32
        %select_n3A_161 = arith.select %eq3A_159, %jit3A_160, %jit3A_157 : i32
        %rem3A_162 = arith.remsi %scan3A_124, %select_n3A_161 : i32
        %ne3A_163 = arith.constant 0 : i32
        %ne3A_164 = arith.cmpi ne, %rem3A_162, %ne3A_163 : i32
        %lt3A_165 = arith.constant 0 : i32
        %lt3A_166 = arith.cmpi slt, %rem3A_162, %lt3A_165 : i32
        %lt3A_167 = arith.constant 0 : i32
        %lt3A_168 = arith.cmpi slt, %select_n3A_161, %lt3A_167 : i32
        %ne3A_169 = arith.xori %lt3A_166, %lt3A_168 : i1
        %and3A_170 = arith.andi %ne3A_169, %ne3A_164 : i1
        %add3A_171 = arith.addi %rem3A_162, %select_n3A_161 : i32
        %select_n3A_172 = arith.select %and3A_170, %add3A_171, %rem3A_162 : i32
        %mul3A_173 = arith.constant 2 : i32
        %mul3A_174 = arith.muli %mul3A_173, %select_n3A_172 : i32
        %dma_wait3A_175 = arith.constant 0 : i32
        %dma_wait3A_176 = arith.constant 0 : i32
        %dma_wait3A_177 = arith.constant 0 : i32
        %dma_wait3A_178 = tpu.memref_slice %arg7[%dma_wait3A_175, %dma_wait3A_176, %dma_wait3A_177] : memref<2x16x128xi32, #tpu.memory_space<vmem>> -> memref<1x1x128xi32, #tpu.memory_space<vmem>>
        %dma_wait3A_179 = tpu.memref_squeeze %dma_wait3A_178 : memref<1x1x128xi32, #tpu.memory_space<vmem>> -> memref<128xi32, #tpu.memory_space<vmem>>
        %dma_wait3A_180 = arith.constant 0 : i32
        %dma_wait3A_181 = arith.constant 0 : i32
        %dma_wait3A_182 = tpu.memref_slice %arg2[%dma_wait3A_180, %dma_wait3A_181] : memref<10000x128xf32, #tpu.memory_space<hbm>> -> memref<10000x128xf32, #tpu.memory_space<hbm>>
        tpu.wait_indirect_dma semaphore(%arg11 : memref<!tpu.dma_semaphore, #tpu.memory_space<semaphore_mem>>) src(%dma_wait3A_182 : memref<10000x128xf32, #tpu.memory_space<hbm>>) dst(%arg9 : memref<128x128xf32, #tpu.memory_space<vmem>>)
        %dma_start3A_183 = arith.constant 0 : i32
        %dma_start3A_184 = tpu.memref_slice %arg8[%select_n3A_156, %mul3A_174, %dma_start3A_183] : memref<2x16x128xi32, #tpu.memory_space<vmem>> -> memref<1x1x128xi32, #tpu.memory_space<vmem>>
        %dma_start3A_185 = tpu.memref_squeeze %dma_start3A_184 : memref<1x1x128xi32, #tpu.memory_space<vmem>> -> memref<128xi32, #tpu.memory_space<vmem>>
        %dma_start3A_186 = arith.constant 0 : i32
        %dma_start3A_187 = arith.constant 0 : i32
        %dma_start3A_188 = tpu.memref_slice %arg6[%dma_start3A_186, %dma_start3A_187] : memref<10128x128xf32, #tpu.memory_space<vmem_shared>> -> memref<10128x128xf32, #tpu.memory_space<vmem_shared>>
        tpu.enqueue_indirect_dma source(%arg9 : memref<128x128xf32, #tpu.memory_space<vmem>>) target(%dma_start3A_188 : memref<10128x128xf32, #tpu.memory_space<vmem_shared>>) offsets(%dma_start3A_185 : memref<128xi32, #tpu.memory_space<vmem>>) semaphore(%arg13 : memref<!tpu.dma_semaphore, #tpu.memory_space<semaphore_mem>>) {add = true}
        %gt3A = arith.constant 0 : i32
        %gt3A_189 = arith.cmpi sgt, %scan3A_124, %gt3A : i32
        %convert_element_type3A_190 = arith.extui %gt3A_189 : i1 to i32
        %cond3A_191 = arith.constant 0 : i32
        %cond3A_192 = arith.cmpi ne, %convert_element_type3A_190, %cond3A_191 : i32
        scf.if %cond3A_192 {
          %dma_wait3A_295 = arith.constant 0 : i32
          %dma_wait3A_296 = arith.constant 0 : i32
          %dma_wait3A_297 = arith.constant 0 : i32
          %dma_wait3A_298 = tpu.memref_slice %arg8[%dma_wait3A_295, %dma_wait3A_296, %dma_wait3A_297] : memref<2x16x128xi32, #tpu.memory_space<vmem>> -> memref<1x1x128xi32, #tpu.memory_space<vmem>>
          %dma_wait3A_299 = tpu.memref_squeeze %dma_wait3A_298 : memref<1x1x128xi32, #tpu.memory_space<vmem>> -> memref<128xi32, #tpu.memory_space<vmem>>
          %dma_wait3A_300 = arith.constant 0 : i32
          %dma_wait3A_301 = arith.constant 0 : i32
          %dma_wait3A_302 = tpu.memref_slice %arg6[%dma_wait3A_300, %dma_wait3A_301] : memref<10128x128xf32, #tpu.memory_space<vmem_shared>> -> memref<10128x128xf32, #tpu.memory_space<vmem_shared>>
          tpu.wait_indirect_dma semaphore(%arg14 : memref<!tpu.dma_semaphore, #tpu.memory_space<semaphore_mem>>) src(%arg10 : memref<128x128xf32, #tpu.memory_space<vmem>>) dst(%dma_wait3A_302 : memref<10128x128xf32, #tpu.memory_space<vmem_shared>>)
        } else {
        }
        %jit3A_193 = arith.constant 8 : i32
        %eq3A_194 = arith.constant 0 : i32
        %eq3A_195 = arith.cmpi eq, %jit3A_193, %eq3A_194 : i32
        %jit3A_196 = arith.constant 1 : i32
        %select_n3A_197 = arith.select %eq3A_195, %jit3A_196, %jit3A_193 : i32
        %rem3A_198 = arith.remsi %scan3A_124, %select_n3A_197 : i32
        %ne3A_199 = arith.constant 0 : i32
        %ne3A_200 = arith.cmpi ne, %rem3A_198, %ne3A_199 : i32
        %lt3A_201 = arith.constant 0 : i32
        %lt3A_202 = arith.cmpi slt, %rem3A_198, %lt3A_201 : i32
        %lt3A_203 = arith.constant 0 : i32
        %lt3A_204 = arith.cmpi slt, %select_n3A_197, %lt3A_203 : i32
        %ne3A_205 = arith.xori %lt3A_202, %lt3A_204 : i1
        %and3A_206 = arith.andi %ne3A_205, %ne3A_200 : i1
        %add3A_207 = arith.addi %rem3A_198, %select_n3A_197 : i32
        %select_n3A_208 = arith.select %and3A_206, %add3A_207, %rem3A_198 : i32
        %eq3A_209 = arith.constant 0 : i32
        %eq3A_210 = arith.cmpi eq, %select_n3A_208, %eq3A_209 : i32
        %gt3A_211 = arith.constant 0 : i32
        %gt3A_212 = arith.cmpi sgt, %scan3A_124, %gt3A_211 : i32
        %and3A_213 = arith.andi %eq3A_210, %gt3A_212 : i1
        %lt3A_214 = arith.constant 4 : i32
        %lt3A_215 = arith.cmpi slt, %select_n3A, %lt3A_214 : i32
        %and3A_216 = arith.andi %and3A_213, %lt3A_215 : i1
        %convert_element_type3A_217 = arith.extui %and3A_216 : i1 to i32
        %cond3A_218 = arith.constant 0 : i32
        %cond3A_219 = arith.cmpi ne, %convert_element_type3A_217, %cond3A_218 : i32
        scf.if %cond3A_219 {
          %add3A_295 = arith.constant 1 : i32
          %add3A_296 = arith.addi %select_n3A, %add3A_295 : i32
          %add3A_297 = arith.constant 1 : i32
          %add3A_298 = arith.addi %select_n3A, %add3A_297 : i32
          %jit3A_299 = arith.constant 2 : i32
          %eq3A_300 = arith.constant 0 : i32
          %eq3A_301 = arith.cmpi eq, %jit3A_299, %eq3A_300 : i32
          %jit3A_302 = arith.constant 1 : i32
          %select_n3A_303 = arith.select %eq3A_301, %jit3A_302, %jit3A_299 : i32
          %rem3A_304 = arith.remsi %add3A_298, %select_n3A_303 : i32
          %ne3A_305 = arith.constant 0 : i32
          %ne3A_306 = arith.cmpi ne, %rem3A_304, %ne3A_305 : i32
          %lt3A_307 = arith.constant 0 : i32
          %lt3A_308 = arith.cmpi slt, %rem3A_304, %lt3A_307 : i32
          %lt3A_309 = arith.constant 0 : i32
          %lt3A_310 = arith.cmpi slt, %select_n3A_303, %lt3A_309 : i32
          %ne3A_311 = arith.xori %lt3A_308, %lt3A_310 : i1
          %and3A_312 = arith.andi %ne3A_311, %ne3A_306 : i1
          %add3A_313 = arith.addi %rem3A_304, %select_n3A_303 : i32
          %select_n3A_314 = arith.select %and3A_312, %add3A_313, %rem3A_304 : i32
          %mul3A_315 = arith.constant 16 : i32
          %mul3A_316 = arith.muli %add3A_296, %mul3A_315 : i32
          %add3A_317 = arith.addi %mul3A_21, %mul3A_316 : i32
          %dma_start3A_318 = arith.constant 0 : i32
          %dma_start3A_319 = arith.constant 0 : i32
          %dma_start3A_320 = tpu.memref_slice %arg7[%select_n3A_314, %dma_start3A_318, %dma_start3A_319] : memref<2x16x128xi32, #tpu.memory_space<vmem>> -> memref<1x16x128xi32, #tpu.memory_space<vmem>>
          %dma_start3A_321 = tpu.memref_squeeze %dma_start3A_320 : memref<1x16x128xi32, #tpu.memory_space<vmem>> -> memref<16x128xi32, #tpu.memory_space<vmem>>
          %dma_start3A_322 = arith.constant 0 : i32
          %dma_start3A_323 = tpu.memref_slice %arg3[%add3A_317, %dma_start3A_322] : memref<2560x128xi32, #tpu.memory_space<hbm>> -> memref<16x128xi32, #tpu.memory_space<hbm>>
          %dma_start3A_324 = arith.constant 0 : i32
          %dma_start3A_325 = arith.constant 0 : i32
          %dma_start3A_326 = tpu.memref_slice %arg7[%select_n3A_314, %dma_start3A_324, %dma_start3A_325] : memref<2x16x128xi32, #tpu.memory_space<vmem>> -> memref<1x16x128xi32, #tpu.memory_space<vmem>>
          %dma_start3A_327 = tpu.memref_squeeze %dma_start3A_326 : memref<1x16x128xi32, #tpu.memory_space<vmem>> -> memref<16x128xi32, #tpu.memory_space<vmem>>
          %dma_start3A_328 = arith.constant 0 : i32
          %dma_start3A_329 = tpu.memref_slice %arg3[%add3A_317, %dma_start3A_328] : memref<2560x128xi32, #tpu.memory_space<hbm>> -> memref<16x128xi32, #tpu.memory_space<hbm>>
          tpu.enqueue_dma source(%dma_start3A_329 : memref<16x128xi32, #tpu.memory_space<hbm>>) target(%dma_start3A_327 : memref<16x128xi32, #tpu.memory_space<vmem>>) target_semaphore(%arg15 : memref<!tpu.dma_semaphore, #tpu.memory_space<semaphore_mem>>)
          %mul3A_330 = arith.constant 16 : i32
          %mul3A_331 = arith.muli %add3A_296, %mul3A_330 : i32
          %add3A_332 = arith.addi %mul3A_21, %mul3A_331 : i32
          %dma_start3A_333 = arith.constant 0 : i32
          %dma_start3A_334 = arith.constant 0 : i32
          %dma_start3A_335 = tpu.memref_slice %arg8[%select_n3A_314, %dma_start3A_333, %dma_start3A_334] : memref<2x16x128xi32, #tpu.memory_space<vmem>> -> memref<1x16x128xi32, #tpu.memory_space<vmem>>
          %dma_start3A_336 = tpu.memref_squeeze %dma_start3A_335 : memref<1x16x128xi32, #tpu.memory_space<vmem>> -> memref<16x128xi32, #tpu.memory_space<vmem>>
          %dma_start3A_337 = arith.constant 0 : i32
          %dma_start3A_338 = tpu.memref_slice %arg4[%add3A_332, %dma_start3A_337] : memref<2560x128xi32, #tpu.memory_space<hbm>> -> memref<16x128xi32, #tpu.memory_space<hbm>>
          %dma_start3A_339 = arith.constant 0 : i32
          %dma_start3A_340 = arith.constant 0 : i32
          %dma_start3A_341 = tpu.memref_slice %arg8[%select_n3A_314, %dma_start3A_339, %dma_start3A_340] : memref<2x16x128xi32, #tpu.memory_space<vmem>> -> memref<1x16x128xi32, #tpu.memory_space<vmem>>
          %dma_start3A_342 = tpu.memref_squeeze %dma_start3A_341 : memref<1x16x128xi32, #tpu.memory_space<vmem>> -> memref<16x128xi32, #tpu.memory_space<vmem>>
          %dma_start3A_343 = arith.constant 0 : i32
          %dma_start3A_344 = tpu.memref_slice %arg4[%add3A_332, %dma_start3A_343] : memref<2560x128xi32, #tpu.memory_space<hbm>> -> memref<16x128xi32, #tpu.memory_space<hbm>>
          tpu.enqueue_dma source(%dma_start3A_344 : memref<16x128xi32, #tpu.memory_space<hbm>>) target(%dma_start3A_342 : memref<16x128xi32, #tpu.memory_space<vmem>>) target_semaphore(%arg15 : memref<!tpu.dma_semaphore, #tpu.memory_space<semaphore_mem>>)
        } else {
        }
        %add3A_220 = arith.constant 1 : i32
        %add3A_221 = arith.addi %mul3A_174, %add3A_220 : i32
        %dma_start3A_222 = arith.constant 0 : i32
        %dma_start3A_223 = tpu.memref_slice %arg7[%select_n3A_156, %add3A_221, %dma_start3A_222] : memref<2x16x128xi32, #tpu.memory_space<vmem>> -> memref<1x1x128xi32, #tpu.memory_space<vmem>>
        %dma_start3A_224 = tpu.memref_squeeze %dma_start3A_223 : memref<1x1x128xi32, #tpu.memory_space<vmem>> -> memref<128xi32, #tpu.memory_space<vmem>>
        %dma_start3A_225 = arith.constant 0 : i32
        %dma_start3A_226 = arith.constant 0 : i32
        %dma_start3A_227 = tpu.memref_slice %arg2[%dma_start3A_225, %dma_start3A_226] : memref<10000x128xf32, #tpu.memory_space<hbm>> -> memref<10000x128xf32, #tpu.memory_space<hbm>>
        tpu.enqueue_indirect_dma source(%dma_start3A_227 : memref<10000x128xf32, #tpu.memory_space<hbm>>) target(%arg10 : memref<128x128xf32, #tpu.memory_space<vmem>>) offsets(%dma_start3A_224 : memref<128xi32, #tpu.memory_space<vmem>>) semaphore(%arg12 : memref<!tpu.dma_semaphore, #tpu.memory_space<semaphore_mem>>)
        %dma_wait3A_228 = arith.constant 0 : i32
        %dma_wait3A_229 = arith.constant 0 : i32
        %dma_wait3A_230 = arith.constant 0 : i32
        %dma_wait3A_231 = tpu.memref_slice %arg7[%dma_wait3A_228, %dma_wait3A_229, %dma_wait3A_230] : memref<2x16x128xi32, #tpu.memory_space<vmem>> -> memref<1x1x128xi32, #tpu.memory_space<vmem>>
        %dma_wait3A_232 = tpu.memref_squeeze %dma_wait3A_231 : memref<1x1x128xi32, #tpu.memory_space<vmem>> -> memref<128xi32, #tpu.memory_space<vmem>>
        %dma_wait3A_233 = arith.constant 0 : i32
        %dma_wait3A_234 = arith.constant 0 : i32
        %dma_wait3A_235 = tpu.memref_slice %arg2[%dma_wait3A_233, %dma_wait3A_234] : memref<10000x128xf32, #tpu.memory_space<hbm>> -> memref<10000x128xf32, #tpu.memory_space<hbm>>
        tpu.wait_indirect_dma semaphore(%arg12 : memref<!tpu.dma_semaphore, #tpu.memory_space<semaphore_mem>>) src(%dma_wait3A_235 : memref<10000x128xf32, #tpu.memory_space<hbm>>) dst(%arg10 : memref<128x128xf32, #tpu.memory_space<vmem>>)
        %add3A_236 = arith.constant 1 : i32
        %add3A_237 = arith.addi %mul3A_174, %add3A_236 : i32
        %dma_start3A_238 = arith.constant 0 : i32
        %dma_start3A_239 = tpu.memref_slice %arg8[%select_n3A_156, %add3A_237, %dma_start3A_238] : memref<2x16x128xi32, #tpu.memory_space<vmem>> -> memref<1x1x128xi32, #tpu.memory_space<vmem>>
        %dma_start3A_240 = tpu.memref_squeeze %dma_start3A_239 : memref<1x1x128xi32, #tpu.memory_space<vmem>> -> memref<128xi32, #tpu.memory_space<vmem>>
        %dma_start3A_241 = arith.constant 0 : i32
        %dma_start3A_242 = arith.constant 0 : i32
        %dma_start3A_243 = tpu.memref_slice %arg6[%dma_start3A_241, %dma_start3A_242] : memref<10128x128xf32, #tpu.memory_space<vmem_shared>> -> memref<10128x128xf32, #tpu.memory_space<vmem_shared>>
        tpu.enqueue_indirect_dma source(%arg10 : memref<128x128xf32, #tpu.memory_space<vmem>>) target(%dma_start3A_243 : memref<10128x128xf32, #tpu.memory_space<vmem_shared>>) offsets(%dma_start3A_240 : memref<128xi32, #tpu.memory_space<vmem>>) semaphore(%arg14 : memref<!tpu.dma_semaphore, #tpu.memory_space<semaphore_mem>>) {add = true}
        %dma_wait3A_244 = arith.constant 0 : i32
        %dma_wait3A_245 = arith.constant 0 : i32
        %dma_wait3A_246 = arith.constant 0 : i32
        %dma_wait3A_247 = tpu.memref_slice %arg8[%dma_wait3A_244, %dma_wait3A_245, %dma_wait3A_246] : memref<2x16x128xi32, #tpu.memory_space<vmem>> -> memref<1x1x128xi32, #tpu.memory_space<vmem>>
        %dma_wait3A_248 = tpu.memref_squeeze %dma_wait3A_247 : memref<1x1x128xi32, #tpu.memory_space<vmem>> -> memref<128xi32, #tpu.memory_space<vmem>>
        %dma_wait3A_249 = arith.constant 0 : i32
        %dma_wait3A_250 = arith.constant 0 : i32
        %dma_wait3A_251 = tpu.memref_slice %arg6[%dma_wait3A_249, %dma_wait3A_250] : memref<10128x128xf32, #tpu.memory_space<vmem_shared>> -> memref<10128x128xf32, #tpu.memory_space<vmem_shared>>
        tpu.wait_indirect_dma semaphore(%arg13 : memref<!tpu.dma_semaphore, #tpu.memory_space<semaphore_mem>>) src(%arg9 : memref<128x128xf32, #tpu.memory_space<vmem>>) dst(%dma_wait3A_251 : memref<10128x128xf32, #tpu.memory_space<vmem_shared>>)
        %jit3A_252 = arith.constant 8 : i32
        %eq3A_253 = arith.constant 0 : i32
        %eq3A_254 = arith.cmpi eq, %jit3A_252, %eq3A_253 : i32
        %jit3A_255 = arith.constant 1 : i32
        %select_n3A_256 = arith.select %eq3A_254, %jit3A_255, %jit3A_252 : i32
        %rem3A_257 = arith.remsi %scan3A_124, %select_n3A_256 : i32
        %ne3A_258 = arith.constant 0 : i32
        %ne3A_259 = arith.cmpi ne, %rem3A_257, %ne3A_258 : i32
        %lt3A_260 = arith.constant 0 : i32
        %lt3A_261 = arith.cmpi slt, %rem3A_257, %lt3A_260 : i32
        %lt3A_262 = arith.constant 0 : i32
        %lt3A_263 = arith.cmpi slt, %select_n3A_256, %lt3A_262 : i32
        %ne3A_264 = arith.xori %lt3A_261, %lt3A_263 : i1
        %and3A_265 = arith.andi %ne3A_264, %ne3A_259 : i1
        %add3A_266 = arith.addi %rem3A_257, %select_n3A_256 : i32
        %select_n3A_267 = arith.select %and3A_265, %add3A_266, %rem3A_257 : i32
        %eq3A_268 = arith.constant 7 : i32
        %eq3A_269 = arith.cmpi eq, %select_n3A_267, %eq3A_268 : i32
        %convert_element_type3A_270 = arith.extui %eq3A_269 : i1 to i32
        %cond3A_271 = arith.constant 0 : i32
        %cond3A_272 = arith.cmpi ne, %convert_element_type3A_270, %cond3A_271 : i32
        scf.if %cond3A_272 {
          %lt3A_295 = arith.constant 39 : i32
          %lt3A_296 = arith.cmpi slt, %scan3A_124, %lt3A_295 : i32
          %convert_element_type3A_297 = arith.extui %lt3A_296 : i1 to i32
          %cond3A_298 = arith.constant 0 : i32
          %cond3A_299 = arith.cmpi ne, %convert_element_type3A_297, %cond3A_298 : i32
          scf.if %cond3A_299 {
            %dma_wait3A_304 = arith.constant 0 : i32
            %dma_wait3A_305 = arith.constant 0 : i32
            %dma_wait3A_306 = arith.constant 0 : i32
            %dma_wait3A_307 = tpu.memref_slice %arg7[%dma_wait3A_304, %dma_wait3A_305, %dma_wait3A_306] : memref<2x16x128xi32, #tpu.memory_space<vmem>> -> memref<1x16x128xi32, #tpu.memory_space<vmem>>
            %dma_wait3A_308 = tpu.memref_squeeze %dma_wait3A_307 : memref<1x16x128xi32, #tpu.memory_space<vmem>> -> memref<16x128xi32, #tpu.memory_space<vmem>>
            %dma_wait3A_309 = arith.constant 0 : i32
            %dma_wait3A_310 = arith.constant 0 : i32
            %dma_wait3A_311 = tpu.memref_slice %arg3[%dma_wait3A_309, %dma_wait3A_310] : memref<2560x128xi32, #tpu.memory_space<hbm>> -> memref<16x128xi32, #tpu.memory_space<hbm>>
            %dma_wait3A_312 = arith.constant 0 : i32
            %dma_wait3A_313 = arith.constant 0 : i32
            %dma_wait3A_314 = tpu.memref_slice %arg7[%dma_wait3A_304, %dma_wait3A_312, %dma_wait3A_313] : memref<2x16x128xi32, #tpu.memory_space<vmem>> -> memref<1x16x128xi32, #tpu.memory_space<vmem>>
            %dma_wait3A_315 = tpu.memref_squeeze %dma_wait3A_314 : memref<1x16x128xi32, #tpu.memory_space<vmem>> -> memref<16x128xi32, #tpu.memory_space<vmem>>
            %dma_wait3A_316 = arith.constant 0 : i32
            %dma_wait3A_317 = arith.constant 0 : i32
            %dma_wait3A_318 = tpu.memref_slice %arg3[%dma_wait3A_316, %dma_wait3A_317] : memref<2560x128xi32, #tpu.memory_space<hbm>> -> memref<16x128xi32, #tpu.memory_space<hbm>>
            tpu.wait_dma2 semaphore(%arg15 : memref<!tpu.dma_semaphore, #tpu.memory_space<semaphore_mem>>) src(%dma_wait3A_318 : memref<16x128xi32, #tpu.memory_space<hbm>>) dst(%dma_wait3A_315 : memref<16x128xi32, #tpu.memory_space<vmem>>)
            %dma_wait3A_319 = arith.constant 0 : i32
            %dma_wait3A_320 = arith.constant 0 : i32
            %dma_wait3A_321 = arith.constant 0 : i32
            %dma_wait3A_322 = tpu.memref_slice %arg8[%dma_wait3A_319, %dma_wait3A_320, %dma_wait3A_321] : memref<2x16x128xi32, #tpu.memory_space<vmem>> -> memref<1x16x128xi32, #tpu.memory_space<vmem>>
            %dma_wait3A_323 = tpu.memref_squeeze %dma_wait3A_322 : memref<1x16x128xi32, #tpu.memory_space<vmem>> -> memref<16x128xi32, #tpu.memory_space<vmem>>
            %dma_wait3A_324 = arith.constant 0 : i32
            %dma_wait3A_325 = arith.constant 0 : i32
            %dma_wait3A_326 = tpu.memref_slice %arg4[%dma_wait3A_324, %dma_wait3A_325] : memref<2560x128xi32, #tpu.memory_space<hbm>> -> memref<16x128xi32, #tpu.memory_space<hbm>>
            %dma_wait3A_327 = arith.constant 0 : i32
            %dma_wait3A_328 = arith.constant 0 : i32
            %dma_wait3A_329 = tpu.memref_slice %arg8[%dma_wait3A_319, %dma_wait3A_327, %dma_wait3A_328] : memref<2x16x128xi32, #tpu.memory_space<vmem>> -> memref<1x16x128xi32, #tpu.memory_space<vmem>>
            %dma_wait3A_330 = tpu.memref_squeeze %dma_wait3A_329 : memref<1x16x128xi32, #tpu.memory_space<vmem>> -> memref<16x128xi32, #tpu.memory_space<vmem>>
            %dma_wait3A_331 = arith.constant 0 : i32
            %dma_wait3A_332 = arith.constant 0 : i32
            %dma_wait3A_333 = tpu.memref_slice %arg4[%dma_wait3A_331, %dma_wait3A_332] : memref<2560x128xi32, #tpu.memory_space<hbm>> -> memref<16x128xi32, #tpu.memory_space<hbm>>
            tpu.wait_dma2 semaphore(%arg15 : memref<!tpu.dma_semaphore, #tpu.memory_space<semaphore_mem>>) src(%dma_wait3A_333 : memref<16x128xi32, #tpu.memory_space<hbm>>) dst(%dma_wait3A_330 : memref<16x128xi32, #tpu.memory_space<vmem>>)
            %add3A_334 = arith.constant 1 : i32
            %add3A_335 = arith.addi %select_n3A, %add3A_334 : i32
            %jit3A_336 = arith.constant 2 : i32
            %eq3A_337 = arith.constant 0 : i32
            %eq3A_338 = arith.cmpi eq, %jit3A_336, %eq3A_337 : i32
            %jit3A_339 = arith.constant 1 : i32
            %select_n3A_340 = arith.select %eq3A_338, %jit3A_339, %jit3A_336 : i32
            %rem3A_341 = arith.remsi %add3A_335, %select_n3A_340 : i32
            %ne3A_342 = arith.constant 0 : i32
            %ne3A_343 = arith.cmpi ne, %rem3A_341, %ne3A_342 : i32
            %lt3A_344 = arith.constant 0 : i32
            %lt3A_345 = arith.cmpi slt, %rem3A_341, %lt3A_344 : i32
            %lt3A_346 = arith.constant 0 : i32
            %lt3A_347 = arith.cmpi slt, %select_n3A_340, %lt3A_346 : i32
            %ne3A_348 = arith.xori %lt3A_345, %lt3A_347 : i1
            %and3A_349 = arith.andi %ne3A_348, %ne3A_343 : i1
            %add3A_350 = arith.addi %rem3A_341, %select_n3A_340 : i32
            %select_n3A_351 = arith.select %and3A_349, %add3A_350, %rem3A_341 : i32
            %dma_start3A_352 = arith.constant 0 : i32
            %dma_start3A_353 = arith.constant 0 : i32
            %dma_start3A_354 = tpu.memref_slice %arg7[%select_n3A_351, %dma_start3A_352, %dma_start3A_353] : memref<2x16x128xi32, #tpu.memory_space<vmem>> -> memref<1x1x128xi32, #tpu.memory_space<vmem>>
            %dma_start3A_355 = tpu.memref_squeeze %dma_start3A_354 : memref<1x1x128xi32, #tpu.memory_space<vmem>> -> memref<128xi32, #tpu.memory_space<vmem>>
            %dma_start3A_356 = arith.constant 0 : i32
            %dma_start3A_357 = arith.constant 0 : i32
            %dma_start3A_358 = tpu.memref_slice %arg2[%dma_start3A_356, %dma_start3A_357] : memref<10000x128xf32, #tpu.memory_space<hbm>> -> memref<10000x128xf32, #tpu.memory_space<hbm>>
            tpu.enqueue_indirect_dma source(%dma_start3A_358 : memref<10000x128xf32, #tpu.memory_space<hbm>>) target(%arg9 : memref<128x128xf32, #tpu.memory_space<vmem>>) offsets(%dma_start3A_355 : memref<128xi32, #tpu.memory_space<vmem>>) semaphore(%arg11 : memref<!tpu.dma_semaphore, #tpu.memory_space<semaphore_mem>>)
          } else {
          }
          %ge3A = arith.constant 39 : i32
          %ge3A_300 = arith.cmpi sge, %scan3A_124, %ge3A : i32
          %convert_element_type3A_301 = arith.extui %ge3A_300 : i1 to i32
          %cond3A_302 = arith.constant 0 : i32
          %cond3A_303 = arith.cmpi ne, %convert_element_type3A_301, %cond3A_302 : i32
          scf.if %cond3A_303 {
            %dma_wait3A_304 = arith.constant 0 : i32
            %dma_wait3A_305 = arith.constant 0 : i32
            %dma_wait3A_306 = arith.constant 0 : i32
            %dma_wait3A_307 = tpu.memref_slice %arg8[%dma_wait3A_304, %dma_wait3A_305, %dma_wait3A_306] : memref<2x16x128xi32, #tpu.memory_space<vmem>> -> memref<1x1x128xi32, #tpu.memory_space<vmem>>
            %dma_wait3A_308 = tpu.memref_squeeze %dma_wait3A_307 : memref<1x1x128xi32, #tpu.memory_space<vmem>> -> memref<128xi32, #tpu.memory_space<vmem>>
            %dma_wait3A_309 = arith.constant 0 : i32
            %dma_wait3A_310 = arith.constant 0 : i32
            %dma_wait3A_311 = tpu.memref_slice %arg6[%dma_wait3A_309, %dma_wait3A_310] : memref<10128x128xf32, #tpu.memory_space<vmem_shared>> -> memref<10128x128xf32, #tpu.memory_space<vmem_shared>>
            tpu.wait_indirect_dma semaphore(%arg14 : memref<!tpu.dma_semaphore, #tpu.memory_space<semaphore_mem>>) src(%arg10 : memref<128x128xf32, #tpu.memory_space<vmem>>) dst(%dma_wait3A_311 : memref<10128x128xf32, #tpu.memory_space<vmem_shared>>)
          } else {
          }
        } else {
        }
        %jit3A_273 = arith.constant 8 : i32
        %eq3A_274 = arith.constant 0 : i32
        %eq3A_275 = arith.cmpi eq, %jit3A_273, %eq3A_274 : i32
        %jit3A_276 = arith.constant 1 : i32
        %select_n3A_277 = arith.select %eq3A_275, %jit3A_276, %jit3A_273 : i32
        %rem3A_278 = arith.remsi %scan3A_124, %select_n3A_277 : i32
        %ne3A_279 = arith.constant 0 : i32
        %ne3A_280 = arith.cmpi ne, %rem3A_278, %ne3A_279 : i32
        %lt3A_281 = arith.constant 0 : i32
        %lt3A_282 = arith.cmpi slt, %rem3A_278, %lt3A_281 : i32
        %lt3A_283 = arith.constant 0 : i32
        %lt3A_284 = arith.cmpi slt, %select_n3A_277, %lt3A_283 : i32
        %ne3A_285 = arith.xori %lt3A_282, %lt3A_284 : i1
        %and3A_286 = arith.andi %ne3A_285, %ne3A_280 : i1
        %add3A_287 = arith.addi %rem3A_278, %select_n3A_277 : i32
        %select_n3A_288 = arith.select %and3A_286, %add3A_287, %rem3A_278 : i32
        %ne3A_289 = arith.constant 7 : i32
        %ne3A_290 = arith.cmpi ne, %select_n3A_288, %ne3A_289 : i32
        %convert_element_type3A_291 = arith.extui %ne3A_290 : i1 to i32
        %cond3A_292 = arith.constant 0 : i32
        %cond3A_293 = arith.cmpi ne, %convert_element_type3A_291, %cond3A_292 : i32
        scf.if %cond3A_293 {
          %add3A_295 = arith.constant 2 : i32
          %add3A_296 = arith.addi %mul3A_174, %add3A_295 : i32
          %dma_start3A_297 = arith.constant 0 : i32
          %dma_start3A_298 = tpu.memref_slice %arg7[%select_n3A_156, %add3A_296, %dma_start3A_297] : memref<2x16x128xi32, #tpu.memory_space<vmem>> -> memref<1x1x128xi32, #tpu.memory_space<vmem>>
          %dma_start3A_299 = tpu.memref_squeeze %dma_start3A_298 : memref<1x1x128xi32, #tpu.memory_space<vmem>> -> memref<128xi32, #tpu.memory_space<vmem>>
          %dma_start3A_300 = arith.constant 0 : i32
          %dma_start3A_301 = arith.constant 0 : i32
          %dma_start3A_302 = tpu.memref_slice %arg2[%dma_start3A_300, %dma_start3A_301] : memref<10000x128xf32, #tpu.memory_space<hbm>> -> memref<10000x128xf32, #tpu.memory_space<hbm>>
          tpu.enqueue_indirect_dma source(%dma_start3A_302 : memref<10000x128xf32, #tpu.memory_space<hbm>>) target(%arg9 : memref<128x128xf32, #tpu.memory_space<vmem>>) offsets(%dma_start3A_299 : memref<128xi32, #tpu.memory_space<vmem>>) semaphore(%arg11 : memref<!tpu.dma_semaphore, #tpu.memory_space<semaphore_mem>>)
        } else {
        }
        %scan3A_294 = arith.constant 0 : i32
        scf.yield %scan3A_294 : i32
      }
      %scan3A_123 = arith.constant 40 : i32
    } else {
    }
    %barrier3A_13 = arith.constant 0 : index
    tpu.barrier barrier_id(%barrier3A_13)
    %scan3A_14 = arith.constant 0 : i32
    %scan3A_15 = arith.constant 0 : i32
    %scan3A_16 = arith.constant 4 : i32
    %scan3A_17 = arith.addi %scan3A_15, %scan3A_16 : i32
    %scan3A_18 = arith.constant 1 : i32
    %scan3A_19 = scf.for %scan3A_21 = %scan3A_15 to %scan3A_17 step %scan3A_18 iter_args(%scan3A_22 = %scan3A_14) -> (i32)  : i32 {
      %mul3A = arith.constant 16 : i32
      %mul3A_23 = arith.muli %scan3A_21, %mul3A : i32
      %add3A = arith.addi %arg1, %mul3A_23 : i32
      %lt3A = arith.constant 50 : i32
      %lt3A_24 = arith.cmpi slt, %add3A, %lt3A : i32
      %convert_element_type3A_25 = arith.extui %lt3A_24 : i1 to i32
      %cond3A_26 = arith.constant 0 : i32
      %cond3A_27 = arith.cmpi ne, %convert_element_type3A_25, %cond3A_26 : i32
      scf.if %cond3A_27 {
        %mul3A_29 = arith.constant 200 : i32
        %mul3A_30 = arith.muli %add3A, %mul3A_29 : i32
        "tpu.region"() ({
          %run_scoped3A = tpu.sem_alloc : memref<!tpu.dma_semaphore, #tpu.memory_space<semaphore_mem>>
          %dma_start3A = arith.constant 0 : i32
          %dma_start3A_31 = tpu.memref_slice %arg5[%arg0, %mul3A_30, %dma_start3A] : memref<2x10000x128xf32, #tpu.memory_space<hbm>> -> memref<1x200x128xf32, #tpu.memory_space<hbm>>
          %dma_start3A_32 = tpu.memref_squeeze %dma_start3A_31 : memref<1x200x128xf32, #tpu.memory_space<hbm>> -> memref<200x128xf32, #tpu.memory_space<hbm>>
          %dma_start3A_33 = arith.constant 0 : i32
          %dma_start3A_34 = tpu.memref_slice %arg6[%mul3A_30, %dma_start3A_33] : memref<10128x128xf32, #tpu.memory_space<vmem_shared>> -> memref<200x128xf32, #tpu.memory_space<vmem_shared>>
          tpu.enqueue_dma source(%dma_start3A_34 : memref<200x128xf32, #tpu.memory_space<vmem_shared>>) target(%dma_start3A_32 : memref<200x128xf32, #tpu.memory_space<hbm>>) target_semaphore(%run_scoped3A : memref<!tpu.dma_semaphore, #tpu.memory_space<semaphore_mem>>)
          %dma_wait3A = arith.constant 0 : i32
          %dma_wait3A_35 = tpu.memref_slice %arg5[%arg0, %mul3A_30, %dma_wait3A] : memref<2x10000x128xf32, #tpu.memory_space<hbm>> -> memref<1x200x128xf32, #tpu.memory_space<hbm>>
          %dma_wait3A_36 = tpu.memref_squeeze %dma_wait3A_35 : memref<1x200x128xf32, #tpu.memory_space<hbm>> -> memref<200x128xf32, #tpu.memory_space<hbm>>
          %dma_wait3A_37 = arith.constant 0 : i32
          %dma_wait3A_38 = tpu.memref_slice %arg6[%mul3A_30, %dma_wait3A_37] : memref<10128x128xf32, #tpu.memory_space<vmem_shared>> -> memref<200x128xf32, #tpu.memory_space<vmem_shared>>
          tpu.wait_dma2 semaphore(%run_scoped3A : memref<!tpu.dma_semaphore, #tpu.memory_space<semaphore_mem>>) src(%dma_wait3A_38 : memref<200x128xf32, #tpu.memory_space<vmem_shared>>) dst(%dma_wait3A_36 : memref<200x128xf32, #tpu.memory_space<hbm>>)
          tpu.yield
        }) : () -> ()
      } else {
      }
      %scan3A_28 = arith.constant 0 : i32
      scf.yield %scan3A_28 : i32
    }
    %scan3A_20 = arith.constant 4 : i32
    return
  }
}

module attributes {stable_mosaic.version = 14 : i64} {
  func.func @body(%arg0: i32, %arg1: memref<2x1000x128xf32, #tpu.memory_space<vmem>>, %arg2: memref<1000x128xf32, #tpu.memory_space<vmem>>, %arg3: memref<128x128xf32, #tpu.memory_space<vmem>>, %arg4: memref<1x128xf32, #tpu.memory_space<vmem>>, %arg5: memref<128x128xf32, #tpu.memory_space<vmem>>, %arg6: memref<1x128xf32, #tpu.memory_space<vmem>>, %arg7: memref<1000x128xf32, #tpu.memory_space<vmem>>) attributes {dimension_semantics = [#tpu.dimension_semantics<arbitrary>], iteration_bounds = array<i64: 10>, scalar_prefetch = 0 : i64, scratch_operands = 0 : i64, tpu.core_type = #tpu.core_type<tc>, window_params = [{transform_indices = @transform_0, window_bounds = array<i64: 2, 1000, 128>}, {transform_indices = @transform_1, window_bounds = array<i64: 1000, 128>}, {pipeline_mode = #tpu.pipeline_mode<synchronous>, transform_indices = @transform_2, window_bounds = array<i64: 128, 128>}, {pipeline_mode = #tpu.pipeline_mode<synchronous>, transform_indices = @transform_3, window_bounds = array<i64: 1, 128>}, {pipeline_mode = #tpu.pipeline_mode<synchronous>, transform_indices = @transform_4, window_bounds = array<i64: 128, 128>}, {pipeline_mode = #tpu.pipeline_mode<synchronous>, transform_indices = @transform_5, window_bounds = array<i64: 1, 128>}, {transform_indices = @transform_6, window_bounds = array<i64: 1000, 128>}]} {
    %get3A = arith.constant 0 : index
    %get3A_0 = arith.constant 0 : index
    %get3A_1 = arith.constant 0 : index
    %get3A_2 = vector.load %arg1[%get3A, %get3A_0, %get3A_1] : memref<2x1000x128xf32, #tpu.memory_space<vmem>>, vector<1x1000x128xf32>
    %get3A_3 = vector.shape_cast %get3A_2 : vector<1x1000x128xf32> to vector<1000x128xf32>
    %get3A_4 = arith.constant 1 : index
    %get3A_5 = arith.constant 0 : index
    %get3A_6 = arith.constant 0 : index
    %get3A_7 = vector.load %arg1[%get3A_4, %get3A_5, %get3A_6] : memref<2x1000x128xf32, #tpu.memory_space<vmem>>, vector<1x1000x128xf32>
    %get3A_8 = vector.shape_cast %get3A_7 : vector<1x1000x128xf32> to vector<1000x128xf32>
    %add3A = arith.addf %get3A_3, %get3A_8 : vector<1000x128xf32>
    %get3A_9 = arith.constant 0 : index
    %get3A_10 = arith.constant 0 : index
    %get3A_11 = vector.load %arg2[%get3A_9, %get3A_10] : memref<1000x128xf32, #tpu.memory_space<vmem>>, vector<1000x128xf32>
    %sub3A = arith.subf %add3A, %get3A_11 : vector<1000x128xf32>
    %get3A_12 = arith.constant 0 : index
    %get3A_13 = arith.constant 0 : index
    %get3A_14 = vector.load %arg3[%get3A_12, %get3A_13] : memref<128x128xf32, #tpu.memory_space<vmem>>, vector<128x128xf32>
    %dot_general3A = arith.constant dense<0.000000e+00> : vector<1000x128xf32>
    %dot_general3A_15 = tpu.matmul %sub3A, %get3A_14, %dot_general3A {dimension_numbers = #tpu.dot_dimension_numbers<[1], [0], [0], [1], [0, 0, 1, 1], [], []>, transpose_lhs_hint = false} : vector<1000x128xf32>, vector<128x128xf32>, vector<1000x128xf32> -> vector<1000x128xf32>
    %get3A_16 = arith.constant 0 : index
    %get3A_17 = arith.constant 0 : index
    %get3A_18 = vector.load %arg4[%get3A_16, %get3A_17] : memref<1x128xf32, #tpu.memory_space<vmem>>, vector<1x128xf32>
    %add3A_19 = vector.broadcast %get3A_18 : vector<1x128xf32> to vector<1000x128xf32>
    %add3A_20 = arith.addf %dot_general3A_15, %add3A_19 : vector<1000x128xf32>
    %max3A = arith.constant 0.000000e+00 : f32
    %max3A_21 = vector.broadcast %max3A : f32 to vector<1000x128xf32>
    %max3A_22 = arith.maximumf %add3A_20, %max3A_21 : vector<1000x128xf32>
    %get3A_23 = arith.constant 0 : index
    %get3A_24 = arith.constant 0 : index
    %get3A_25 = vector.load %arg5[%get3A_23, %get3A_24] : memref<128x128xf32, #tpu.memory_space<vmem>>, vector<128x128xf32>
    %dot_general3A_26 = arith.constant dense<0.000000e+00> : vector<1000x128xf32>
    %dot_general3A_27 = tpu.matmul %max3A_22, %get3A_25, %dot_general3A_26 {dimension_numbers = #tpu.dot_dimension_numbers<[1], [0], [0], [1], [0, 0, 1, 1], [], []>, transpose_lhs_hint = false} : vector<1000x128xf32>, vector<128x128xf32>, vector<1000x128xf32> -> vector<1000x128xf32>
    %get3A_28 = arith.constant 0 : index
    %get3A_29 = arith.constant 0 : index
    %get3A_30 = vector.load %arg6[%get3A_28, %get3A_29] : memref<1x128xf32, #tpu.memory_space<vmem>>, vector<1x128xf32>
    %add3A_31 = vector.broadcast %get3A_30 : vector<1x128xf32> to vector<1000x128xf32>
    %add3A_32 = arith.addf %dot_general3A_27, %add3A_31 : vector<1000x128xf32>
    %max3A_33 = arith.constant 0.000000e+00 : f32
    %max3A_34 = vector.broadcast %max3A_33 : f32 to vector<1000x128xf32>
    %max3A_35 = arith.maximumf %add3A_32, %max3A_34 : vector<1000x128xf32>
    %swap3A = arith.constant 0 : index
    %swap3A_36 = arith.constant 0 : index
    %swap3A_37 = vector.load %arg7[%swap3A, %swap3A_36] : memref<1000x128xf32, #tpu.memory_space<vmem>>, vector<1000x128xf32>
    tpu.vector_store %arg7[%swap3A, %swap3A_36], %max3A_35 {strides = array<i32>} : memref<1000x128xf32, #tpu.memory_space<vmem>>, vector<1000x128xf32>,
    return
  }
  func.func @transform_0(%arg0: i32) -> (i32, i32, i32) {
    %c0_i32 = arith.constant 0 : i32
    %c0_i32_0 = arith.constant 0 : i32
    %c0_i32_1 = arith.constant 0 : i32
    return %c0_i32, %arg0, %c0_i32_0 : i32, i32, i32
  }
  func.func @transform_1(%arg0: i32) -> (i32, i32) {
    %c0_i32 = arith.constant 0 : i32
    %c0_i32_0 = arith.constant 0 : i32
    return %arg0, %c0_i32 : i32, i32
  }
  func.func @transform_2(%arg0: i32) -> (i32, i32) {
    %c0_i32 = arith.constant 0 : i32
    %c0_i32_0 = arith.constant 0 : i32
    %c0_i32_1 = arith.constant 0 : i32
    return %c0_i32, %c0_i32_0 : i32, i32
  }
  func.func @transform_3(%arg0: i32) -> (i32, i32) {
    %c0_i32 = arith.constant 0 : i32
    %c0_i32_0 = arith.constant 0 : i32
    %c0_i32_1 = arith.constant 0 : i32
    return %c0_i32, %c0_i32_0 : i32, i32
  }
  func.func @transform_4(%arg0: i32) -> (i32, i32) {
    %c0_i32 = arith.constant 0 : i32
    %c0_i32_0 = arith.constant 0 : i32
    %c0_i32_1 = arith.constant 0 : i32
    return %c0_i32, %c0_i32_0 : i32, i32
  }
  func.func @transform_5(%arg0: i32) -> (i32, i32) {
    %c0_i32 = arith.constant 0 : i32
    %c0_i32_0 = arith.constant 0 : i32
    %c0_i32_1 = arith.constant 0 : i32
    return %c0_i32, %c0_i32_0 : i32, i32
  }
  func.func @transform_6(%arg0: i32) -> (i32, i32) {
    %c0_i32 = arith.constant 0 : i32
    %c0_i32_0 = arith.constant 0 : i32
    return %arg0, %c0_i32 : i32, i32
  }
}

module attributes {stable_mosaic.version = 14 : i64} {
  func.func @body(%arg0: i32, %arg1: memref<2x1000x128xf32, #tpu.memory_space<vmem>>, %arg2: memref<1000x128xf32, #tpu.memory_space<vmem>>, %arg3: memref<1000x1xi32, #tpu.memory_space<vmem>>, %arg4: memref<128x128xf32, #tpu.memory_space<vmem>>, %arg5: memref<1x128xf32, #tpu.memory_space<vmem>>, %arg6: memref<128x128xf32, #tpu.memory_space<vmem>>, %arg7: memref<1x128xf32, #tpu.memory_space<vmem>>, %arg8: memref<128x128xf32, #tpu.memory_space<vmem>>, %arg9: memref<1x128xf32, #tpu.memory_space<vmem>>, %arg10: memref<128x10xf32, #tpu.memory_space<vmem>>, %arg11: memref<1x10xf32, #tpu.memory_space<vmem>>, %arg12: memref<128x10xf32, #tpu.memory_space<vmem>>, %arg13: memref<128x128xf32, #tpu.memory_space<vmem>>) attributes {dimension_semantics = [#tpu.dimension_semantics<arbitrary>], iteration_bounds = array<i64: 10>, scalar_prefetch = 0 : i64, scratch_operands = 1 : i64, tpu.core_type = #tpu.core_type<tc>, window_params = [{transform_indices = @transform_0, window_bounds = array<i64: 2, 1000, 128>}, {transform_indices = @transform_1, window_bounds = array<i64: 1000, 128>}, {transform_indices = @transform_2, window_bounds = array<i64: 1000, 1>}, {pipeline_mode = #tpu.pipeline_mode<synchronous>, transform_indices = @transform_3, window_bounds = array<i64: 128, 128>}, {pipeline_mode = #tpu.pipeline_mode<synchronous>, transform_indices = @transform_4, window_bounds = array<i64: 1, 128>}, {pipeline_mode = #tpu.pipeline_mode<synchronous>, transform_indices = @transform_5, window_bounds = array<i64: 128, 128>}, {pipeline_mode = #tpu.pipeline_mode<synchronous>, transform_indices = @transform_6, window_bounds = array<i64: 1, 128>}, {pipeline_mode = #tpu.pipeline_mode<synchronous>, transform_indices = @transform_7, window_bounds = array<i64: 128, 128>}, {pipeline_mode = #tpu.pipeline_mode<synchronous>, transform_indices = @transform_8, window_bounds = array<i64: 1, 128>}, {pipeline_mode = #tpu.pipeline_mode<synchronous>, transform_indices = @transform_9, window_bounds = array<i64: 128, 10>}, {pipeline_mode = #tpu.pipeline_mode<synchronous>, transform_indices = @transform_10, window_bounds = array<i64: 1, 10>}, {pipeline_mode = #tpu.pipeline_mode<synchronous>, transform_indices = @transform_11, window_bounds = array<i64: 128, 10>}]} {
    %get3A = arith.constant 0 : index
    %get3A_0 = arith.constant 0 : index
    %get3A_1 = arith.constant 0 : index
    %get3A_2 = vector.load %arg1[%get3A, %get3A_0, %get3A_1] : memref<2x1000x128xf32, #tpu.memory_space<vmem>>, vector<1x1000x128xf32>
    %get3A_3 = vector.shape_cast %get3A_2 : vector<1x1000x128xf32> to vector<1000x128xf32>
    %get3A_4 = arith.constant 1 : index
    %get3A_5 = arith.constant 0 : index
    %get3A_6 = arith.constant 0 : index
    %get3A_7 = vector.load %arg1[%get3A_4, %get3A_5, %get3A_6] : memref<2x1000x128xf32, #tpu.memory_space<vmem>>, vector<1x1000x128xf32>
    %get3A_8 = vector.shape_cast %get3A_7 : vector<1x1000x128xf32> to vector<1000x128xf32>
    %add3A = arith.addf %get3A_3, %get3A_8 : vector<1000x128xf32>
    %get3A_9 = arith.constant 0 : index
    %get3A_10 = arith.constant 0 : index
    %get3A_11 = vector.load %arg2[%get3A_9, %get3A_10] : memref<1000x128xf32, #tpu.memory_space<vmem>>, vector<1000x128xf32>
    %sub3A = arith.subf %add3A, %get3A_11 : vector<1000x128xf32>
    %get3A_12 = arith.constant 0 : index
    %get3A_13 = arith.constant 0 : index
    %get3A_14 = vector.load %arg4[%get3A_12, %get3A_13] : memref<128x128xf32, #tpu.memory_space<vmem>>, vector<128x128xf32>
    %dot_general3A = arith.constant dense<0.000000e+00> : vector<1000x128xf32>
    %dot_general3A_15 = tpu.matmul %sub3A, %get3A_14, %dot_general3A {dimension_numbers = #tpu.dot_dimension_numbers<[1], [0], [0], [1], [0, 0, 1, 1], [], []>, transpose_lhs_hint = false} : vector<1000x128xf32>, vector<128x128xf32>, vector<1000x128xf32> -> vector<1000x128xf32>
    %get3A_16 = arith.constant 0 : index
    %get3A_17 = arith.constant 0 : index
    %get3A_18 = vector.load %arg5[%get3A_16, %get3A_17] : memref<1x128xf32, #tpu.memory_space<vmem>>, vector<1x128xf32>
    %add3A_19 = vector.broadcast %get3A_18 : vector<1x128xf32> to vector<1000x128xf32>
    %add3A_20 = arith.addf %dot_general3A_15, %add3A_19 : vector<1000x128xf32>
    %max3A = arith.constant 0.000000e+00 : f32
    %max3A_21 = vector.broadcast %max3A : f32 to vector<1000x128xf32>
    %max3A_22 = arith.maximumf %add3A_20, %max3A_21 : vector<1000x128xf32>
    %get3A_23 = arith.constant 0 : index
    %get3A_24 = arith.constant 0 : index
    %get3A_25 = vector.load %arg6[%get3A_23, %get3A_24] : memref<128x128xf32, #tpu.memory_space<vmem>>, vector<128x128xf32>
    %dot_general3A_26 = arith.constant dense<0.000000e+00> : vector<1000x128xf32>
    %dot_general3A_27 = tpu.matmul %max3A_22, %get3A_25, %dot_general3A_26 {dimension_numbers = #tpu.dot_dimension_numbers<[1], [0], [0], [1], [0, 0, 1, 1], [], []>, transpose_lhs_hint = false} : vector<1000x128xf32>, vector<128x128xf32>, vector<1000x128xf32> -> vector<1000x128xf32>
    %get3A_28 = arith.constant 0 : index
    %get3A_29 = arith.constant 0 : index
    %get3A_30 = vector.load %arg7[%get3A_28, %get3A_29] : memref<1x128xf32, #tpu.memory_space<vmem>>, vector<1x128xf32>
    %add3A_31 = vector.broadcast %get3A_30 : vector<1x128xf32> to vector<1000x128xf32>
    %add3A_32 = arith.addf %dot_general3A_27, %add3A_31 : vector<1000x128xf32>
    %max3A_33 = arith.constant 0.000000e+00 : f32
    %max3A_34 = vector.broadcast %max3A_33 : f32 to vector<1000x128xf32>
    %max3A_35 = arith.maximumf %add3A_32, %max3A_34 : vector<1000x128xf32>
    %get3A_36 = arith.constant 0 : index
    %get3A_37 = arith.constant 0 : index
    %get3A_38 = vector.load %arg3[%get3A_36, %get3A_37] : memref<1000x1xi32, #tpu.memory_space<vmem>>, vector<1000x1xi32>
    %iota3A = tpu.iota {dimensions = array<i32: 1>} : vector<1x128xi32>
    %eq3A = vector.broadcast %get3A_38 : vector<1000x1xi32> to vector<1000x128xi32>
    %eq3A_39 = vector.broadcast %iota3A : vector<1x128xi32> to vector<1000x128xi32>
    %eq3A_40 = arith.cmpi eq, %eq3A, %eq3A_39 : vector<1000x128xi32>
    %convert_element_type3A = arith.extui %eq3A_40 : vector<1000x128xi1> to vector<1000x128xi32>
    %convert_element_type3A_41 = arith.sitofp %convert_element_type3A : vector<1000x128xi32> to vector<1000x128xf32>
    %dot_general3A_42 = arith.constant dense<0.000000e+00> : vector<128x128xf32>
    %dot_general3A_43 = tpu.matmul %convert_element_type3A_41, %max3A_35, %dot_general3A_42 {dimension_numbers = #tpu.dot_dimension_numbers<[0], [0], [1], [1], [0, 1, 1, 1], [], []>, transpose_lhs_hint = false} : vector<1000x128xf32>, vector<1000x128xf32>, vector<128x128xf32> -> vector<128x128xf32>
    %eq3A_44 = arith.constant 0 : i32
    %eq3A_45 = arith.cmpi eq, %arg0, %eq3A_44 : i32
    %convert_element_type3A_46 = arith.extui %eq3A_45 : i1 to i32
    %cond3A = arith.constant 0 : i32
    %cond3A_47 = arith.cmpi ne, %convert_element_type3A_46, %cond3A : i32
    scf.if %cond3A_47 {
      %swap3A = arith.constant 0 : index
      %swap3A_57 = arith.constant 0 : index
      %swap3A_58 = vector.load %arg13[%swap3A, %swap3A_57] : memref<128x128xf32, #tpu.memory_space<vmem>>, vector<128x128xf32>
      tpu.vector_store %arg13[%swap3A, %swap3A_57], %dot_general3A_43 {strides = array<i32>} : memref<128x128xf32, #tpu.memory_space<vmem>>, vector<128x128xf32>,
    } else {
    }
    %gt3A = arith.constant 0 : i32
    %gt3A_48 = arith.cmpi sgt, %arg0, %gt3A : i32
    %convert_element_type3A_49 = arith.extui %gt3A_48 : i1 to i32
    %cond3A_50 = arith.constant 0 : i32
    %cond3A_51 = arith.cmpi ne, %convert_element_type3A_49, %cond3A_50 : i32
    scf.if %cond3A_51 {
      %get3A_57 = arith.constant 0 : index
      %get3A_58 = arith.constant 0 : index
      %get3A_59 = vector.load %arg13[%get3A_57, %get3A_58] : memref<128x128xf32, #tpu.memory_space<vmem>>, vector<128x128xf32>
      %add3A_60 = arith.addf %get3A_59, %dot_general3A_43 : vector<128x128xf32>
      %swap3A = arith.constant 0 : index
      %swap3A_61 = arith.constant 0 : index
      %swap3A_62 = vector.load %arg13[%swap3A, %swap3A_61] : memref<128x128xf32, #tpu.memory_space<vmem>>, vector<128x128xf32>
      tpu.vector_store %arg13[%swap3A, %swap3A_61], %add3A_60 {strides = array<i32>} : memref<128x128xf32, #tpu.memory_space<vmem>>, vector<128x128xf32>,
    } else {
    }
    %eq3A_52 = arith.constant 9 : i32
    %eq3A_53 = arith.cmpi eq, %arg0, %eq3A_52 : i32
    %convert_element_type3A_54 = arith.extui %eq3A_53 : i1 to i32
    %cond3A_55 = arith.constant 0 : i32
    %cond3A_56 = arith.cmpi ne, %convert_element_type3A_54, %cond3A_55 : i32
    scf.if %cond3A_56 {
      %get3A_57 = arith.constant 0 : index
      %get3A_58 = arith.constant 0 : index
      %get3A_59 = vector.load %arg13[%get3A_57, %get3A_58] : memref<128x128xf32, #tpu.memory_space<vmem>>, vector<128x128xf32>
      %get3A_60 = arith.constant 0 : index
      %get3A_61 = arith.constant 0 : index
      %get3A_62 = vector.load %arg8[%get3A_60, %get3A_61] : memref<128x128xf32, #tpu.memory_space<vmem>>, vector<128x128xf32>
      %dot_general3A_63 = arith.constant dense<0.000000e+00> : vector<128x128xf32>
      %dot_general3A_64 = tpu.matmul %get3A_59, %get3A_62, %dot_general3A_63 {dimension_numbers = #tpu.dot_dimension_numbers<[1], [0], [0], [1], [0, 0, 1, 1], [], []>, transpose_lhs_hint = false} : vector<128x128xf32>, vector<128x128xf32>, vector<128x128xf32> -> vector<128x128xf32>
      %get3A_65 = arith.constant 0 : index
      %get3A_66 = arith.constant 0 : index
      %get3A_67 = vector.load %arg9[%get3A_65, %get3A_66] : memref<1x128xf32, #tpu.memory_space<vmem>>, vector<1x128xf32>
      %add3A_68 = vector.broadcast %get3A_67 : vector<1x128xf32> to vector<128x128xf32>
      %add3A_69 = arith.addf %dot_general3A_64, %add3A_68 : vector<128x128xf32>
      %max3A_70 = arith.constant 0.000000e+00 : f32
      %max3A_71 = vector.broadcast %max3A_70 : f32 to vector<128x128xf32>
      %max3A_72 = arith.maximumf %add3A_69, %max3A_71 : vector<128x128xf32>
      %get3A_73 = arith.constant 0 : index
      %get3A_74 = arith.constant 0 : index
      %get3A_75 = vector.load %arg10[%get3A_73, %get3A_74] : memref<128x10xf32, #tpu.memory_space<vmem>>, vector<128x10xf32>
      %dot_general3A_76 = arith.constant dense<0.000000e+00> : vector<128x10xf32>
      %dot_general3A_77 = tpu.matmul %max3A_72, %get3A_75, %dot_general3A_76 {dimension_numbers = #tpu.dot_dimension_numbers<[1], [0], [0], [1], [0, 0, 1, 1], [], []>, transpose_lhs_hint = false} : vector<128x128xf32>, vector<128x10xf32>, vector<128x10xf32> -> vector<128x10xf32>
      %get3A_78 = arith.constant 0 : index
      %get3A_79 = arith.constant 0 : index
      %get3A_80 = vector.load %arg11[%get3A_78, %get3A_79] : memref<1x10xf32, #tpu.memory_space<vmem>>, vector<1x10xf32>
      %add3A_81 = vector.broadcast %get3A_80 : vector<1x10xf32> to vector<128x10xf32>
      %add3A_82 = arith.addf %dot_general3A_77, %add3A_81 : vector<128x10xf32>
      %swap3A = arith.constant 0 : index
      %swap3A_83 = arith.constant 0 : index
      %swap3A_84 = vector.load %arg12[%swap3A, %swap3A_83] : memref<128x10xf32, #tpu.memory_space<vmem>>, vector<128x10xf32>
      tpu.vector_store %arg12[%swap3A, %swap3A_83], %add3A_82 {strides = array<i32>} : memref<128x10xf32, #tpu.memory_space<vmem>>, vector<128x10xf32>,
    } else {
    }
    return
  }
  func.func @transform_0(%arg0: i32) -> (i32, i32, i32) {
    %c0_i32 = arith.constant 0 : i32
    %c0_i32_0 = arith.constant 0 : i32
    %c0_i32_1 = arith.constant 0 : i32
    return %c0_i32, %arg0, %c0_i32_0 : i32, i32, i32
  }
  func.func @transform_1(%arg0: i32) -> (i32, i32) {
    %c0_i32 = arith.constant 0 : i32
    %c0_i32_0 = arith.constant 0 : i32
    return %arg0, %c0_i32 : i32, i32
  }
  func.func @transform_2(%arg0: i32) -> (i32, i32) {
    %c0_i32 = arith.constant 0 : i32
    %c0_i32_0 = arith.constant 0 : i32
    return %arg0, %c0_i32 : i32, i32
  }
  func.func @transform_3(%arg0: i32) -> (i32, i32) {
    %c0_i32 = arith.constant 0 : i32
    %c0_i32_0 = arith.constant 0 : i32
    %c0_i32_1 = arith.constant 0 : i32
    return %c0_i32, %c0_i32_0 : i32, i32
  }
  func.func @transform_4(%arg0: i32) -> (i32, i32) {
    %c0_i32 = arith.constant 0 : i32
    %c0_i32_0 = arith.constant 0 : i32
    %c0_i32_1 = arith.constant 0 : i32
    return %c0_i32, %c0_i32_0 : i32, i32
  }
  func.func @transform_5(%arg0: i32) -> (i32, i32) {
    %c0_i32 = arith.constant 0 : i32
    %c0_i32_0 = arith.constant 0 : i32
    %c0_i32_1 = arith.constant 0 : i32
    return %c0_i32, %c0_i32_0 : i32, i32
  }
  func.func @transform_6(%arg0: i32) -> (i32, i32) {
    %c0_i32 = arith.constant 0 : i32
    %c0_i32_0 = arith.constant 0 : i32
    %c0_i32_1 = arith.constant 0 : i32
    return %c0_i32, %c0_i32_0 : i32, i32
  }
  func.func @transform_7(%arg0: i32) -> (i32, i32) {
    %c0_i32 = arith.constant 0 : i32
    %c0_i32_0 = arith.constant 0 : i32
    %c0_i32_1 = arith.constant 0 : i32
    return %c0_i32, %c0_i32_0 : i32, i32
  }
  func.func @transform_8(%arg0: i32) -> (i32, i32) {
    %c0_i32 = arith.constant 0 : i32
    %c0_i32_0 = arith.constant 0 : i32
    %c0_i32_1 = arith.constant 0 : i32
    return %c0_i32, %c0_i32_0 : i32, i32
  }
  func.func @transform_9(%arg0: i32) -> (i32, i32) {
    %c0_i32 = arith.constant 0 : i32
    %c0_i32_0 = arith.constant 0 : i32
    %c0_i32_1 = arith.constant 0 : i32
    return %c0_i32, %c0_i32_0 : i32, i32
  }
  func.func @transform_10(%arg0: i32) -> (i32, i32) {
    %c0_i32 = arith.constant 0 : i32
    %c0_i32_0 = arith.constant 0 : i32
    %c0_i32_1 = arith.constant 0 : i32
    return %c0_i32, %c0_i32_0 : i32, i32
  }
  func.func @transform_11(%arg0: i32) -> (i32, i32) {
    %c0_i32 = arith.constant 0 : i32
    %c0_i32_0 = arith.constant 0 : i32
    %c0_i32_1 = arith.constant 0 : i32
    return %c0_i32, %c0_i32_0 : i32, i32
  }
}

</mosaic_0001>

<sc_bundles>
// kernel: kernel.6.cloned.1.call-start
scs
__scs_entry_jumppad:
0x0: {  	(pc) =	sbr.rel $0x88, $3  }
0x1: {  	(tag) =	ssettag $0x0;
	lr =	simm.s32 $0x1  }
0x2: {  	[smem:$0x3F8E] =	sst lr;
	_ =	strace $0xD0000000  }
0x3: {  	_ = 	snop  }
0x4: {  	_ = 	snop  }
0x5: {  	_ = 	snop  }
0x6: {  	_ = 	snop  }
0x7: {  	_ = 	snop  }
__scs_overlays_trampoline_lowered:
0x8: {  	[smem:$0x3F9D] =	sst s0  }
0x9: {  	[smem:$0x3F9E] =	sst s1  }
0xa: {  	[smem:$0x3F9F] =	sst s2  }
0xb: {  	[smem:$0x3FA0] =	sst s3  }
0xc: {  	[smem:$0x3FA1] =	sst s4  }
0xd: {  	[smem:$0x3FA2] =	sst s5  }
0xe: {  	[smem:$0x3FA3] =	sst s6  }
0xf: {  	[smem:$0x3FA4] =	sst s7  }
0x10: {  	[smem:$0x3FA5] =	sst s8  }
0x11: {  	[smem:$0x3FA6] =	sst s9;
	s0 =	simm.s32 @!p0 $0x0  }
0x12: {  	s1 =	sld [smem:$0x3F8C];
	s0 =	simm.s32 @p0 $0x1  }
0x13: {  	[smem:$0x3FA7] =	sst s0;
	s0 =	simm.s32 @!p1 $0x0  }
0x14: {  	s2 =	sld [smem:$0x3F8B];
	s0 =	simm.s32 @p1 $0x1  }
0x15: {  	[smem:$0x3FA8] =	sst s0;
	s0 =	simm.s32 @!p2 $0x0  }
0x16: {  	s3 =	sld [smem:$0x3FDB];
	s0 =	simm.s32 @p2 $0x1  }
0x17: {  	s4 =	simm.s32 $0x1BF5;
	[smem:$0x3FAA] =	sst s0  }
0x18: {  	s0 =	sld [smem:$0x3F8D];
	_ =	swait.ge [sflag:s4], $0x0  }
0x19: {  	s7 =	sld [smem:$0x3F8E]  }
0x1a: {  	s8 =	sadd.s32 $0xFFFFE003, lr  }
0x1b: {  	s9 =	sadd.s32 $0xFFFFFEF7, lr;
	s5 =	simm.s32 $0xFFFFFFFF;
	p2 =	slt.u32 s8, $0xFFFFF086  }
0x1c: {  	p1 =	slt.u32 s9, $0xF7A;
	s5 =	simm.s32 @!p2 $0x0  }
0x1d: {  	s5 =	simm.s32 @p1 $0x1;
	p0 =	seq.s32 s7, s2  }
0x1e: {  	s7 =	smul.u32 @!p0 $0xF7A, s2;
	p2 =	seq.s32 @!p0 s5, $0x0  }
0x1f: {  	s9 =	smul.u32 $0xF7A, s1;
	s8 =	simm.s32 @!p0 $0x1BF5;
	p2 =	por !p2, p0  }
0x20: {  	[sflag:s8] =	ssyncset.s32 @!p0 $0xFFFFF086;
	s6 =	sadd.s32 @!p0 s3, s7;
	s7 =	simm.s32 @!p0 $0x108  }
0x21: {  	s3 =	sadd.s32 s3, s9;
	s6 =	sadd.s32 @!p0 $0x88, s6;
	s7 =	simm.s32 @p2 $0x1082  }
0x22: {  	[simem:s7], [sflag:s8] =	dma.local @!p0 [hbm:s6], $0xF7A  }
0x23: {  	s9 =	sor.u32 $0xD0000000, s2;
	s6 =	simm.s32 $0x108;
	_ =	swait.ge @!p0 [sflag:s8], $0x0  }
0x24: {  	s3 =	sadd.s32 $0x88, s3;
	s6 =	simm.s32 @!p1 $0x1082;
	[sflag:s4] =	ssyncset.s32 $0xFFFFF086  }
0x25: {  	[simem:s6], [sflag:s4] =	dma.local [hbm:s3], $0xF7A  }
0x26: {  	[smem:$0x3F8E] =	sst s1;
	(tag) =	ssettag s2;
	_ =	strace s9  }
0x27: {  	s1 =	sld [smem:$0x3F9E]  }
0x28: {  	s2 =	sld [smem:$0x3F9F]  }
0x29: {  	s4 =	sld [smem:$0x3FA1]  }
0x2a: {  	p0 =	seq.s32 s5, $0x0;
	s5 =	sld [smem:$0x3FA2]  }
0x2b: {  	s6 =	sld [smem:$0x3FA3]  }
0x2c: {  	s7 =	sld [smem:$0x3FA4]  }
0x2d: {  	s3 =	simm.s32 $0x108;
	s8 =	sld [smem:$0x3FA5]  }
0x2e: {  	s3 =	simm.s32 @!p0 $0x1082;
	s9 =	sld [smem:$0x3FA6]  }
0x2f: {  	lr =	sadd.s32 s0, s3;
	s0 =	sld [smem:$0x3F9D]  }
0x30: {  	s3 =	sld [smem:$0x3FA0]  }
0x31: {  	[smem:$0x3FA9] =	sst s10  }
0x32: {  	s10 =	sld [smem:$0x3FA7];
	_ =	sdelay $0x3  }
0x33: {  	p0 =	seq.s32 s10, $0x1;
	s10 =	sld [smem:$0x3FA9];
	_ =	sdelay $0x3  }
0x34: {  	[smem:$0x3FA9] =	sst s10  }
0x35: {  	s10 =	sld [smem:$0x3FA8];
	_ =	sdelay $0x3  }
0x36: {  	p1 =	seq.s32 s10, $0x1;
	s10 =	sld [smem:$0x3FA9];
	_ =	sdelay $0x3  }
0x37: {  	[smem:$0x3FA9] =	sst s10  }
0x38: {  	s10 =	sld [smem:$0x3FAA]  }
0x39: {  	_ = 	snop;
	(pc) =	sbr.ind lr, $3  }
0x3a: {  	_ = 	snop  }
0x3b: {  	_ = 	snop  }
0x3c: {  	p2 =	seq.s32 s10, $0x1;
	s10 =	sld [smem:$0x3FA9]  }
0x3d: {  	_ =	shalt  }
0x3e: {  	_ =	shalt  }
0x3f: {  	_ =	shalt  }
0x40: {  	_ =	shalt  }
0x41: {  	_ =	shalt  }
0x42: {  	_ =	shalt  }
0x43: {  	_ =	shalt  }
0x44: {  	_ =	shalt  }
0x45: {  	_ =	shalt  }
0x46: {  	_ =	shalt  }
0x47: {  	_ =	shalt  }
0x48: {  	_ =	shalt  }
0x49: {  	_ =	shalt  }
0x4a: {  	_ =	shalt  }
0x4b: {  	_ =	shalt  }
0x4c: {  	_ =	shalt  }
0x4d: {  	_ =	shalt  }
0x4e: {  	_ =	shalt  }
0x4f: {  	_ =	shalt  }
0x50: {  	_ =	shalt  }
0x51: {  	_ =	shalt  }
0x52: {  	_ =	shalt  }
0x53: {  	_ =	shalt  }
0x54: {  	_ =	shalt  }
0x55: {  	_ =	shalt  }
0x56: {  	_ =	shalt  }
0x57: {  	_ =	shalt  }
0x58: {  	_ =	shalt  }
0x59: {  	_ =	shalt  }
0x5a: {  	_ =	shalt  }
0x5b: {  	_ =	shalt  }
0x5c: {  	_ =	shalt  }
0x5d: {  	_ =	shalt  }
0x5e: {  	_ =	shalt  }
0x5f: {  	_ =	shalt  }
0x60: {  	_ =	shalt  }
0x61: {  	_ =	shalt  }
0x62: {  	_ =	shalt  }
0x63: {  	_ =	shalt  }
0x64: {  	_ =	shalt  }
0x65: {  	_ =	shalt  }
0x66: {  	_ =	shalt  }
0x67: {  	_ =	shalt  }
0x68: {  	_ =	shalt  }
0x69: {  	_ =	shalt  }
0x6a: {  	_ =	shalt  }
0x6b: {  	_ =	shalt  }
0x6c: {  	_ =	shalt  }
0x6d: {  	_ =	shalt  }
0x6e: {  	_ =	shalt  }
0x6f: {  	_ =	shalt  }
0x70: {  	_ =	shalt  }
0x71: {  	_ =	shalt  }
0x72: {  	_ =	shalt  }
0x73: {  	_ =	shalt  }
0x74: {  	_ =	shalt  }
0x75: {  	_ =	shalt  }
0x76: {  	_ =	shalt  }
0x77: {  	_ =	shalt  }
0x78: {  	_ =	shalt  }
0x79: {  	_ =	shalt  }
0x7a: {  	_ =	shalt  }
0x7b: {  	_ =	shalt  }
0x7c: {  	_ =	shalt  }
0x7d: {  	_ =	shalt  }
0x7e: {  	_ =	shalt  }
0x7f: {  	_ =	shalt  }
0x80: {  	_ =	shalt  }
0x81: {  	_ =	shalt  }
0x82: {  	_ =	shalt  }
0x83: {  	_ =	shalt  }
0x84: {  	_ =	shalt  }
0x85: {  	_ =	shalt  }
0x86: {  	_ =	shalt  }
0x87: {  	_ =	shalt  }
.Lfunc_end0:
.L_simem_size_0:
called_computation_lowered:
.L_overlay_start_0:
0x88: {  	s2 =	sld [smem:$0x3FD9]  }
0x89: {  	s3 =	sld [smem:$0x3FFE];
	_ =	sdelay $0x1  }
0x8a: {  	s1 =	srdreg.scid  }
0x8b: {  	s0 =	sand.u32 $0x1, s1  }
0x8c: {  	s17 =	sshll.u32 s0, $0xA;
	s2 =	sadd.s32 s3, s2  }
0x8d: {  	s2 =	sadd.s32 s2, s17  }
0x8e: {  	[smem:$0x3FB5] =	sst s2  }
0x8f: {  	_ = 	snop  }
0x90: {  	s2 =	sld [smem:$0x3FC9];
	(tm) =	ssettm $0x1  }
0x91: {  	s18 =	sld [smem:$0x3FFB];
	_ =	sdelay $0x3  }
0x92: {  	_ =	strace s18  }
0x93: {  	s3 =	sld [smem:$0x3FFC];
	_ =	sdelay $0x3  }
0x94: {  	_ =	strace s3  }
0x95: {  	s3 =	sld [smem:$0x3FFD];
	_ =	sdelay $0x3  }
0x96: {  	_ =	strace s3  }
0x97: {  	_ =	strace $0x8FFFFFFF  }
0x98: {  	s19 =	sld [smem:$0x3FDB];
	_ =	sdelay $0x1  }
0x99: {  	s4 =	simm.s32 $_scs_section_size  }
0x9a: {  	s5 =	simm.s32 $_size__tile_overlayer_lowered;
	s6 =	simm.s32 $_tile_overlayer_lowered  }
0x9b: {  	s22 =	simm.s32 $0x1BFF;
	s21 =	sshll.u32 s6, $0x1;
	s3 =	sadd.s32 s4, s19  }
0x9c: {  	s7 =	simm.s32 $0x0;
	s20 =	sshll.u32 s5, $0x1;
	s5 =	sadd.s32 s21, s3  }
0x9d: {  	[timem:s7], [sflag:s22] =	dma.local [hbm:s5], s20  }
0x9e: {  	_ =	swait.ge [sflag:s22], s20  }
0x9f: {  	s4 =	ssub.s32 $0x0, s20;
	[sflag:s22] =	ssyncset.done $0x0  }
0xa0: {  	[sflag:s22] =	ssyncadd.s32 s4;
	_ =	sdelay $0x1  }
0xa1: {  	s23 =	simm.s32 $0x1B8B  }
0xa2: {  	_ =	swait.ge [sflag:s23], $0x1  }
0xa3: {  	[sflag:s23] =	ssyncset.done $0x0  }
0xa4: {  	s25 =	simm.s32 $0x1B8E;
	s24 =	sld [smem:$0x3FFE];
	[sflag:s23] =	ssyncadd.s32 $0xFFFFFFFF  }
0xa5: {  	s26 =	simm.s32 $execute0_lowered;
	[smem:$0x3FD2] =	sst s25  }
0xa6: {  	s5 =	sshll.u32 s26, $0x1;
	_ =	strace $0x80000046;
	[dreg:$0x1] =	wrdreg $0xFFFFFFFF  }
0xa7: {  	s28 =	simm.s32 $_size_execute0_lowered;
	s3 =	sadd.s32 s3, s5;
	[dreg:$0x0] =	wrdreg $0x0  }
0xa8: {  	s5 =	sshll.u32 s28, $0x1;
	[dreg:$0x2] =	wrdreg s3  }
0xa9: {  	[dreg:$0x3] =	wrdreg s5  }
0xaa: {  	[dreg:$0x4] =	wrdreg $0xC0  }
0xab: {  	_ =	task [dreg:s7], $0x5FFFF  }
0xac: {  	[dreg:$0x1] =	wrdreg $0xFFFFFFFF  }
0xad: {  	[dreg:$0x0] =	wrdreg $0x60  }
0xae: {  	[dreg:$0x2] =	wrdreg s2  }
0xaf: {  	[dreg:$0x3] =	wrdreg s24  }
0xb0: {  	[dreg:$0x4] =	wrdreg $0x0  }
0xb1: {  	[dreg:$0x5] =	wrdreg $0x9  }
0xb2: {  	_ =	task.clear_ibuf [dreg:s7], $0x6FFFF;
	_ =	strace $0x90000046  }
0xb3: {  	s29 =	simm.s32 $0x9;
	_ =	strace $0x80000048  }
0xb4: {  	_ =	swait.ge [sflag:s29], $0x1  }
0xb5: {  	[sflag:s29] =	ssyncadd.s32 $0xFFFFFFFF  }
0xb6: {  	_ =	strace $0x90000048  }
0xb7: {  	_ =	sfence  }
0xb8: {  	s30 =	sld [smem:$0x0];
	_ =	sdelay $0x2  }
0xb9: {  	s31 =	sshll.u32 s1, $0xD;
	s1 =	sshrl.u32 s1, $0x2  }
0xba: {  	s3 =	sand.u32 $0x4000, s31;
	s1 =	sadd.s32 s1, s30  }
0xbb: {  	s0 =	sor.u32 s3, s0;
	s1 =	sshll.u32 s1, $0x11  }
0xbc: {  	s0 =	sor.u32 s1, s0  }
0xbd: {  	s0 =	sadd.s32 $0x8F2B, s0  }
0xbe: {  	[sflag:s0] =	ssyncadd.remote.s32 $0x1  }
0xbf: {  	_ =	sfence.sel $0xFFFF  }
0xc0: {  	[dreg:$0x0] =	wrdreg $0xFFFFFFFF;
	(pc) =	sbr.abs _section_cstart, $3  }
0xc1: {  	[dreg:$0x1] =	wrdreg $0xFFFFFFFF  }
0xc2: {  	_ =	task.clear_ibuf [dreg:s7], $0x2FFFF;
	_ =	strace $0x9FFFFFFF  }
0xc3: {  	(tm) =	ssettm $0x7FFFFFFF  }
tec
execute0_lowered:
.L_overlay_start_1:
0x0: {  	(tag) =	ssettag $0x1  }
0x1: {  	s1 =	rddreg [dreg:$0x0]  }
0x2: {  	s0 =	rddreg [dreg:$0x1];
	s16 =	stileid.u32  }
0x3: {  	s2 =	rddreg [dreg:$0x2];
	s8 =	smul.u32 $0x2800, s16  }
0x4: {  	s4 =	simm.s32 $0x0;
	s3 =	srdreg.scid;
	s10 =	smul.u32 $0x500, s16  }
0x5: {  	s30 =	simm.s32 $0x2;
	s31 =	simm.s32 $0x3;
	s24 =	smul.u32 $0x19000, s16  }
0x6: {  	s29 =	simm.s32 $0x1;
	[smem:$0x7FF] =	sst s4;
	s26 =	smul.u32 $0xC80, s16  }
0x7: {  	s3 =	sand.u32 $0x1, s3;
	s28 =	sor.u32 $0x10, s16;
	s19 =	smul.u32 $0x6400, s16  }
0x8: {  	s7 =	ssub.s32 $0x2, s3;
	p0 =	seq.s32 s3, $0x1;
	s3 =	smul.u32 $0x138800, s3  }
0x9: {  	s5 =	sadd.s32 $0x3800, s0;
	s20 =	sor.u32 $0x20, s16;
	s13 =	smul.u32 $0x6400, s28  }
0xa: {  	s6 =	sadd.s32 $0xD800, s0;
	s14 =	sor.u32 $0x30, s16;
	s15 =	smul.u32 $0x6400, s20  }
0xb: {  	s0 =	sadd.s32 $0x17800, s0;
	_ =	strace $0x80000047;
	s21 =	smul.u32 $0x6400, s14  }
0xc: {  	p1 =	sgt.u32 s14, $0x31;
	s9 =	sshrl.u32 s7, $0x1;
	s8 =	sshrl.u32 s8, $0x3  }
0xd: {  	s17 =	sadd.s32 s5, s10;
	s18 =	sadd.s32 s6, s10;
	s9 =	ssub.s32 s7, s9  }
0xe: {  	s7 =	sadd.s32 $0x5000, s10;
	s11 =	sadd.s32 $0x5100, s8;
	[dreg:$0x7] =	wrdreg s18  }
0xf: {  	s8 =	sadd.s32 $0x100, s8;
	s10 =	sadd.s32 s1, s26;
	[dreg:$0x6] =	wrdreg s17  }
0x10: {  	s22 =	sadd.s32 s3, s19;
	s12 =	sadd.s32 s5, s11;
	[dreg:$0xc] =	wrdreg s10  }
0x11: {  	s23 =	sadd.s32 s3, s13;
	s11 =	sadd.s32 s6, s11;
	[dreg:$0x4] =	wrdreg s12  }
0x12: {  	s19 =	smul.u32 $0xC80, s14;
	s25 =	sadd.s32 s5, s8;
	[dreg:$0x5] =	wrdreg s11  }
0x13: {  	s8 =	sadd.s32 s6, s8;
	s9 =	smax.u32 s9, $0x1;
	[dreg:$0x8] =	wrdreg s25  }
0x14: {  	s26 =	sshrl.u32 s23, $0x3;
	[dreg:$0x9] =	wrdreg s8;
	s25 =	smul.u32 $0x19000, s28  }
0x15: {  	s10 =	simm.s32 $0x19C80;
	[dreg:$0xa] =	wrdreg s9;
	s8 =	smul.u32 $0xC80, s28  }
0x16: {  	s11 =	sshrl.u32 s24, $0x2;
	s24 =	sadd.s32 s3, s15;
	s12 =	smul.u32 $0x19000, s20  }
0x17: {  	s3 =	sadd.s32 s3, s21;
	s9 =	smul.u32 $0xC80, s20;
	s23 =	sadd.s32 s1, s19  }
0x18: {  	s15 =	sshll.u32 s16, $0x6;
	s11 =	sadd.s32 s11, s2;
	[dreg:$0x16] =	wrdreg s23  }
0x19: {  	s28 =	sshrl.u32 s24, $0x3;
	s24 =	sadd.s32 s5, s7;
	[dreg:$0xb] =	wrdreg s11  }
0x1a: {  	s16 =	smul.u32 $0x19000, s14;
	s8 =	sadd.s32 s1, s8;
	[dreg:$0x17] =	wrdreg s24  }
0x1b: {  	s11 =	sshrl.u32 s22, $0x3;
	s22 =	sadd.s32 s1, s9;
	[dreg:$0x12] =	wrdreg s8  }
0x1c: {  	s13 =	sshrl.u32 s25, $0x2;
	s25 =	sadd.s32 s6, s7;
	[dreg:$0x14] =	wrdreg s22  }
0x1d: {  	s14 =	simm.s32 $0x0;
	s11 =	sadd.s32 s0, s11;
	[dreg:$0x18] =	wrdreg s25  }
0x1e: {  	s3 =	sshrl.u32 s3, $0x3;
	[dreg:$0xd] =	wrdreg s11;
	s11 =	sadd.s32 s0, s26  }
0x1f: {  	s21 =	sor.u32 $0x1C06, s15;
	s26 =	sadd.s32 $0x120, s18;
	[dreg:$0xe] =	wrdreg s11  }
0x20: {  	s20 =	sshrl.u32 s16, $0x2;
	s11 =	sadd.s32 s0, s28;
	[dreg:$0x19] =	wrdreg s26  }
0x21: {  	s0 =	sadd.s32 s0, s3;
	s3 =	sadd.s32 s13, s2;
	[dreg:$0xf] =	wrdreg s11  }
.Ltmp0:
0x22: {  	s28 =	sadd.s32 $0x120, s17;
	[dreg:$0x10] =	wrdreg s0;
	(pc) =	sbr.rel .LBB2_1-.Ltmp0, $4  }
0x23: {  	s13 =	simm.s32 $0x15C80;
	[dreg:$0x11] =	wrdreg s3;
	s0 =	sshrl.u32 s12, $0x2  }
0x24: {  	[dreg:$0x1a] =	wrdreg s28;
	s3 =	simm.s32 $0x6;
	s0 =	sadd.s32 s0, s2  }
0x25: {  	s12 =	simm.s32 $0x5;
	[dreg:$0x13] =	wrdreg s0;
	s0 =	sadd.s32 s20, s2  }
0x26: {  	s11 =	simm.s32 $0x80;
	[dreg:$0x15] =	wrdreg s0;
	s0 =	simm.s32 $0x4  }
.LBB2_14:
0x27: {  	_ =	swait.ge [sflag:s0], $0x4000  }
0x28: {  	[sflag:s0] =	ssyncset.done $0x0  }
0x29: {  	[sflag:s0] =	ssyncadd.s32 $0xFFFFC000  }
.LBB2_15:
0x2a: {  	[bflag:$0x0] =	sbarrier.arrive $0xFFFF  }
0x2b: {  	s8 =	rddreg [dreg:$0xd]  }
0x2c: {  	[hbm:s8], [sflag:s21] =	dma.local [spmem:s15], $0xC80  }
0x2d: {  	_ =	swait.ge [sflag:s3], $0xC80  }
0x2e: {  	[sflag:s3] =	ssyncset.done $0x0  }
0x2f: {  	s26 =	rddreg [dreg:$0xe];
	[sflag:s3] =	ssyncadd.s32 $0xFFFFF380  }
0x30: {  	[hbm:s26], [sflag:s21] =	dma.local [spmem:s16], $0xC80  }
0x31: {  	_ =	swait.ge [sflag:s3], $0xC80  }
0x32: {  	[sflag:s3] =	ssyncset.done $0x0  }
0x33: {  	s28 =	rddreg [dreg:$0xf];
	[sflag:s3] =	ssyncadd.s32 $0xFFFFF380  }
0x34: {  	[hbm:s28], [sflag:s21] =	dma.local [spmem:s17], $0xC80  }
0x35: {  	_ =	swait.ge [sflag:s3], $0xC80  }
0x36: {  	[sflag:s3] =	ssyncset.done $0x0  }
0x37: {  	s8 =	rddreg [dreg:$0x10];
	[sflag:s3] =	ssyncadd.s32 $0xFFFFF380  }
0x38: {  	[hbm:s8], [sflag:s21] =	dma.local @!p1 [spmem:s18], $0xC80  }
0x39: {  	s8 =	simm.s32 @!p1 $0x6  }
0x3a: {  	_ =	swait.ge @!p1 [sflag:s8], $0xC80  }
0x3b: {  	s14 =	sadd.s32 $0x1, s14;
	s9 =	rddreg [dreg:$0xa]  }
0x3c: {  	p2 =	sne.s32 s14, s9  }
.Ltmp1:
0x3d: {  	_ = 	snop;
	(pc) =	sbr.rel @!p2 .LBB2_16-.Ltmp1, $3  }
0x3e: {  	_ =	sdelay $0x1  }
0x3f: {  	[sflag:s8] =	ssyncset.done @!p1 $0x0  }
0x40: {  	[sflag:s8] =	ssyncadd.s32 @!p1 $0xFFFFF380  }
.LBB2_1:
0x41: {  	s8 =	rddreg [dreg:$0xb]  }
0x42: {  	s23 =	rddreg [dreg:$0xc];
	s15 =	sshrl.u32 s8, $0x3  }
0x43: {  	[spmem:s15], [sflag:s21] =	dma.local [hbm:s23], $0xC80  }
0x44: {  	_ =	swait.ge [sflag:s3], $0xC80  }
0x45: {  	[sflag:s3] =	ssyncset.done $0x0;
	s24 =	rddreg [dreg:$0x11]  }
0x46: {  	s25 =	rddreg [dreg:$0x12];
	[sflag:s3] =	ssyncadd.s32 $0xFFFFF380;
	s16 =	sshrl.u32 s24, $0x3  }
0x47: {  	[spmem:s16], [sflag:s21] =	dma.local [hbm:s25], $0xC80  }
0x48: {  	_ =	swait.ge [sflag:s3], $0xC80  }
0x49: {  	[sflag:s3] =	ssyncset.done $0x0;
	s26 =	rddreg [dreg:$0x13]  }
0x4a: {  	s28 =	rddreg [dreg:$0x14];
	[sflag:s3] =	ssyncadd.s32 $0xFFFFF380;
	s17 =	sshrl.u32 s26, $0x3  }
0x4b: {  	[spmem:s17], [sflag:s21] =	dma.local [hbm:s28], $0xC80  }
0x4c: {  	_ =	swait.ge [sflag:s3], $0xC80  }
0x4d: {  	s19 =	simm.s32 @!p1 $0x6;
	[sflag:s3] =	ssyncset.done $0x0;
	s8 =	rddreg [dreg:$0x15]  }
0x4e: {  	[sflag:s3] =	ssyncadd.s32 $0xFFFFF380;
	s18 =	sshrl.u32 @!p1 s8, $0x3;
	s8 =	rddreg [dreg:$0x16]  }
0x4f: {  	[spmem:s18], [sflag:s21] =	dma.local @!p1 [hbm:s8], $0xC80  }
.Ltmp2:
0x50: {  	_ =	swait.ge @!p1 [sflag:s19], $0xC80;
	(pc) =	sbr.rel @!p0 .LBB2_2-.Ltmp2, $3  }
0x51: {  	[sflag:s19] =	ssyncset.done @!p1 $0x0  }
0x52: {  	[sflag:s19] =	ssyncadd.s32 @!p1 $0xFFFFF380  }
0x53: {  	[bflag:$0x0] =	sbarrier.arrive $0xFFFF;
	_ =	sdelay $0x1  }
0x54: {  	s8 =	rddreg [dreg:$0x6];
	s9 =	simm.s32 $0x13C80  }
0x55: {  	[tilespmem:s9], [sflag:$0x5] =	stream.linear.gather [hbm4b:s8+s4], $0x800, $0x38;
	[tilespmem:$0x1DC80] =	vst v63  }
0x56: {  	s19 =	rddreg [dreg:$0x7];
	s20 =	simm.s32 $0x14C80  }
0x57: {  	[tilespmem:s20], [sflag:$0x5] =	stream.linear.gather [hbm4b:s19+s4], $0x800, $0x38;
	[tilespmem:$0x1DC80] =	vst v63  }
0x58: {  	_ =	swait.ge [sflag:s12], $0x800  }
0x59: {  	[sflag:s12] =	ssyncset.done $0x0  }
0x5a: {  	[sflag:s12] =	ssyncadd.s32 $0xFFFFF800  }
0x5b: {  	_ =	swait.ge [sflag:s12], $0x800  }
0x5c: {  	[sflag:s12] =	ssyncset.done $0x0  }
0x5d: {  	s19 =	simm.s32 $0x14480;
	s22 =	rddreg [dreg:$0x8];
	[sflag:s12] =	ssyncadd.s32 $0xFFFFF800  }
0x5e: {  	[tilespmem:s19], [sflag:$0x5] =	stream.linear.gather [hbm4b:s22+s4], $0x800, $0x38;
	[tilespmem:$0x1DC80] =	vst v63  }
0x5f: {  	s24 =	simm.s32 $0x15480;
	s23 =	rddreg [dreg:$0x9]  }
0x60: {  	[tilespmem:s24], [sflag:$0x5] =	stream.linear.gather [hbm4b:s23+s4], $0x800, $0x38;
	[tilespmem:$0x1DC80] =	vst v63  }
0x61: {  	s19 =	simm.s32 $0x1  }
0x62: {  	[tilespmem:s13], [sflag:$0x1] =	stream.indirect.gather [hbm4b:s1+s11], $0x80, s9, s11, $0xb8;
	[tilespmem:$0x1DC80] =	vst v63  }
0x63: {  	_ =	swait.ge [sflag:s19], $0x4000  }
0x64: {  	[sflag:s19] =	ssyncset.done $0x0  }
0x65: {  	[sflag:s19] =	ssyncadd.s32 $0xFFFFC000  }
0x66: {  	[spmem:s2] =	stream.indirect.scatter.add.f32 [tilespmem:s13], [sflag:$0x3], $0x80, s20, s11, $0xb8;
	[tilespmem:$0x1DC80] =	vst v63  }
0x67: {  	s25 =	simm.s32 $0x13D00  }
0x68: {  	[tilespmem:s10], [sflag:$0x2] =	stream.indirect.gather [hbm4b:s1+s11], $0x80, s25, s11, $0xb8;
	[tilespmem:$0x1DC80] =	vst v63  }
0x69: {  	_ =	swait.ge [sflag:s30], $0x4000  }
0x6a: {  	[sflag:s30] =	ssyncset.done $0x0  }
0x6b: {  	s26 =	simm.s32 $0x14D00;
	[sflag:s30] =	ssyncadd.s32 $0xFFFFC000  }
0x6c: {  	[spmem:s2] =	stream.indirect.scatter.add.f32 [tilespmem:s10], [sflag:$0x4], $0x80, s26, s11, $0xb8;
	[tilespmem:$0x1DC80] =	vst v63  }
.Ltmp3:
0x6d: {  	_ = 	snop;
	(pc) =	sbr.rel .LBB2_9-.Ltmp3, $4  }
0x6e: {  	_ =	swait.ge [sflag:s31], $0x4000  }
0x6f: {  	s28 =	simm.s32 $0x13D80;
	[sflag:s31] =	ssyncset.done $0x0;
	s22 =	rddreg [dreg:$0x1a]  }
0x70: {  	s20 =	simm.s32 $0x900;
	s23 =	rddreg [dreg:$0x19];
	[sflag:s31] =	ssyncadd.s32 $0xFFFFC000  }
0x71: {  	[tilespmem:s13], [sflag:$0x1] =	stream.indirect.gather [hbm4b:s1+s11], $0x80, s28, s11, $0xb8;
	[tilespmem:$0x1DC80] =	vst v63  }
.LBB2_12:
0x72: {  	s8 =	sadd.s32 s25, s24  }
0x73: {  	s24 =	sadd.s32 $0x13D80, s8  }
.LBB2_13:
0x74: {  	s20 =	sadd.s32 $0x100, s20  }
0x75: {  	p2 =	seq.s32 s20, $0x3000  }
.Ltmp4:
0x76: {  	_ = 	snop;
	(pc) =	sbr.rel @p2 .LBB2_15-.Ltmp4, $3  }
0x77: {  	_ =	sdelay $0x1  }
0x78: {  	[tilespmem:s13], [sflag:$0x1] =	stream.indirect.gather [hbm4b:s1+s11], $0x80, s24, s11, $0xb8;
	[tilespmem:$0x1DC80] =	vst v63  }
0x79: {  	s19 =	sadd.s32 $0x1, s19;
	s23 =	sadd.s32 $0x20, s23;
	s22 =	sadd.s32 $0x20, s22  }
.LBB2_9:
0x7a: {  	s8 =	sand.u32 $0x7, s19  }
0x7b: {  	s24 =	sadd.s32 $0xFFFFF800, s20;
	s25 =	sshll.u32 s8, $0xA  }
0x7c: {  	_ =	swait.ge [sflag:s29], $0x4000;
	s24 =	sand.u32 $0x800, s24;
	s25 =	sshrl.u32 s25, $0x2  }
0x7d: {  	[sflag:s29] =	ssyncset.done $0x0;
	s26 =	sor.u32 s25, s24  }
0x7e: {  	s9 =	sand.u32 $0x27, s19;
	[sflag:s29] =	ssyncadd.s32 $0xFFFFC000;
	s26 =	sadd.s32 $0x14C80, s26  }
0x7f: {  	[spmem:s2] =	stream.indirect.scatter.add.f32 [tilespmem:s13], [sflag:$0x3], $0x80, s26, s11, $0xb8;
	[tilespmem:$0x1DC80] =	vst v63  }
0x80: {  	p2 =	sne.s32 s9, $0x0;
	_ =	swait.ge [sflag:s0], $0x4000  }
0x81: {  	s26 =	sand.u32 @!p2 $0x800, s20;
	[sflag:s0] =	ssyncset.done $0x0  }
0x82: {  	s9 =	simm.s32 @!p2 $0x0;
	s28 =	sadd.s32 @!p2 $0x13C80, s26;
	[sflag:s0] =	ssyncadd.s32 $0xFFFFC000  }
0x83: {  	[tilespmem:s28], [sflag:$0x5] =	stream.linear.gather @!p2 [hbm4b:s22+s9], $0x800, $0x38;
	[tilespmem:$0x1DC80] =	vst v63  }
0x84: {  	s26 =	sadd.s32 @!p2 $0x14C80, s26  }
0x85: {  	[tilespmem:s26], [sflag:$0x5] =	stream.linear.gather @!p2 [hbm4b:s23+s9], $0x800, $0x38;
	[tilespmem:$0x1DC80] =	vst v63  }
0x86: {  	s26 =	sshll.u32 s8, $0x8  }
0x87: {  	s9 =	sor.u32 s24, s26  }
0x88: {  	s9 =	sor.u32 $0x80, s9  }
0x89: {  	s28 =	sadd.s32 $0x13C80, s9  }
0x8a: {  	[tilespmem:s10], [sflag:$0x2] =	stream.indirect.gather [hbm4b:s1+s11], $0x80, s28, s11, $0xb8;
	[tilespmem:$0x1DC80] =	vst v63  }
0x8b: {  	_ =	swait.ge [sflag:s30], $0x4000  }
0x8c: {  	p2 =	sne.s32 s8, $0x7;
	[sflag:s30] =	ssyncset.done $0x0  }
.Ltmp5:
0x8d: {  	s9 =	sadd.s32 $0x14C80, s9;
	[sflag:s30] =	ssyncadd.s32 $0xFFFFC000;
	(pc) =	sbr.rel @p2 .LBB2_12-.Ltmp5, $4  }
0x8e: {  	[spmem:s2] =	stream.indirect.scatter.add.f32 [tilespmem:s10], [sflag:$0x4], $0x80, s9, s11, $0xb8;
	[tilespmem:$0x1DC80] =	vst v63  }
0x8f: {  	_ =	swait.ge [sflag:s31], $0x4000  }
0x90: {  	[sflag:s31] =	ssyncset.done $0x0  }
0x91: {  	[sflag:s31] =	ssyncadd.s32 $0xFFFFC000  }
0x92: {  	p2 =	seq.s32 s20, $0x2F00  }
.Ltmp6:
0x93: {  	_ = 	snop;
	(pc) =	sbr.rel @p2 .LBB2_14-.Ltmp6, $1  }
0x94: {  	_ =	sdelay $0x3  }
0x95: {  	_ =	swait.ge [sflag:s12], $0x800  }
.Ltmp7:
0x96: {  	[sflag:s12] =	ssyncset.done $0x0;
	(pc) =	sbr.rel .LBB2_13-.Ltmp7, $4  }
0x97: {  	[sflag:s12] =	ssyncadd.s32 $0xFFFFF800  }
0x98: {  	_ =	swait.ge [sflag:s12], $0x800  }
0x99: {  	s8 =	sxor.u32 $0x800, s24;
	[sflag:s12] =	ssyncset.done $0x0  }
0x9a: {  	s24 =	sadd.s32 $0x13C80, s8;
	[sflag:s12] =	ssyncadd.s32 $0xFFFFF800  }
.LBB2_2:
0x9b: {  	s8 =	rddreg [dreg:$0x17];
	s9 =	simm.s32 $0x13C80  }
0x9c: {  	[tilespmem:s9], [sflag:$0x5] =	stream.linear.gather [hbm4b:s8+s4], $0x800, $0x38;
	[tilespmem:$0x1DC80] =	vst v63  }
0x9d: {  	s20 =	rddreg [dreg:$0x18];
	s19 =	simm.s32 $0x14C80  }
0x9e: {  	[tilespmem:s19], [sflag:$0x5] =	stream.linear.gather [hbm4b:s20+s4], $0x800, $0x38;
	[tilespmem:$0x1DC80] =	vst v63  }
0x9f: {  	_ =	swait.ge [sflag:s12], $0x800  }
0xa0: {  	[sflag:s12] =	ssyncset.done $0x0  }
0xa1: {  	[sflag:s12] =	ssyncadd.s32 $0xFFFFF800  }
0xa2: {  	_ =	swait.ge [sflag:s12], $0x800  }
0xa3: {  	[sflag:s12] =	ssyncset.done $0x0  }
0xa4: {  	s20 =	simm.s32 $0x14480;
	s22 =	rddreg [dreg:$0x4];
	[sflag:s12] =	ssyncadd.s32 $0xFFFFF800  }
0xa5: {  	[tilespmem:s20], [sflag:$0x5] =	stream.linear.gather [hbm4b:s22+s4], $0x800, $0x38;
	[tilespmem:$0x1DC80] =	vst v63  }
0xa6: {  	s24 =	simm.s32 $0x15480;
	s23 =	rddreg [dreg:$0x5]  }
0xa7: {  	[tilespmem:s24], [sflag:$0x5] =	stream.linear.gather [hbm4b:s23+s4], $0x800, $0x38;
	[tilespmem:$0x1DC80] =	vst v63  }
0xa8: {  	_ = 	snop  }
0xa9: {  	[tilespmem:s13], [sflag:$0x1] =	stream.indirect.gather [hbm4b:s1+s11], $0x80, s9, s11, $0xb8;
	[tilespmem:$0x1DC80] =	vst v63  }
0xaa: {  	_ =	swait.ge [sflag:s29], $0x4000  }
0xab: {  	[sflag:s29] =	ssyncset.done $0x0  }
0xac: {  	[sflag:s29] =	ssyncadd.s32 $0xFFFFC000  }
0xad: {  	[spmem:s2] =	stream.indirect.scatter.add.f32 [tilespmem:s13], [sflag:$0x3], $0x80, s19, s11, $0xb8;
	[tilespmem:$0x1DC80] =	vst v63  }
0xae: {  	s25 =	simm.s32 $0x13D00  }
0xaf: {  	[tilespmem:s10], [sflag:$0x2] =	stream.indirect.gather [hbm4b:s1+s11], $0x80, s25, s11, $0xb8;
	[tilespmem:$0x1DC80] =	vst v63  }
0xb0: {  	_ =	swait.ge [sflag:s30], $0x4000  }
0xb1: {  	[sflag:s30] =	ssyncset.done $0x0  }
0xb2: {  	s26 =	simm.s32 $0x14D00;
	[sflag:s30] =	ssyncadd.s32 $0xFFFFC000  }
0xb3: {  	[spmem:s2] =	stream.indirect.scatter.add.f32 [tilespmem:s10], [sflag:$0x4], $0x80, s26, s11, $0xb8;
	[tilespmem:$0x1DC80] =	vst v63  }
.Ltmp8:
0xb4: {  	_ = 	snop;
	(pc) =	sbr.rel .LBB2_3-.Ltmp8, $4  }
0xb5: {  	_ =	swait.ge [sflag:s31], $0x4000  }
0xb6: {  	[sflag:s31] =	ssyncset.done $0x0  }
0xb7: {  	s28 =	simm.s32 $0x13D80;
	s19 =	simm.s32 $0xFFFFFFD9;
	[sflag:s31] =	ssyncadd.s32 $0xFFFFC000  }
0xb8: {  	[tilespmem:s13], [sflag:$0x1] =	stream.indirect.gather [hbm4b:s1+s11], $0x80, s28, s11, $0xb8;
	[tilespmem:$0x1DC80] =	vst v63  }
.LBB2_6:
0xb9: {  	s8 =	sadd.s32 s22, s20  }
0xba: {  	s20 =	sadd.s32 $0x13D80, s8  }
.LBB2_7:
0xbb: {  	s19 =	sadd.s32 $0x1, s19  }
0xbc: {  	p2 =	seq.s32 s19, $0x0  }
.Ltmp9:
0xbd: {  	_ = 	snop;
	(pc) =	sbr.rel @p2 .LBB2_15-.Ltmp9, $2  }
0xbe: {  	_ =	sdelay $0x2  }
0xbf: {  	[tilespmem:s13], [sflag:$0x1] =	stream.indirect.gather [hbm4b:s1+s11], $0x80, s20, s11, $0xb8;
	[tilespmem:$0x1DC80] =	vst v63  }
.LBB2_3:
0xc0: {  	s23 =	sadd.s32 $0x28, s19  }
0xc1: {  	_ =	swait.ge [sflag:s29], $0x4000;
	s24 =	sand.u32 $0x7, s23;
	s20 =	sshll.u32 s23, $0x8  }
0xc2: {  	[sflag:s29] =	ssyncset.done $0x0;
	s9 =	sand.u32 $0x27, s23;
	s22 =	sshll.u32 s24, $0xA  }
0xc3: {  	s23 =	sshrl.u32 s23, $0x3;
	s20 =	sand.u32 $0x800, s20;
	s22 =	sshrl.u32 s22, $0x2  }
0xc4: {  	[sflag:s29] =	ssyncadd.s32 $0xFFFFC000;
	p2 =	sne.s32 s9, $0x0;
	s25 =	sor.u32 s22, s20  }
0xc5: {  	s23 =	sadd.s32 @!p2 $0x1, s23;
	s8 =	simm.s32 @!p2 $0x0;
	s25 =	sadd.s32 $0x14C80, s25  }
0xc6: {  	[spmem:s2] =	stream.indirect.scatter.add.f32 [tilespmem:s13], [sflag:$0x3], $0x80, s25, s11, $0xb8;
	[tilespmem:$0x1DC80] =	vst v63  }
0xc7: {  	s25 =	sshll.u32 @!p2 s23, $0x8;
	s23 =	sshll.u32 @!p2 s23, $0xB;
	_ =	swait.ge [sflag:s0], $0x4000  }
0xc8: {  	s25 =	sadd.s32 @!p2 s7, s25;
	s23 =	sand.u32 @!p2 $0x800, s23;
	[sflag:s0] =	ssyncset.done $0x0  }
0xc9: {  	s26 =	sadd.s32 @!p2 $0x13C80, s23;
	s28 =	sadd.s32 @!p2 s5, s25;
	[sflag:s0] =	ssyncadd.s32 $0xFFFFC000  }
0xca: {  	[tilespmem:s26], [sflag:$0x5] =	stream.linear.gather @!p2 [hbm4b:s28+s8], $0x800, $0x38;
	[tilespmem:$0x1DC80] =	vst v63  }
0xcb: {  	s23 =	sadd.s32 @!p2 $0x14C80, s23;
	s25 =	sadd.s32 @!p2 s6, s25;
	s26 =	sshll.u32 s24, $0x8  }
0xcc: {  	[tilespmem:s23], [sflag:$0x5] =	stream.linear.gather @!p2 [hbm4b:s25+s8], $0x800, $0x38;
	[tilespmem:$0x1DC80] =	vst v63  }
0xcd: {  	s8 =	sor.u32 s20, s26  }
0xce: {  	s8 =	sor.u32 $0x80, s8  }
0xcf: {  	s28 =	sadd.s32 $0x13C80, s8  }
0xd0: {  	[tilespmem:s10], [sflag:$0x2] =	stream.indirect.gather [hbm4b:s1+s11], $0x80, s28, s11, $0xb8;
	[tilespmem:$0x1DC80] =	vst v63  }
0xd1: {  	_ =	swait.ge [sflag:s30], $0x4000  }
0xd2: {  	p2 =	sne.s32 s24, $0x7;
	[sflag:s30] =	ssyncset.done $0x0  }
.Ltmp10:
0xd3: {  	s8 =	sadd.s32 $0x14C80, s8;
	[sflag:s30] =	ssyncadd.s32 $0xFFFFC000;
	(pc) =	sbr.rel @p2 .LBB2_6-.Ltmp10, $4  }
0xd4: {  	[spmem:s2] =	stream.indirect.scatter.add.f32 [tilespmem:s10], [sflag:$0x4], $0x80, s8, s11, $0xb8;
	[tilespmem:$0x1DC80] =	vst v63  }
0xd5: {  	_ =	swait.ge [sflag:s31], $0x4000  }
0xd6: {  	[sflag:s31] =	ssyncset.done $0x0  }
0xd7: {  	[sflag:s31] =	ssyncadd.s32 $0xFFFFC000  }
0xd8: {  	p2 =	seq.s32 s19, $0xFFFFFFFF  }
.Ltmp11:
0xd9: {  	_ = 	snop;
	(pc) =	sbr.rel @p2 .LBB2_14-.Ltmp11, $1  }
0xda: {  	_ =	sdelay $0x3  }
0xdb: {  	_ =	swait.ge [sflag:s12], $0x800  }
.Ltmp12:
0xdc: {  	[sflag:s12] =	ssyncset.done $0x0;
	(pc) =	sbr.rel .LBB2_7-.Ltmp12, $4  }
0xdd: {  	[sflag:s12] =	ssyncadd.s32 $0xFFFFF800  }
0xde: {  	_ =	swait.ge [sflag:s12], $0x800  }
0xdf: {  	s8 =	sxor.u32 $0x800, s20;
	[sflag:s12] =	ssyncset.done $0x0  }
0xe0: {  	s20 =	sadd.s32 $0x13C80, s8;
	[sflag:s12] =	ssyncadd.s32 $0xFFFFF800  }
.LBB2_16:
0xe1: {  	_ =	sfence.sel $0x180000  }
0xe2: {  	[bflag:$0x0] =	sbarrier.arrive $0xFFFF  }
0xe3: {  	_ =	strace $0x90000047  }
0xe4: {  	s0 =	stileid.u32;
	[bflag:$0x2] =	sbarrier.arrive $0xFFFF  }
0xe5: {  	p0 =	sne.s32 s0, $0x0;
	s0 =	rddreg [dreg:$0x3]  }
0xe6: {  	s0 =	sadd.s32 @!p0 $0x100000, s0  }
0xe7: {  	[sflag:s0] =	ssyncadd.tile.s32 @!p0 $0x1;
	_ =	shalt  }
.Lfunc_end2:
_tile_overlayer_lowered:
.L_overlay_start_2:
0xe8: {  	(tag) =	ssettag $0x2  }
0xe9: {  	s0 =	rddreg [dreg:$0x0];
	s2 =	stileid.u32  }
0xea: {  	s1 =	rddreg [dreg:$0x1];
	p0 =	sne.s32 s2, $0x0  }
0xeb: {  	s3 =	rddreg [dreg:$0x2];
	[bflag:$0x3] =	sbarrier.arrive $0xFFFF;
	s2 =	simm.s32 @!p0 $0x1C06  }
0xec: {  	[timem:s3], [sflag:s2] =	dma.local @!p0 [hbm:s0], s1  }
0xed: {  	s0 =	simm.s32 @!p0 $0x6  }
0xee: {  	_ =	swait.ge @!p0 [sflag:s0], s1  }
0xef: {  	s1 =	ssub.s32 @!p0 $0x0, s1;
	[sflag:s0] =	ssyncset.done @!p0 $0x0  }
0xf0: {  	[sflag:s0] =	ssyncadd.s32 @!p0 s1  }
0xf1: {  	[bflag:$0x3] =	sbarrier.arrive $0xFFFF  }
0xf2: {  	_ =	shalt  }

// kernel: kernel.9.cloned.1.call-start
scs
__scs_entry_jumppad:
0x0: {  	(pc) =	sbr.rel $0x88, $3  }
0x1: {  	(tag) =	ssettag $0x0;
	lr =	simm.s32 $0x1  }
0x2: {  	[smem:$0x3F8E] =	sst lr;
	_ =	strace $0xD0000000  }
0x3: {  	_ = 	snop  }
0x4: {  	_ = 	snop  }
0x5: {  	_ = 	snop  }
0x6: {  	_ = 	snop  }
0x7: {  	_ = 	snop  }
__scs_overlays_trampoline_lowered:
0x8: {  	[smem:$0x3F9D] =	sst s0  }
0x9: {  	[smem:$0x3F9E] =	sst s1  }
0xa: {  	[smem:$0x3F9F] =	sst s2  }
0xb: {  	[smem:$0x3FA0] =	sst s3  }
0xc: {  	[smem:$0x3FA1] =	sst s4  }
0xd: {  	[smem:$0x3FA2] =	sst s5  }
0xe: {  	[smem:$0x3FA3] =	sst s6  }
0xf: {  	[smem:$0x3FA4] =	sst s7  }
0x10: {  	[smem:$0x3FA5] =	sst s8  }
0x11: {  	[smem:$0x3FA6] =	sst s9;
	s0 =	simm.s32 @!p0 $0x0  }
0x12: {  	s1 =	sld [smem:$0x3F8C];
	s0 =	simm.s32 @p0 $0x1  }
0x13: {  	[smem:$0x3FA7] =	sst s0;
	s0 =	simm.s32 @!p1 $0x0  }
0x14: {  	s2 =	sld [smem:$0x3F8B];
	s0 =	simm.s32 @p1 $0x1  }
0x15: {  	[smem:$0x3FA8] =	sst s0;
	s0 =	simm.s32 @!p2 $0x0  }
0x16: {  	s3 =	sld [smem:$0x3FDB];
	s0 =	simm.s32 @p2 $0x1  }
0x17: {  	s4 =	simm.s32 $0x1BF5;
	[smem:$0x3FAA] =	sst s0  }
0x18: {  	s0 =	sld [smem:$0x3F8D];
	_ =	swait.ge [sflag:s4], $0x0  }
0x19: {  	s7 =	sld [smem:$0x3F8E]  }
0x1a: {  	s8 =	sadd.s32 $0xFFFFE003, lr  }
0x1b: {  	s9 =	sadd.s32 $0xFFFFFEF7, lr;
	s5 =	simm.s32 $0xFFFFFFFF;
	p2 =	slt.u32 s8, $0xFFFFF086  }
0x1c: {  	p1 =	slt.u32 s9, $0xF7A;
	s5 =	simm.s32 @!p2 $0x0  }
0x1d: {  	s5 =	simm.s32 @p1 $0x1;
	p0 =	seq.s32 s7, s2  }
0x1e: {  	s7 =	smul.u32 @!p0 $0xF7A, s2;
	p2 =	seq.s32 @!p0 s5, $0x0  }
0x1f: {  	s9 =	smul.u32 $0xF7A, s1;
	s8 =	simm.s32 @!p0 $0x1BF5;
	p2 =	por !p2, p0  }
0x20: {  	[sflag:s8] =	ssyncset.s32 @!p0 $0xFFFFF086;
	s6 =	sadd.s32 @!p0 s3, s7;
	s7 =	simm.s32 @!p0 $0x108  }
0x21: {  	s3 =	sadd.s32 s3, s9;
	s6 =	sadd.s32 @!p0 $0x88, s6;
	s7 =	simm.s32 @p2 $0x1082  }
0x22: {  	[simem:s7], [sflag:s8] =	dma.local @!p0 [hbm:s6], $0xF7A  }
0x23: {  	s9 =	sor.u32 $0xD0000000, s2;
	s6 =	simm.s32 $0x108;
	_ =	swait.ge @!p0 [sflag:s8], $0x0  }
0x24: {  	s3 =	sadd.s32 $0x88, s3;
	s6 =	simm.s32 @!p1 $0x1082;
	[sflag:s4] =	ssyncset.s32 $0xFFFFF086  }
0x25: {  	[simem:s6], [sflag:s4] =	dma.local [hbm:s3], $0xF7A  }
0x26: {  	[smem:$0x3F8E] =	sst s1;
	(tag) =	ssettag s2;
	_ =	strace s9  }
0x27: {  	s1 =	sld [smem:$0x3F9E]  }
0x28: {  	s2 =	sld [smem:$0x3F9F]  }
0x29: {  	s4 =	sld [smem:$0x3FA1]  }
0x2a: {  	p0 =	seq.s32 s5, $0x0;
	s5 =	sld [smem:$0x3FA2]  }
0x2b: {  	s6 =	sld [smem:$0x3FA3]  }
0x2c: {  	s7 =	sld [smem:$0x3FA4]  }
0x2d: {  	s3 =	simm.s32 $0x108;
	s8 =	sld [smem:$0x3FA5]  }
0x2e: {  	s3 =	simm.s32 @!p0 $0x1082;
	s9 =	sld [smem:$0x3FA6]  }
0x2f: {  	lr =	sadd.s32 s0, s3;
	s0 =	sld [smem:$0x3F9D]  }
0x30: {  	s3 =	sld [smem:$0x3FA0]  }
0x31: {  	[smem:$0x3FA9] =	sst s10  }
0x32: {  	s10 =	sld [smem:$0x3FA7];
	_ =	sdelay $0x3  }
0x33: {  	p0 =	seq.s32 s10, $0x1;
	s10 =	sld [smem:$0x3FA9];
	_ =	sdelay $0x3  }
0x34: {  	[smem:$0x3FA9] =	sst s10  }
0x35: {  	s10 =	sld [smem:$0x3FA8];
	_ =	sdelay $0x3  }
0x36: {  	p1 =	seq.s32 s10, $0x1;
	s10 =	sld [smem:$0x3FA9];
	_ =	sdelay $0x3  }
0x37: {  	[smem:$0x3FA9] =	sst s10  }
0x38: {  	s10 =	sld [smem:$0x3FAA]  }
0x39: {  	_ = 	snop;
	(pc) =	sbr.ind lr, $3  }
0x3a: {  	_ = 	snop  }
0x3b: {  	_ = 	snop  }
0x3c: {  	p2 =	seq.s32 s10, $0x1;
	s10 =	sld [smem:$0x3FA9]  }
0x3d: {  	_ =	shalt  }
0x3e: {  	_ =	shalt  }
0x3f: {  	_ =	shalt  }
0x40: {  	_ =	shalt  }
0x41: {  	_ =	shalt  }
0x42: {  	_ =	shalt  }
0x43: {  	_ =	shalt  }
0x44: {  	_ =	shalt  }
0x45: {  	_ =	shalt  }
0x46: {  	_ =	shalt  }
0x47: {  	_ =	shalt  }
0x48: {  	_ =	shalt  }
0x49: {  	_ =	shalt  }
0x4a: {  	_ =	shalt  }
0x4b: {  	_ =	shalt  }
0x4c: {  	_ =	shalt  }
0x4d: {  	_ =	shalt  }
0x4e: {  	_ =	shalt  }
0x4f: {  	_ =	shalt  }
0x50: {  	_ =	shalt  }
0x51: {  	_ =	shalt  }
0x52: {  	_ =	shalt  }
0x53: {  	_ =	shalt  }
0x54: {  	_ =	shalt  }
0x55: {  	_ =	shalt  }
0x56: {  	_ =	shalt  }
0x57: {  	_ =	shalt  }
0x58: {  	_ =	shalt  }
0x59: {  	_ =	shalt  }
0x5a: {  	_ =	shalt  }
0x5b: {  	_ =	shalt  }
0x5c: {  	_ =	shalt  }
0x5d: {  	_ =	shalt  }
0x5e: {  	_ =	shalt  }
0x5f: {  	_ =	shalt  }
0x60: {  	_ =	shalt  }
0x61: {  	_ =	shalt  }
0x62: {  	_ =	shalt  }
0x63: {  	_ =	shalt  }
0x64: {  	_ =	shalt  }
0x65: {  	_ =	shalt  }
0x66: {  	_ =	shalt  }
0x67: {  	_ =	shalt  }
0x68: {  	_ =	shalt  }
0x69: {  	_ =	shalt  }
0x6a: {  	_ =	shalt  }
0x6b: {  	_ =	shalt  }
0x6c: {  	_ =	shalt  }
0x6d: {  	_ =	shalt  }
0x6e: {  	_ =	shalt  }
0x6f: {  	_ =	shalt  }
0x70: {  	_ =	shalt  }
0x71: {  	_ =	shalt  }
0x72: {  	_ =	shalt  }
0x73: {  	_ =	shalt  }
0x74: {  	_ =	shalt  }
0x75: {  	_ =	shalt  }
0x76: {  	_ =	shalt  }
0x77: {  	_ =	shalt  }
0x78: {  	_ =	shalt  }
0x79: {  	_ =	shalt  }
0x7a: {  	_ =	shalt  }
0x7b: {  	_ =	shalt  }
0x7c: {  	_ =	shalt  }
0x7d: {  	_ =	shalt  }
0x7e: {  	_ =	shalt  }
0x7f: {  	_ =	shalt  }
0x80: {  	_ =	shalt  }
0x81: {  	_ =	shalt  }
0x82: {  	_ =	shalt  }
0x83: {  	_ =	shalt  }
0x84: {  	_ =	shalt  }
0x85: {  	_ =	shalt  }
0x86: {  	_ =	shalt  }
0x87: {  	_ =	shalt  }
.Lfunc_end0:
.L_simem_size_0:
called_computation.1_lowered:
.L_overlay_start_0:
0x88: {  	s2 =	sld [smem:$0x3FD9]  }
0x89: {  	s3 =	sld [smem:$0x3FFE];
	_ =	sdelay $0x1  }
0x8a: {  	s1 =	srdreg.scid  }
0x8b: {  	s0 =	sand.u32 $0x1, s1  }
0x8c: {  	s16 =	sshll.u32 s0, $0xA;
	s2 =	sadd.s32 s3, s2  }
0x8d: {  	s2 =	sadd.s32 s2, s16  }
0x8e: {  	[smem:$0x3FB5] =	sst s2  }
0x8f: {  	_ = 	snop  }
0x90: {  	(tm) =	ssettm $0x1  }
0x91: {  	s17 =	sld [smem:$0x3FFB];
	_ =	sdelay $0x3  }
0x92: {  	_ =	strace s17  }
0x93: {  	s2 =	sld [smem:$0x3FFC];
	_ =	sdelay $0x3  }
0x94: {  	_ =	strace s2  }
0x95: {  	s2 =	sld [smem:$0x3FFD];
	_ =	sdelay $0x3  }
0x96: {  	_ =	strace s2  }
0x97: {  	_ =	strace $0x8FFFFFFF  }
0x98: {  	s18 =	sld [smem:$0x3FDB];
	_ =	sdelay $0x1  }
0x99: {  	s19 =	simm.s32 $_scs_section_size  }
0x9a: {  	s4 =	simm.s32 $_size__tile_overlayer_lowered;
	s5 =	simm.s32 $_tile_overlayer_lowered  }
0x9b: {  	s22 =	simm.s32 $0x1BFF;
	s21 =	sshll.u32 s5, $0x1;
	s2 =	sadd.s32 s19, s18  }
0x9c: {  	s6 =	simm.s32 $0x0;
	s20 =	sshll.u32 s4, $0x1;
	s4 =	sadd.s32 s21, s2  }
0x9d: {  	[timem:s6], [sflag:s22] =	dma.local [hbm:s4], s20  }
0x9e: {  	_ =	swait.ge [sflag:s22], s20  }
0x9f: {  	s3 =	ssub.s32 $0x0, s20;
	[sflag:s22] =	ssyncset.done $0x0  }
0xa0: {  	[sflag:s22] =	ssyncadd.s32 s3;
	_ =	sdelay $0x1  }
0xa1: {  	s23 =	simm.s32 $0x1B8B  }
0xa2: {  	_ =	swait.ge [sflag:s23], $0x1  }
0xa3: {  	[sflag:s23] =	ssyncset.done $0x0  }
0xa4: {  	s25 =	simm.s32 $0x1B8E;
	s24 =	sld [smem:$0x3FFE];
	[sflag:s23] =	ssyncadd.s32 $0xFFFFFFFF  }
0xa5: {  	s26 =	simm.s32 $execute0_lowered;
	[smem:$0x3FD2] =	sst s25  }
0xa6: {  	s4 =	sshll.u32 s26, $0x1;
	_ =	strace $0x80000049;
	[dreg:$0x1] =	wrdreg $0xFFFFFFFF  }
0xa7: {  	s28 =	simm.s32 $_size_execute0_lowered;
	s2 =	sadd.s32 s2, s4;
	[dreg:$0x0] =	wrdreg $0x0  }
0xa8: {  	s4 =	sshll.u32 s28, $0x1;
	[dreg:$0x2] =	wrdreg s2  }
0xa9: {  	[dreg:$0x3] =	wrdreg s4  }
0xaa: {  	[dreg:$0x4] =	wrdreg $0xC0  }
0xab: {  	_ =	task [dreg:s6], $0x5FFFF  }
0xac: {  	[dreg:$0x1] =	wrdreg $0xFFFFFFFF  }
0xad: {  	[dreg:$0x0] =	wrdreg $0x60  }
0xae: {  	[dreg:$0x2] =	wrdreg s24  }
0xaf: {  	[dreg:$0x3] =	wrdreg $0x0  }
0xb0: {  	[dreg:$0x4] =	wrdreg $0x9  }
0xb1: {  	_ =	task.clear_ibuf [dreg:s6], $0x5FFFF;
	_ =	strace $0x90000049  }
0xb2: {  	s29 =	simm.s32 $0x9;
	_ =	strace $0x8000004B  }
0xb3: {  	_ =	swait.ge [sflag:s29], $0x1  }
0xb4: {  	[sflag:s29] =	ssyncadd.s32 $0xFFFFFFFF  }
0xb5: {  	_ =	strace $0x9000004B  }
0xb6: {  	_ =	sfence  }
0xb7: {  	s30 =	sld [smem:$0x0];
	_ =	sdelay $0x2  }
0xb8: {  	s31 =	sshll.u32 s1, $0xD;
	s1 =	sshrl.u32 s1, $0x2  }
0xb9: {  	s3 =	sand.u32 $0x4000, s31;
	s1 =	sadd.s32 s1, s30  }
0xba: {  	s0 =	sor.u32 s3, s0;
	s1 =	sshll.u32 s1, $0x11  }
0xbb: {  	s0 =	sor.u32 s1, s0  }
0xbc: {  	s0 =	sadd.s32 $0x8F2B, s0  }
0xbd: {  	[sflag:s0] =	ssyncadd.remote.s32 $0x1  }
0xbe: {  	_ =	sfence.sel $0xFFFF  }
0xbf: {  	[dreg:$0x0] =	wrdreg $0xFFFFFFFF;
	(pc) =	sbr.abs _section_cstart, $3  }
0xc0: {  	[dreg:$0x1] =	wrdreg $0xFFFFFFFF  }
0xc1: {  	_ =	task.clear_ibuf [dreg:s6], $0x2FFFF;
	_ =	strace $0x9FFFFFFF  }
0xc2: {  	(tm) =	ssettm $0x7FFFFFFF  }
0xc3: {  	_ =	shalt  }
tec
execute0_lowered:
.L_overlay_start_1:
0x0: {  	(tag) =	ssettag $0x1  }
0x1: {  	s0 =	rddreg [dreg:$0x0];
	s16 =	stileid.u32  }
0x2: {  	s1 =	rddreg [dreg:$0x1];
	s2 =	simm.s32 $0x0;
	s8 =	smul.u32 $0x2800, s16  }
0x3: {  	s3 =	srdreg.scid;
	s30 =	simm.s32 $0x2;
	s10 =	smul.u32 $0x500, s16  }
0x4: {  	s31 =	simm.s32 $0x3;
	s29 =	simm.s32 $0x1;
	s24 =	smul.u32 $0x19000, s16  }
0x5: {  	[smem:$0x7FF] =	sst s2;
	s4 =	sadd.s32 $0x17800, s0;
	s26 =	smul.u32 $0xC80, s16  }
0x6: {  	s3 =	sand.u32 $0x1, s3;
	s28 =	sor.u32 $0x10, s16;
	s19 =	smul.u32 $0x6400, s16  }
0x7: {  	s7 =	ssub.s32 $0x2, s3;
	p0 =	seq.s32 s3, $0x1;
	s3 =	smul.u32 $0x138800, s3  }
0x8: {  	s5 =	sadd.s32 $0x3800, s0;
	s20 =	sor.u32 $0x20, s16;
	s13 =	smul.u32 $0x6400, s28  }
0x9: {  	s6 =	sadd.s32 $0xD800, s0;
	s14 =	sor.u32 $0x30, s16;
	s15 =	smul.u32 $0x6400, s20  }
0xa: {  	s0 =	sadd.s32 $0x3EA00, s0;
	_ =	strace $0x8000004A;
	s21 =	smul.u32 $0x6400, s14  }
0xb: {  	p1 =	sgt.u32 s14, $0x31;
	s9 =	sshrl.u32 s7, $0x1;
	s8 =	sshrl.u32 s8, $0x3  }
0xc: {  	s17 =	sadd.s32 s5, s10;
	s18 =	sadd.s32 s6, s10;
	s9 =	ssub.s32 s7, s9  }
0xd: {  	s7 =	sadd.s32 $0x5000, s10;
	s11 =	sadd.s32 $0x5100, s8;
	[dreg:$0x6] =	wrdreg s18  }
0xe: {  	s8 =	sadd.s32 $0x100, s8;
	s10 =	sadd.s32 s4, s26;
	[dreg:$0x5] =	wrdreg s17  }
0xf: {  	s22 =	sadd.s32 s3, s19;
	s12 =	sadd.s32 s5, s11;
	[dreg:$0xb] =	wrdreg s10  }
0x10: {  	s23 =	sadd.s32 s3, s13;
	s11 =	sadd.s32 s6, s11;
	[dreg:$0x3] =	wrdreg s12  }
0x11: {  	s19 =	smul.u32 $0xC80, s14;
	s25 =	sadd.s32 s5, s8;
	[dreg:$0x4] =	wrdreg s11  }
0x12: {  	s8 =	sadd.s32 s6, s8;
	s9 =	smax.u32 s9, $0x1;
	[dreg:$0x7] =	wrdreg s25  }
0x13: {  	s26 =	sshrl.u32 s23, $0x3;
	[dreg:$0x8] =	wrdreg s8;
	s25 =	smul.u32 $0x19000, s28  }
0x14: {  	s10 =	simm.s32 $0x19C80;
	[dreg:$0x9] =	wrdreg s9;
	s8 =	smul.u32 $0xC80, s28  }
0x15: {  	s11 =	sshrl.u32 s24, $0x2;
	s24 =	sadd.s32 s3, s15;
	s12 =	smul.u32 $0x19000, s20  }
0x16: {  	s3 =	sadd.s32 s3, s21;
	s9 =	smul.u32 $0xC80, s20;
	s23 =	sadd.s32 s4, s19  }
0x17: {  	s15 =	sshll.u32 s16, $0x6;
	s11 =	sadd.s32 s11, s1;
	[dreg:$0x15] =	wrdreg s23  }
0x18: {  	s28 =	sshrl.u32 s24, $0x3;
	s24 =	sadd.s32 s5, s7;
	[dreg:$0xa] =	wrdreg s11  }
0x19: {  	s16 =	smul.u32 $0x19000, s14;
	s8 =	sadd.s32 s4, s8;
	[dreg:$0x16] =	wrdreg s24  }
0x1a: {  	s11 =	sshrl.u32 s22, $0x3;
	s22 =	sadd.s32 s4, s9;
	[dreg:$0x11] =	wrdreg s8  }
0x1b: {  	s13 =	sshrl.u32 s25, $0x2;
	s25 =	sadd.s32 s6, s7;
	[dreg:$0x13] =	wrdreg s22  }
0x1c: {  	s14 =	simm.s32 $0x0;
	s11 =	sadd.s32 s0, s11;
	[dreg:$0x17] =	wrdreg s25  }
0x1d: {  	s3 =	sshrl.u32 s3, $0x3;
	[dreg:$0xc] =	wrdreg s11;
	s11 =	sadd.s32 s0, s26  }
0x1e: {  	s21 =	sor.u32 $0x1C06, s15;
	s26 =	sadd.s32 $0x120, s18;
	[dreg:$0xd] =	wrdreg s11  }
0x1f: {  	s20 =	sshrl.u32 s16, $0x2;
	s11 =	sadd.s32 s0, s28;
	[dreg:$0x18] =	wrdreg s26  }
0x20: {  	s0 =	sadd.s32 s0, s3;
	s3 =	sadd.s32 s13, s1;
	[dreg:$0xe] =	wrdreg s11  }
.Ltmp0:
0x21: {  	s28 =	sadd.s32 $0x120, s17;
	[dreg:$0xf] =	wrdreg s0;
	(pc) =	sbr.rel .LBB2_1-.Ltmp0, $4  }
0x22: {  	s13 =	simm.s32 $0x15C80;
	[dreg:$0x10] =	wrdreg s3;
	s0 =	sshrl.u32 s12, $0x2  }
0x23: {  	[dreg:$0x19] =	wrdreg s28;
	s3 =	simm.s32 $0x6;
	s0 =	sadd.s32 s0, s1  }
0x24: {  	s12 =	simm.s32 $0x5;
	[dreg:$0x12] =	wrdreg s0;
	s0 =	sadd.s32 s20, s1  }
0x25: {  	s11 =	simm.s32 $0x80;
	[dreg:$0x14] =	wrdreg s0;
	s0 =	simm.s32 $0x4  }
.LBB2_14:
0x26: {  	_ =	swait.ge [sflag:s0], $0x4000  }
0x27: {  	[sflag:s0] =	ssyncset.done $0x0  }
0x28: {  	[sflag:s0] =	ssyncadd.s32 $0xFFFFC000  }
.LBB2_15:
0x29: {  	[bflag:$0x0] =	sbarrier.arrive $0xFFFF  }
0x2a: {  	s8 =	rddreg [dreg:$0xc]  }
0x2b: {  	[hbm:s8], [sflag:s21] =	dma.local [spmem:s15], $0xC80  }
0x2c: {  	_ =	swait.ge [sflag:s3], $0xC80  }
0x2d: {  	[sflag:s3] =	ssyncset.done $0x0  }
0x2e: {  	s26 =	rddreg [dreg:$0xd];
	[sflag:s3] =	ssyncadd.s32 $0xFFFFF380  }
0x2f: {  	[hbm:s26], [sflag:s21] =	dma.local [spmem:s16], $0xC80  }
0x30: {  	_ =	swait.ge [sflag:s3], $0xC80  }
0x31: {  	[sflag:s3] =	ssyncset.done $0x0  }
0x32: {  	s28 =	rddreg [dreg:$0xe];
	[sflag:s3] =	ssyncadd.s32 $0xFFFFF380  }
0x33: {  	[hbm:s28], [sflag:s21] =	dma.local [spmem:s17], $0xC80  }
0x34: {  	_ =	swait.ge [sflag:s3], $0xC80  }
0x35: {  	[sflag:s3] =	ssyncset.done $0x0  }
0x36: {  	s8 =	rddreg [dreg:$0xf];
	[sflag:s3] =	ssyncadd.s32 $0xFFFFF380  }
0x37: {  	[hbm:s8], [sflag:s21] =	dma.local @!p1 [spmem:s18], $0xC80  }
0x38: {  	s8 =	simm.s32 @!p1 $0x6  }
0x39: {  	_ =	swait.ge @!p1 [sflag:s8], $0xC80  }
0x3a: {  	s14 =	sadd.s32 $0x1, s14;
	s9 =	rddreg [dreg:$0x9]  }
0x3b: {  	p2 =	sne.s32 s14, s9  }
.Ltmp1:
0x3c: {  	_ = 	snop;
	(pc) =	sbr.rel @!p2 .LBB2_16-.Ltmp1, $3  }
0x3d: {  	_ =	sdelay $0x1  }
0x3e: {  	[sflag:s8] =	ssyncset.done @!p1 $0x0  }
0x3f: {  	[sflag:s8] =	ssyncadd.s32 @!p1 $0xFFFFF380  }
.LBB2_1:
0x40: {  	s8 =	rddreg [dreg:$0xa]  }
0x41: {  	s23 =	rddreg [dreg:$0xb];
	s15 =	sshrl.u32 s8, $0x3  }
0x42: {  	[spmem:s15], [sflag:s21] =	dma.local [hbm:s23], $0xC80  }
0x43: {  	_ =	swait.ge [sflag:s3], $0xC80  }
0x44: {  	[sflag:s3] =	ssyncset.done $0x0;
	s24 =	rddreg [dreg:$0x10]  }
0x45: {  	s25 =	rddreg [dreg:$0x11];
	[sflag:s3] =	ssyncadd.s32 $0xFFFFF380;
	s16 =	sshrl.u32 s24, $0x3  }
0x46: {  	[spmem:s16], [sflag:s21] =	dma.local [hbm:s25], $0xC80  }
0x47: {  	_ =	swait.ge [sflag:s3], $0xC80  }
0x48: {  	[sflag:s3] =	ssyncset.done $0x0;
	s26 =	rddreg [dreg:$0x12]  }
0x49: {  	s28 =	rddreg [dreg:$0x13];
	[sflag:s3] =	ssyncadd.s32 $0xFFFFF380;
	s17 =	sshrl.u32 s26, $0x3  }
0x4a: {  	[spmem:s17], [sflag:s21] =	dma.local [hbm:s28], $0xC80  }
0x4b: {  	_ =	swait.ge [sflag:s3], $0xC80  }
0x4c: {  	s19 =	simm.s32 @!p1 $0x6;
	[sflag:s3] =	ssyncset.done $0x0;
	s8 =	rddreg [dreg:$0x14]  }
0x4d: {  	[sflag:s3] =	ssyncadd.s32 $0xFFFFF380;
	s18 =	sshrl.u32 @!p1 s8, $0x3;
	s8 =	rddreg [dreg:$0x15]  }
0x4e: {  	[spmem:s18], [sflag:s21] =	dma.local @!p1 [hbm:s8], $0xC80  }
.Ltmp2:
0x4f: {  	_ =	swait.ge @!p1 [sflag:s19], $0xC80;
	(pc) =	sbr.rel @!p0 .LBB2_2-.Ltmp2, $3  }
0x50: {  	[sflag:s19] =	ssyncset.done @!p1 $0x0  }
0x51: {  	[sflag:s19] =	ssyncadd.s32 @!p1 $0xFFFFF380  }
0x52: {  	[bflag:$0x0] =	sbarrier.arrive $0xFFFF;
	_ =	sdelay $0x1  }
0x53: {  	s8 =	rddreg [dreg:$0x5];
	s9 =	simm.s32 $0x13C80  }
0x54: {  	[tilespmem:s9], [sflag:$0x5] =	stream.linear.gather [hbm4b:s8+s2], $0x800, $0x38;
	[tilespmem:$0x1DC80] =	vst v63  }
0x55: {  	s19 =	rddreg [dreg:$0x6];
	s20 =	simm.s32 $0x14C80  }
0x56: {  	[tilespmem:s20], [sflag:$0x5] =	stream.linear.gather [hbm4b:s19+s2], $0x800, $0x38;
	[tilespmem:$0x1DC80] =	vst v63  }
0x57: {  	_ =	swait.ge [sflag:s12], $0x800  }
0x58: {  	[sflag:s12] =	ssyncset.done $0x0  }
0x59: {  	[sflag:s12] =	ssyncadd.s32 $0xFFFFF800  }
0x5a: {  	_ =	swait.ge [sflag:s12], $0x800  }
0x5b: {  	[sflag:s12] =	ssyncset.done $0x0  }
0x5c: {  	s19 =	simm.s32 $0x14480;
	s22 =	rddreg [dreg:$0x7];
	[sflag:s12] =	ssyncadd.s32 $0xFFFFF800  }
0x5d: {  	[tilespmem:s19], [sflag:$0x5] =	stream.linear.gather [hbm4b:s22+s2], $0x800, $0x38;
	[tilespmem:$0x1DC80] =	vst v63  }
0x5e: {  	s24 =	simm.s32 $0x15480;
	s23 =	rddreg [dreg:$0x8]  }
0x5f: {  	[tilespmem:s24], [sflag:$0x5] =	stream.linear.gather [hbm4b:s23+s2], $0x800, $0x38;
	[tilespmem:$0x1DC80] =	vst v63  }
0x60: {  	s19 =	simm.s32 $0x1  }
0x61: {  	[tilespmem:s13], [sflag:$0x1] =	stream.indirect.gather [hbm4b:s4+s11], $0x80, s9, s11, $0xb8;
	[tilespmem:$0x1DC80] =	vst v63  }
0x62: {  	_ =	swait.ge [sflag:s19], $0x4000  }
0x63: {  	[sflag:s19] =	ssyncset.done $0x0  }
0x64: {  	[sflag:s19] =	ssyncadd.s32 $0xFFFFC000  }
0x65: {  	[spmem:s1] =	stream.indirect.scatter.add.f32 [tilespmem:s13], [sflag:$0x3], $0x80, s20, s11, $0xb8;
	[tilespmem:$0x1DC80] =	vst v63  }
0x66: {  	s25 =	simm.s32 $0x13D00  }
0x67: {  	[tilespmem:s10], [sflag:$0x2] =	stream.indirect.gather [hbm4b:s4+s11], $0x80, s25, s11, $0xb8;
	[tilespmem:$0x1DC80] =	vst v63  }
0x68: {  	_ =	swait.ge [sflag:s30], $0x4000  }
0x69: {  	[sflag:s30] =	ssyncset.done $0x0  }
0x6a: {  	s26 =	simm.s32 $0x14D00;
	[sflag:s30] =	ssyncadd.s32 $0xFFFFC000  }
0x6b: {  	[spmem:s1] =	stream.indirect.scatter.add.f32 [tilespmem:s10], [sflag:$0x4], $0x80, s26, s11, $0xb8;
	[tilespmem:$0x1DC80] =	vst v63  }
.Ltmp3:
0x6c: {  	_ = 	snop;
	(pc) =	sbr.rel .LBB2_9-.Ltmp3, $4  }
0x6d: {  	_ =	swait.ge [sflag:s31], $0x4000  }
0x6e: {  	s28 =	simm.s32 $0x13D80;
	[sflag:s31] =	ssyncset.done $0x0;
	s22 =	rddreg [dreg:$0x19]  }
0x6f: {  	s20 =	simm.s32 $0x900;
	s23 =	rddreg [dreg:$0x18];
	[sflag:s31] =	ssyncadd.s32 $0xFFFFC000  }
0x70: {  	[tilespmem:s13], [sflag:$0x1] =	stream.indirect.gather [hbm4b:s4+s11], $0x80, s28, s11, $0xb8;
	[tilespmem:$0x1DC80] =	vst v63  }
.LBB2_12:
0x71: {  	s8 =	sadd.s32 s25, s24  }
0x72: {  	s24 =	sadd.s32 $0x13D80, s8  }
.LBB2_13:
0x73: {  	s20 =	sadd.s32 $0x100, s20  }
0x74: {  	p2 =	seq.s32 s20, $0x3000  }
.Ltmp4:
0x75: {  	_ = 	snop;
	(pc) =	sbr.rel @p2 .LBB2_15-.Ltmp4, $3  }
0x76: {  	_ =	sdelay $0x1  }
0x77: {  	[tilespmem:s13], [sflag:$0x1] =	stream.indirect.gather [hbm4b:s4+s11], $0x80, s24, s11, $0xb8;
	[tilespmem:$0x1DC80] =	vst v63  }
0x78: {  	s19 =	sadd.s32 $0x1, s19;
	s23 =	sadd.s32 $0x20, s23;
	s22 =	sadd.s32 $0x20, s22  }
.LBB2_9:
0x79: {  	s8 =	sand.u32 $0x7, s19  }
0x7a: {  	s24 =	sadd.s32 $0xFFFFF800, s20;
	s25 =	sshll.u32 s8, $0xA  }
0x7b: {  	_ =	swait.ge [sflag:s29], $0x4000;
	s24 =	sand.u32 $0x800, s24;
	s25 =	sshrl.u32 s25, $0x2  }
0x7c: {  	[sflag:s29] =	ssyncset.done $0x0;
	s26 =	sor.u32 s25, s24  }
0x7d: {  	s9 =	sand.u32 $0x27, s19;
	[sflag:s29] =	ssyncadd.s32 $0xFFFFC000;
	s26 =	sadd.s32 $0x14C80, s26  }
0x7e: {  	[spmem:s1] =	stream.indirect.scatter.add.f32 [tilespmem:s13], [sflag:$0x3], $0x80, s26, s11, $0xb8;
	[tilespmem:$0x1DC80] =	vst v63  }
0x7f: {  	p2 =	sne.s32 s9, $0x0;
	_ =	swait.ge [sflag:s0], $0x4000  }
0x80: {  	s26 =	sand.u32 @!p2 $0x800, s20;
	[sflag:s0] =	ssyncset.done $0x0  }
0x81: {  	s9 =	simm.s32 @!p2 $0x0;
	s28 =	sadd.s32 @!p2 $0x13C80, s26;
	[sflag:s0] =	ssyncadd.s32 $0xFFFFC000  }
0x82: {  	[tilespmem:s28], [sflag:$0x5] =	stream.linear.gather @!p2 [hbm4b:s22+s9], $0x800, $0x38;
	[tilespmem:$0x1DC80] =	vst v63  }
0x83: {  	s26 =	sadd.s32 @!p2 $0x14C80, s26  }
0x84: {  	[tilespmem:s26], [sflag:$0x5] =	stream.linear.gather @!p2 [hbm4b:s23+s9], $0x800, $0x38;
	[tilespmem:$0x1DC80] =	vst v63  }
0x85: {  	s26 =	sshll.u32 s8, $0x8  }
0x86: {  	s9 =	sor.u32 s24, s26  }
0x87: {  	s9 =	sor.u32 $0x80, s9  }
0x88: {  	s28 =	sadd.s32 $0x13C80, s9  }
0x89: {  	[tilespmem:s10], [sflag:$0x2] =	stream.indirect.gather [hbm4b:s4+s11], $0x80, s28, s11, $0xb8;
	[tilespmem:$0x1DC80] =	vst v63  }
0x8a: {  	_ =	swait.ge [sflag:s30], $0x4000  }
0x8b: {  	p2 =	sne.s32 s8, $0x7;
	[sflag:s30] =	ssyncset.done $0x0  }
.Ltmp5:
0x8c: {  	s9 =	sadd.s32 $0x14C80, s9;
	[sflag:s30] =	ssyncadd.s32 $0xFFFFC000;
	(pc) =	sbr.rel @p2 .LBB2_12-.Ltmp5, $4  }
0x8d: {  	[spmem:s1] =	stream.indirect.scatter.add.f32 [tilespmem:s10], [sflag:$0x4], $0x80, s9, s11, $0xb8;
	[tilespmem:$0x1DC80] =	vst v63  }
0x8e: {  	_ =	swait.ge [sflag:s31], $0x4000  }
0x8f: {  	[sflag:s31] =	ssyncset.done $0x0  }
0x90: {  	[sflag:s31] =	ssyncadd.s32 $0xFFFFC000  }
0x91: {  	p2 =	seq.s32 s20, $0x2F00  }
.Ltmp6:
0x92: {  	_ = 	snop;
	(pc) =	sbr.rel @p2 .LBB2_14-.Ltmp6, $1  }
0x93: {  	_ =	sdelay $0x3  }
0x94: {  	_ =	swait.ge [sflag:s12], $0x800  }
.Ltmp7:
0x95: {  	[sflag:s12] =	ssyncset.done $0x0;
	(pc) =	sbr.rel .LBB2_13-.Ltmp7, $4  }
0x96: {  	[sflag:s12] =	ssyncadd.s32 $0xFFFFF800  }
0x97: {  	_ =	swait.ge [sflag:s12], $0x800  }
0x98: {  	s8 =	sxor.u32 $0x800, s24;
	[sflag:s12] =	ssyncset.done $0x0  }
0x99: {  	s24 =	sadd.s32 $0x13C80, s8;
	[sflag:s12] =	ssyncadd.s32 $0xFFFFF800  }
.LBB2_2:
0x9a: {  	s8 =	rddreg [dreg:$0x16];
	s9 =	simm.s32 $0x13C80  }
0x9b: {  	[tilespmem:s9], [sflag:$0x5] =	stream.linear.gather [hbm4b:s8+s2], $0x800, $0x38;
	[tilespmem:$0x1DC80] =	vst v63  }
0x9c: {  	s20 =	rddreg [dreg:$0x17];
	s19 =	simm.s32 $0x14C80  }
0x9d: {  	[tilespmem:s19], [sflag:$0x5] =	stream.linear.gather [hbm4b:s20+s2], $0x800, $0x38;
	[tilespmem:$0x1DC80] =	vst v63  }
0x9e: {  	_ =	swait.ge [sflag:s12], $0x800  }
0x9f: {  	[sflag:s12] =	ssyncset.done $0x0  }
0xa0: {  	[sflag:s12] =	ssyncadd.s32 $0xFFFFF800  }
0xa1: {  	_ =	swait.ge [sflag:s12], $0x800  }
0xa2: {  	[sflag:s12] =	ssyncset.done $0x0  }
0xa3: {  	s20 =	simm.s32 $0x14480;
	s22 =	rddreg [dreg:$0x3];
	[sflag:s12] =	ssyncadd.s32 $0xFFFFF800  }
0xa4: {  	[tilespmem:s20], [sflag:$0x5] =	stream.linear.gather [hbm4b:s22+s2], $0x800, $0x38;
	[tilespmem:$0x1DC80] =	vst v63  }
0xa5: {  	s24 =	simm.s32 $0x15480;
	s23 =	rddreg [dreg:$0x4]  }
0xa6: {  	[tilespmem:s24], [sflag:$0x5] =	stream.linear.gather [hbm4b:s23+s2], $0x800, $0x38;
	[tilespmem:$0x1DC80] =	vst v63  }
0xa7: {  	_ = 	snop  }
0xa8: {  	[tilespmem:s13], [sflag:$0x1] =	stream.indirect.gather [hbm4b:s4+s11], $0x80, s9, s11, $0xb8;
	[tilespmem:$0x1DC80] =	vst v63  }
0xa9: {  	_ =	swait.ge [sflag:s29], $0x4000  }
0xaa: {  	[sflag:s29] =	ssyncset.done $0x0  }
0xab: {  	[sflag:s29] =	ssyncadd.s32 $0xFFFFC000  }
0xac: {  	[spmem:s1] =	stream.indirect.scatter.add.f32 [tilespmem:s13], [sflag:$0x3], $0x80, s19, s11, $0xb8;
	[tilespmem:$0x1DC80] =	vst v63  }
0xad: {  	s25 =	simm.s32 $0x13D00  }
0xae: {  	[tilespmem:s10], [sflag:$0x2] =	stream.indirect.gather [hbm4b:s4+s11], $0x80, s25, s11, $0xb8;
	[tilespmem:$0x1DC80] =	vst v63  }
0xaf: {  	_ =	swait.ge [sflag:s30], $0x4000  }
0xb0: {  	[sflag:s30] =	ssyncset.done $0x0  }
0xb1: {  	s26 =	simm.s32 $0x14D00;
	[sflag:s30] =	ssyncadd.s32 $0xFFFFC000  }
0xb2: {  	[spmem:s1] =	stream.indirect.scatter.add.f32 [tilespmem:s10], [sflag:$0x4], $0x80, s26, s11, $0xb8;
	[tilespmem:$0x1DC80] =	vst v63  }
.Ltmp8:
0xb3: {  	_ = 	snop;
	(pc) =	sbr.rel .LBB2_3-.Ltmp8, $4  }
0xb4: {  	_ =	swait.ge [sflag:s31], $0x4000  }
0xb5: {  	[sflag:s31] =	ssyncset.done $0x0  }
0xb6: {  	s28 =	simm.s32 $0x13D80;
	s19 =	simm.s32 $0xFFFFFFD9;
	[sflag:s31] =	ssyncadd.s32 $0xFFFFC000  }
0xb7: {  	[tilespmem:s13], [sflag:$0x1] =	stream.indirect.gather [hbm4b:s4+s11], $0x80, s28, s11, $0xb8;
	[tilespmem:$0x1DC80] =	vst v63  }
.LBB2_6:
0xb8: {  	s8 =	sadd.s32 s22, s20  }
0xb9: {  	s20 =	sadd.s32 $0x13D80, s8  }
.LBB2_7:
0xba: {  	s19 =	sadd.s32 $0x1, s19  }
0xbb: {  	p2 =	seq.s32 s19, $0x0  }
.Ltmp9:
0xbc: {  	_ = 	snop;
	(pc) =	sbr.rel @p2 .LBB2_15-.Ltmp9, $2  }
0xbd: {  	_ =	sdelay $0x2  }
0xbe: {  	[tilespmem:s13], [sflag:$0x1] =	stream.indirect.gather [hbm4b:s4+s11], $0x80, s20, s11, $0xb8;
	[tilespmem:$0x1DC80] =	vst v63  }
.LBB2_3:
0xbf: {  	s23 =	sadd.s32 $0x28, s19  }
0xc0: {  	_ =	swait.ge [sflag:s29], $0x4000;
	s24 =	sand.u32 $0x7, s23;
	s20 =	sshll.u32 s23, $0x8  }
0xc1: {  	[sflag:s29] =	ssyncset.done $0x0;
	s9 =	sand.u32 $0x27, s23;
	s22 =	sshll.u32 s24, $0xA  }
0xc2: {  	s23 =	sshrl.u32 s23, $0x3;
	s20 =	sand.u32 $0x800, s20;
	s22 =	sshrl.u32 s22, $0x2  }
0xc3: {  	[sflag:s29] =	ssyncadd.s32 $0xFFFFC000;
	p2 =	sne.s32 s9, $0x0;
	s25 =	sor.u32 s22, s20  }
0xc4: {  	s23 =	sadd.s32 @!p2 $0x1, s23;
	s8 =	simm.s32 @!p2 $0x0;
	s25 =	sadd.s32 $0x14C80, s25  }
0xc5: {  	[spmem:s1] =	stream.indirect.scatter.add.f32 [tilespmem:s13], [sflag:$0x3], $0x80, s25, s11, $0xb8;
	[tilespmem:$0x1DC80] =	vst v63  }
0xc6: {  	s25 =	sshll.u32 @!p2 s23, $0x8;
	s23 =	sshll.u32 @!p2 s23, $0xB;
	_ =	swait.ge [sflag:s0], $0x4000  }
0xc7: {  	s25 =	sadd.s32 @!p2 s7, s25;
	s23 =	sand.u32 @!p2 $0x800, s23;
	[sflag:s0] =	ssyncset.done $0x0  }
0xc8: {  	s26 =	sadd.s32 @!p2 $0x13C80, s23;
	s28 =	sadd.s32 @!p2 s5, s25;
	[sflag:s0] =	ssyncadd.s32 $0xFFFFC000  }
0xc9: {  	[tilespmem:s26], [sflag:$0x5] =	stream.linear.gather @!p2 [hbm4b:s28+s8], $0x800, $0x38;
	[tilespmem:$0x1DC80] =	vst v63  }
0xca: {  	s23 =	sadd.s32 @!p2 $0x14C80, s23;
	s25 =	sadd.s32 @!p2 s6, s25;
	s26 =	sshll.u32 s24, $0x8  }
0xcb: {  	[tilespmem:s23], [sflag:$0x5] =	stream.linear.gather @!p2 [hbm4b:s25+s8], $0x800, $0x38;
	[tilespmem:$0x1DC80] =	vst v63  }
0xcc: {  	s8 =	sor.u32 s20, s26  }
0xcd: {  	s8 =	sor.u32 $0x80, s8  }
0xce: {  	s28 =	sadd.s32 $0x13C80, s8  }
0xcf: {  	[tilespmem:s10], [sflag:$0x2] =	stream.indirect.gather [hbm4b:s4+s11], $0x80, s28, s11, $0xb8;
	[tilespmem:$0x1DC80] =	vst v63  }
0xd0: {  	_ =	swait.ge [sflag:s30], $0x4000  }
0xd1: {  	p2 =	sne.s32 s24, $0x7;
	[sflag:s30] =	ssyncset.done $0x0  }
.Ltmp10:
0xd2: {  	s8 =	sadd.s32 $0x14C80, s8;
	[sflag:s30] =	ssyncadd.s32 $0xFFFFC000;
	(pc) =	sbr.rel @p2 .LBB2_6-.Ltmp10, $4  }
0xd3: {  	[spmem:s1] =	stream.indirect.scatter.add.f32 [tilespmem:s10], [sflag:$0x4], $0x80, s8, s11, $0xb8;
	[tilespmem:$0x1DC80] =	vst v63  }
0xd4: {  	_ =	swait.ge [sflag:s31], $0x4000  }
0xd5: {  	[sflag:s31] =	ssyncset.done $0x0  }
0xd6: {  	[sflag:s31] =	ssyncadd.s32 $0xFFFFC000  }
0xd7: {  	p2 =	seq.s32 s19, $0xFFFFFFFF  }
.Ltmp11:
0xd8: {  	_ = 	snop;
	(pc) =	sbr.rel @p2 .LBB2_14-.Ltmp11, $1  }
0xd9: {  	_ =	sdelay $0x3  }
0xda: {  	_ =	swait.ge [sflag:s12], $0x800  }
.Ltmp12:
0xdb: {  	[sflag:s12] =	ssyncset.done $0x0;
	(pc) =	sbr.rel .LBB2_7-.Ltmp12, $4  }
0xdc: {  	[sflag:s12] =	ssyncadd.s32 $0xFFFFF800  }
0xdd: {  	_ =	swait.ge [sflag:s12], $0x800  }
0xde: {  	s8 =	sxor.u32 $0x800, s20;
	[sflag:s12] =	ssyncset.done $0x0  }
0xdf: {  	s20 =	sadd.s32 $0x13C80, s8;
	[sflag:s12] =	ssyncadd.s32 $0xFFFFF800  }
.LBB2_16:
0xe0: {  	_ =	sfence.sel $0x180000  }
0xe1: {  	[bflag:$0x0] =	sbarrier.arrive $0xFFFF  }
0xe2: {  	_ =	strace $0x9000004A  }
0xe3: {  	s0 =	stileid.u32;
	[bflag:$0x2] =	sbarrier.arrive $0xFFFF  }
0xe4: {  	p0 =	sne.s32 s0, $0x0;
	s0 =	rddreg [dreg:$0x2]  }
0xe5: {  	s0 =	sadd.s32 @!p0 $0x100000, s0  }
0xe6: {  	[sflag:s0] =	ssyncadd.tile.s32 @!p0 $0x1;
	_ =	shalt  }
.Lfunc_end2:
_tile_overlayer_lowered:
.L_overlay_start_2:
0xe7: {  	(tag) =	ssettag $0x2  }
0xe8: {  	s0 =	rddreg [dreg:$0x0];
	s2 =	stileid.u32  }
0xe9: {  	s1 =	rddreg [dreg:$0x1];
	p0 =	sne.s32 s2, $0x0  }
0xea: {  	s3 =	rddreg [dreg:$0x2];
	[bflag:$0x3] =	sbarrier.arrive $0xFFFF;
	s2 =	simm.s32 @!p0 $0x1C06  }
0xeb: {  	[timem:s3], [sflag:s2] =	dma.local @!p0 [hbm:s0], s1  }
0xec: {  	s0 =	simm.s32 @!p0 $0x6  }
0xed: {  	_ =	swait.ge @!p0 [sflag:s0], s1  }
0xee: {  	s1 =	ssub.s32 @!p0 $0x0, s1;
	[sflag:s0] =	ssyncset.done @!p0 $0x0  }
0xef: {  	[sflag:s0] =	ssyncadd.s32 @!p0 s1  }
0xf0: {  	[bflag:$0x3] =	sbarrier.arrive $0xFFFF  }
0xf1: {  	_ =	shalt  }

</sc_bundles>
